<compile_context>
chip_gen: v7x
topology: tpu7x:2x2x1
jax: 0.10.2.dev20260603
libtpu: 0.0.44.dev20260713+nightly
codegen_flags: <defaults>
</compile_context>

<pallas_src>
import functools

import jax
import jax.numpy as jnp
from jax import lax
from jax.experimental import pallas as pl
from jax.experimental.pallas import tpu as pltpu
from jax.experimental.pallas import tpu_sc as plsc

_NB = 53
_BATCH = 16384
_N = _NB ** 4
_FACT = (_NB ** 3, _NB ** 2, _NB, 1)

_BLK = 4096
_GRID = 15
_ROWS = (_GRID + 1) * _BLK

_NW = 32
_BPW = _BATCH // _NW
_GROUPS = _BPW // 16


def _shifted(v, t, out_rows):
    dr, dl = divmod(t, 128)
    if dl == 0:
        return v[dr:dr + out_rows]
    w = pltpu.roll(v, 128 - dl, 1)
    a = w[dr:dr + out_rows]
    b = w[dr + 1:dr + 1 + out_rows]
    lanes = lax.broadcasted_iota(jnp.int32, (out_rows, 128), 1)
    return jnp.where(lanes < 128 - dl, a, b)


def _box4(v, s, out_rows):
    mid = out_rows + (2 * s) // 128 + 1
    x = v[0:mid] + _shifted(v, s, mid)
    return x[0:out_rows] + _shifted(x, 2 * s, out_rows)


def _fused_box(a_ref, b_ref, o_ref):
    u = jnp.concatenate([a_ref[...], b_ref[...]], axis=0)
    l1 = _BLK + (3 * _FACT[1]) // 128 + 3 + 5
    l2 = _BLK + (3 * _FACT[2]) // 128 + 3 + 2
    l3 = _BLK + 3
    x = _box4(u, _FACT[0], l1)
    x = _box4(x, _FACT[1], l2)
    x = _box4(x, _FACT[2], l3)
    o_ref[...] = _box4(x, 1, _BLK)


def _build_table(b_m):
    bp = jnp.pad(b_m, (0, _ROWS * 128 - _N)).reshape(_ROWS, 128)
    t = pl.pallas_call(
        _fused_box,
        grid=(_GRID,),
        in_specs=[
            pl.BlockSpec((_BLK, 128), lambda i: (i, 0)),
            pl.BlockSpec((_BLK, 128), lambda i: (i + 1, 0)),
        ],
        out_specs=pl.BlockSpec((_BLK, 128), lambda i: (i, 0)),
        out_shape=jax.ShapeDtypeStruct((_ROWS, 128), jnp.float32),
    )(bp, bp)
    return t.reshape(_ROWS * 128)


def _sc_hash(x_flat, dw, mn):
    mesh = plsc.VectorSubcoreMesh(core_axis_name="c", subcore_axis_name="s")

    @functools.partial(
        pl.kernel,
        mesh=mesh,
        out_type=jax.ShapeDtypeStruct((_BATCH,), jnp.int32),
        scratch_types=[
            pltpu.VMEM((_BPW * 4,), jnp.float32),
            pltpu.VMEM((16,), jnp.float32),
            pltpu.VMEM((16,), jnp.float32),
            pltpu.VMEM((_BPW,), jnp.int32),
            pltpu.SemaphoreType.DMA,
        ],
    )
    def body(x_hbm, dw_hbm, mn_hbm, out_hbm, xbuf, dwv, mnv, ibuf, sem):
        wid = lax.axis_index("s") * 2 + lax.axis_index("c")
        base = wid * _BPW
        incopies = [pltpu.async_copy(x_hbm.at[pl.ds(d * _BATCH + base, _BPW)],
                                     xbuf.at[pl.ds(d * _BPW, _BPW)], sem)
                    for d in range(4)]
        incopies.append(pltpu.async_copy(dw_hbm, dwv.at[pl.ds(0, 4)], sem))
        incopies.append(pltpu.async_copy(mn_hbm, mnv.at[pl.ds(0, 4)], sem))
        for c in incopies:
            c.wait()
        dwvec = dwv[...]
        mnvec = mnv[...]
        for g in range(_GROUPS):
            f = jnp.zeros((16,), jnp.int32)
            for d in range(4):
                xv = xbuf[pl.ds(d * _BPW + g * 16, 16)]
                a = ((xv - mnvec[d]) / dwvec[d]).astype(jnp.int32)
                f = f + a * _FACT[d]
            ibuf[pl.ds(g * 16, 16)] = f
        pltpu.sync_copy(ibuf, out_hbm.at[pl.ds(base, _BPW)])

    return body(x_flat, dw, mn)


def _sc_gather(idx, table):
    mesh = plsc.VectorSubcoreMesh(core_axis_name="c", subcore_axis_name="s")

    @functools.partial(
        pl.kernel,
        mesh=mesh,
        out_type=jax.ShapeDtypeStruct((_BATCH,), jnp.float32),
        scratch_types=[
            pltpu.VMEM((_BPW,), jnp.int32),
            pltpu.VMEM((_BPW,), jnp.float32),
            pltpu.SemaphoreType.DMA,
        ],
    )
    def body(idx_hbm, t_hbm, out_hbm, ibuf, ybuf, sem):
        wid = lax.axis_index("s") * 2 + lax.axis_index("c")
        base = wid * _BPW
        pltpu.sync_copy(idx_hbm.at[pl.ds(base, _BPW)], ibuf)
        copies = [pltpu.async_copy(t_hbm.at[ibuf.at[pl.ds(j * 128, 128)]],
                                   ybuf.at[pl.ds(j * 128, 128)], sem)
                  for j in range(4)]
        for c in copies:
            c.wait()
        pltpu.sync_copy(ybuf, out_hbm.at[pl.ds(base, _BPW)])

    return body(idx, table)


def _sc_lookup(x_flat, table, dw, mn):
    mesh = plsc.VectorSubcoreMesh(core_axis_name="c", subcore_axis_name="s")

    @functools.partial(
        pl.kernel,
        mesh=mesh,
        out_type=jax.ShapeDtypeStruct((_BATCH,), jnp.float32),
        scratch_types=[
            pltpu.VMEM((_BPW * 4,), jnp.float32),
            pltpu.VMEM((16,), jnp.float32),
            pltpu.VMEM((16,), jnp.float32),
            pltpu.VMEM((128,), jnp.int32),
            pltpu.VMEM((128,), jnp.int32),
            pltpu.VMEM((128,), jnp.int32),
            pltpu.VMEM((128,), jnp.int32),
            pltpu.VMEM((_BPW,), jnp.float32),
            pltpu.SemaphoreType.DMA,
        ],
    )
    def body(x_hbm, t_hbm, dw_hbm, mn_hbm, out_hbm,
             xbuf, dwv, mnv, r0, r1, r2, r3, ybuf, sem):
        wid = lax.axis_index("s") * 2 + lax.axis_index("c")
        base = wid * _BPW
        incopies = [pltpu.async_copy(x_hbm.at[pl.ds(d * _BATCH + base, _BPW)],
                                     xbuf.at[pl.ds(d * _BPW, _BPW)], sem)
                    for d in range(4)]
        incopies.append(pltpu.async_copy(dw_hbm, dwv.at[pl.ds(0, 4)], sem))
        incopies.append(pltpu.async_copy(mn_hbm, mnv.at[pl.ds(0, 4)], sem))
        for c in incopies:
            c.wait()
        rowrefs = (r0, r1, r2, r3)
        dwvec = dwv[...]
        mnvec = mnv[...]
        for g in range(_GROUPS):
            f = jnp.zeros((16,), jnp.int32)
            for d in range(4):
                xv = xbuf[pl.ds(d * _BPW + g * 16, 16)]
                a = ((xv - mnvec[d]) / dwvec[d]).astype(jnp.int32)
                f = f + a * _FACT[d]
            j, o = divmod(g, 8)
            rowrefs[j][pl.ds(o * 16, 16)] = f
        copies = [pltpu.async_copy(t_hbm.at[rowrefs[j]],
                                   ybuf.at[pl.ds(j * 128, 128)], sem)
                  for j in range(4)]
        for c in copies:
            c.wait()
        pltpu.sync_copy(ybuf, out_hbm.at[pl.ds(base, _BPW)])

    return body(x_flat, table, dw, mn)


def kernel(x, b_m, div_widths, min_dim_ranges, dim_order, dim_factors,
           bump_ind_offsets):
    idx = _sc_hash(x.T.reshape(-1), div_widths, min_dim_ranges)
    table = _build_table(b_m)
    y = _sc_gather(idx, table)
    return y.reshape(_BATCH, 1)

# --- scband reference (transcript-rebuilt; emitter-appended) ---
"""Pipeline reference for scband-sum-of-tiled-hyper-cube-basis-fcns-18657337934529 (READ-ONLY COPY).

The authoritative reference and input builder live on the scoring server;
editing this copy changes nothing except your own understanding.
"""

import jax, jax.numpy as jnp
import numpy as np

N_DIVISIONS = [50, 50, 50, 50]
DIM_RANGES = np.asarray([[0.0, 1.0], [0.0, 1.0], [0.0, 1.0], [0.0, 1.0]])
HC_SIDES = np.asarray([4, 4, 4, 4])
BATCH = 16384


def _build_constants():
    n_dims = DIM_RANGES.shape[0]
    div_widths = (DIM_RANGES[:, 1] - DIM_RANGES[:, 0]) / np.asarray(N_DIVISIONS)
    dim_order = np.argsort(HC_SIDES)
    n_bump_per_dim = np.asarray([nd + s - 1 for nd, s in zip(N_DIVISIONS, HC_SIDES)])[dim_order]
    sides = HC_SIDES[dim_order]
    dim_factors = np.ones(n_dims, dtype=np.int64)
    for d_i in range(n_dims - 2, -1, -1):
        dim_factors[d_i] = dim_factors[d_i + 1] * n_bump_per_dim[d_i + 1]
    n_active = int(np.cumprod(sides)[-1])
    n_minor = int(np.cumprod(sides[:-1])[-1]) if n_dims > 1 else 1
    offsets = np.tile(np.arange(sides[-1], dtype=np.int64), n_minor)
    cur_chunk = 1
    for d_i in range(n_dims - 2, -1, -1):
        cur_chunk = cur_chunk * int(sides[d_i + 1])
        n_chunks = n_active // cur_chunk
        stacked = int(sides[d_i])
        for c_i in range(n_chunks):
            s = c_i * cur_chunk
            e = s + cur_chunk
            offsets[s:e] += dim_factors[d_i] * (c_i % stacked)
    n_bump = int(np.cumprod(n_bump_per_dim)[-1])
    return div_widths, DIM_RANGES[:, 0], dim_order, dim_factors, offsets, n_bump


def setup_inputs(seed: int = 0) -> dict:
    key = jax.random.key(seed)
    kx, kb = jax.random.split(key)
    div_widths, min_r, dim_order, dim_factors, offsets, n_bump = _build_constants()
    x = jax.random.uniform(kx, (BATCH, 4), dtype=jnp.float32, minval=0.0, maxval=1.0)
    b_m = jax.random.normal(kb, (n_bump,), dtype=jnp.float32) * 0.02
    return {
        'x': x,
        'b_m': b_m,
        'div_widths': jnp.asarray(div_widths, dtype=jnp.float32),
        'min_dim_ranges': jnp.asarray(min_r, dtype=jnp.float32),
        'dim_order': jnp.asarray(dim_order, dtype=jnp.int32),
        'dim_factors': jnp.asarray(dim_factors, dtype=jnp.int32),
        'bump_ind_offsets': jnp.asarray(offsets, dtype=jnp.int32),
    }


def reference(x, b_m, div_widths, min_dim_ranges, dim_order, dim_factors, bump_ind_offsets):
    n_smps = x.shape[0]
    # hash each point to its base division index per dim
    dim_div_inds = jnp.floor((x - min_dim_ranges) / div_widths).astype(jnp.int32)
    dim_div_inds = dim_div_inds[:, dim_order]
    dim_first_bin_inds = jnp.sum(dim_div_inds * dim_factors, axis=1).reshape(n_smps, 1)
    idx = dim_first_bin_inds + bump_ind_offsets[None, :]
    # gather magnitudes of all active bump fcns and sum
    y = jnp.sum(jnp.take(b_m, idx, axis=0), axis=1).reshape(n_smps, 1)
    return y

if __name__ == "__main__":
    import jax
    _d = setup_inputs()
    print(jax.jit(kernel)(*tuple(_d.values())))

</pallas_src>

<mosaic_0001>
#map = affine_map<(d0, d1) -> (0)>
module attributes {stable_mosaic.version = 14 : i64} {
  func.func @body(%arg0: i32, %arg1: i32, %arg2: memref<65536xf32, #tpu.memory_space<hbm>>, %arg3: memref<4xf32, #tpu.memory_space<hbm>>, %arg4: memref<4xf32, #tpu.memory_space<hbm>>, %arg5: memref<16384xi32, #tpu.memory_space<hbm>>, %arg6: memref<2048xf32, #tpu.memory_space<vmem>>, %arg7: memref<16xf32, #tpu.memory_space<vmem>>, %arg8: memref<16xf32, #tpu.memory_space<vmem>>, %arg9: memref<512xi32, #tpu.memory_space<vmem>>, %arg10: memref<!tpu.dma_semaphore, #tpu.memory_space<semaphore_mem>>) attributes {dimension_semantics = [#tpu.dimension_semantics<core_parallel>, #tpu.dimension_semantics<subcore_parallel>], iteration_bounds = array<i64: 2, 16>, scalar_prefetch = 0 : i64, scratch_operands = 5 : i64, tpu.core_type = #tpu.core_type<sc_vector_subcore>, window_params = [{transform_indices = #map}, {transform_indices = #map}, {transform_indices = #map}, {transform_indices = #map}]} {
    %mul3A = arith.constant 2 : i32
    %mul3A_0 = arith.muli %arg1, %mul3A : i32
    %add3A = arith.addi %mul3A_0, %arg0 : i32
    %mul3A_1 = arith.constant 512 : i32
    %mul3A_2 = arith.muli %add3A, %mul3A_1 : i32
    %add3A_3 = arith.constant 0 : i32
    %add3A_4 = arith.addi %add3A_3, %mul3A_2 : i32
    %dma_start3A = arith.constant 0 : i32
    %dma_start3A_5 = tpu.memref_slice %arg6[%dma_start3A] : memref<2048xf32, #tpu.memory_space<vmem>> -> memref<512xf32, #tpu.memory_space<vmem>>
    %dma_start3A_6 = tpu.memref_slice %arg2[%add3A_4] : memref<65536xf32, #tpu.memory_space<hbm>> -> memref<512xf32, #tpu.memory_space<hbm>>
    %dma_start3A_7 = arith.constant 0 : i32
    %dma_start3A_8 = tpu.memref_slice %arg6[%dma_start3A_7] : memref<2048xf32, #tpu.memory_space<vmem>> -> memref<512xf32, #tpu.memory_space<vmem>>
    %dma_start3A_9 = tpu.memref_slice %arg2[%add3A_4] : memref<65536xf32, #tpu.memory_space<hbm>> -> memref<512xf32, #tpu.memory_space<hbm>>
    tpu.enqueue_dma source(%dma_start3A_9 : memref<512xf32, #tpu.memory_space<hbm>>) target(%dma_start3A_8 : memref<512xf32, #tpu.memory_space<vmem>>) target_semaphore(%arg10 : memref<!tpu.dma_semaphore, #tpu.memory_space<semaphore_mem>>)
    %add3A_10 = arith.constant 16384 : i32
    %add3A_11 = arith.addi %add3A_10, %mul3A_2 : i32
    %dma_start3A_12 = arith.constant 512 : i32
    %dma_start3A_13 = tpu.memref_slice %arg6[%dma_start3A_12] : memref<2048xf32, #tpu.memory_space<vmem>> -> memref<512xf32, #tpu.memory_space<vmem>>
    %dma_start3A_14 = tpu.memref_slice %arg2[%add3A_11] : memref<65536xf32, #tpu.memory_space<hbm>> -> memref<512xf32, #tpu.memory_space<hbm>>
    %dma_start3A_15 = arith.constant 512 : i32
    %dma_start3A_16 = tpu.memref_slice %arg6[%dma_start3A_15] : memref<2048xf32, #tpu.memory_space<vmem>> -> memref<512xf32, #tpu.memory_space<vmem>>
    %dma_start3A_17 = tpu.memref_slice %arg2[%add3A_11] : memref<65536xf32, #tpu.memory_space<hbm>> -> memref<512xf32, #tpu.memory_space<hbm>>
    tpu.enqueue_dma source(%dma_start3A_17 : memref<512xf32, #tpu.memory_space<hbm>>) target(%dma_start3A_16 : memref<512xf32, #tpu.memory_space<vmem>>) target_semaphore(%arg10 : memref<!tpu.dma_semaphore, #tpu.memory_space<semaphore_mem>>)
    %add3A_18 = arith.constant 32768 : i32
    %add3A_19 = arith.addi %add3A_18, %mul3A_2 : i32
    %dma_start3A_20 = arith.constant 1024 : i32
    %dma_start3A_21 = tpu.memref_slice %arg6[%dma_start3A_20] : memref<2048xf32, #tpu.memory_space<vmem>> -> memref<512xf32, #tpu.memory_space<vmem>>
    %dma_start3A_22 = tpu.memref_slice %arg2[%add3A_19] : memref<65536xf32, #tpu.memory_space<hbm>> -> memref<512xf32, #tpu.memory_space<hbm>>
    %dma_start3A_23 = arith.constant 1024 : i32
    %dma_start3A_24 = tpu.memref_slice %arg6[%dma_start3A_23] : memref<2048xf32, #tpu.memory_space<vmem>> -> memref<512xf32, #tpu.memory_space<vmem>>
    %dma_start3A_25 = tpu.memref_slice %arg2[%add3A_19] : memref<65536xf32, #tpu.memory_space<hbm>> -> memref<512xf32, #tpu.memory_space<hbm>>
    tpu.enqueue_dma source(%dma_start3A_25 : memref<512xf32, #tpu.memory_space<hbm>>) target(%dma_start3A_24 : memref<512xf32, #tpu.memory_space<vmem>>) target_semaphore(%arg10 : memref<!tpu.dma_semaphore, #tpu.memory_space<semaphore_mem>>)
    %add3A_26 = arith.constant 49152 : i32
    %add3A_27 = arith.addi %add3A_26, %mul3A_2 : i32
    %dma_start3A_28 = arith.constant 1536 : i32
    %dma_start3A_29 = tpu.memref_slice %arg6[%dma_start3A_28] : memref<2048xf32, #tpu.memory_space<vmem>> -> memref<512xf32, #tpu.memory_space<vmem>>
    %dma_start3A_30 = tpu.memref_slice %arg2[%add3A_27] : memref<65536xf32, #tpu.memory_space<hbm>> -> memref<512xf32, #tpu.memory_space<hbm>>
    %dma_start3A_31 = arith.constant 1536 : i32
    %dma_start3A_32 = tpu.memref_slice %arg6[%dma_start3A_31] : memref<2048xf32, #tpu.memory_space<vmem>> -> memref<512xf32, #tpu.memory_space<vmem>>
    %dma_start3A_33 = tpu.memref_slice %arg2[%add3A_27] : memref<65536xf32, #tpu.memory_space<hbm>> -> memref<512xf32, #tpu.memory_space<hbm>>
    tpu.enqueue_dma source(%dma_start3A_33 : memref<512xf32, #tpu.memory_space<hbm>>) target(%dma_start3A_32 : memref<512xf32, #tpu.memory_space<vmem>>) target_semaphore(%arg10 : memref<!tpu.dma_semaphore, #tpu.memory_space<semaphore_mem>>)
    %dma_start3A_34 = arith.constant 0 : i32
    %dma_start3A_35 = tpu.memref_slice %arg7[%dma_start3A_34] : memref<16xf32, #tpu.memory_space<vmem>> -> memref<4xf32, #tpu.memory_space<vmem>>
    %dma_start3A_36 = arith.constant 0 : i32
    %dma_start3A_37 = tpu.memref_slice %arg7[%dma_start3A_36] : memref<16xf32, #tpu.memory_space<vmem>> -> memref<4xf32, #tpu.memory_space<vmem>>
    tpu.enqueue_dma source(%arg3 : memref<4xf32, #tpu.memory_space<hbm>>) target(%dma_start3A_37 : memref<4xf32, #tpu.memory_space<vmem>>) target_semaphore(%arg10 : memref<!tpu.dma_semaphore, #tpu.memory_space<semaphore_mem>>)
    %dma_start3A_38 = arith.constant 0 : i32
    %dma_start3A_39 = tpu.memref_slice %arg8[%dma_start3A_38] : memref<16xf32, #tpu.memory_space<vmem>> -> memref<4xf32, #tpu.memory_space<vmem>>
    %dma_start3A_40 = arith.constant 0 : i32
    %dma_start3A_41 = tpu.memref_slice %arg8[%dma_start3A_40] : memref<16xf32, #tpu.memory_space<vmem>> -> memref<4xf32, #tpu.memory_space<vmem>>
    tpu.enqueue_dma source(%arg4 : memref<4xf32, #tpu.memory_space<hbm>>) target(%dma_start3A_41 : memref<4xf32, #tpu.memory_space<vmem>>) target_semaphore(%arg10 : memref<!tpu.dma_semaphore, #tpu.memory_space<semaphore_mem>>)
    %dma_wait3A = arith.constant 0 : i32
    %dma_wait3A_42 = tpu.memref_slice %arg6[%dma_wait3A] : memref<2048xf32, #tpu.memory_space<vmem>> -> memref<512xf32, #tpu.memory_space<vmem>>
    %dma_wait3A_43 = tpu.memref_slice %arg2[%add3A_4] : memref<65536xf32, #tpu.memory_space<hbm>> -> memref<512xf32, #tpu.memory_space<hbm>>
    %dma_wait3A_44 = arith.constant 0 : i32
    %dma_wait3A_45 = tpu.memref_slice %arg6[%dma_wait3A_44] : memref<2048xf32, #tpu.memory_space<vmem>> -> memref<512xf32, #tpu.memory_space<vmem>>
    %dma_wait3A_46 = tpu.memref_slice %arg2[%add3A_4] : memref<65536xf32, #tpu.memory_space<hbm>> -> memref<512xf32, #tpu.memory_space<hbm>>
    tpu.wait_dma2 semaphore(%arg10 : memref<!tpu.dma_semaphore, #tpu.memory_space<semaphore_mem>>) src(%dma_wait3A_46 : memref<512xf32, #tpu.memory_space<hbm>>) dst(%dma_wait3A_45 : memref<512xf32, #tpu.memory_space<vmem>>)
    %dma_wait3A_47 = arith.constant 512 : i32
    %dma_wait3A_48 = tpu.memref_slice %arg6[%dma_wait3A_47] : memref<2048xf32, #tpu.memory_space<vmem>> -> memref<512xf32, #tpu.memory_space<vmem>>
    %dma_wait3A_49 = tpu.memref_slice %arg2[%add3A_11] : memref<65536xf32, #tpu.memory_space<hbm>> -> memref<512xf32, #tpu.memory_space<hbm>>
    %dma_wait3A_50 = arith.constant 512 : i32
    %dma_wait3A_51 = tpu.memref_slice %arg6[%dma_wait3A_50] : memref<2048xf32, #tpu.memory_space<vmem>> -> memref<512xf32, #tpu.memory_space<vmem>>
    %dma_wait3A_52 = tpu.memref_slice %arg2[%add3A_11] : memref<65536xf32, #tpu.memory_space<hbm>> -> memref<512xf32, #tpu.memory_space<hbm>>
    tpu.wait_dma2 semaphore(%arg10 : memref<!tpu.dma_semaphore, #tpu.memory_space<semaphore_mem>>) src(%dma_wait3A_52 : memref<512xf32, #tpu.memory_space<hbm>>) dst(%dma_wait3A_51 : memref<512xf32, #tpu.memory_space<vmem>>)
    %dma_wait3A_53 = arith.constant 1024 : i32
    %dma_wait3A_54 = tpu.memref_slice %arg6[%dma_wait3A_53] : memref<2048xf32, #tpu.memory_space<vmem>> -> memref<512xf32, #tpu.memory_space<vmem>>
    %dma_wait3A_55 = tpu.memref_slice %arg2[%add3A_19] : memref<65536xf32, #tpu.memory_space<hbm>> -> memref<512xf32, #tpu.memory_space<hbm>>
    %dma_wait3A_56 = arith.constant 1024 : i32
    %dma_wait3A_57 = tpu.memref_slice %arg6[%dma_wait3A_56] : memref<2048xf32, #tpu.memory_space<vmem>> -> memref<512xf32, #tpu.memory_space<vmem>>
    %dma_wait3A_58 = tpu.memref_slice %arg2[%add3A_19] : memref<65536xf32, #tpu.memory_space<hbm>> -> memref<512xf32, #tpu.memory_space<hbm>>
    tpu.wait_dma2 semaphore(%arg10 : memref<!tpu.dma_semaphore, #tpu.memory_space<semaphore_mem>>) src(%dma_wait3A_58 : memref<512xf32, #tpu.memory_space<hbm>>) dst(%dma_wait3A_57 : memref<512xf32, #tpu.memory_space<vmem>>)
    %dma_wait3A_59 = arith.constant 1536 : i32
    %dma_wait3A_60 = tpu.memref_slice %arg6[%dma_wait3A_59] : memref<2048xf32, #tpu.memory_space<vmem>> -> memref<512xf32, #tpu.memory_space<vmem>>
    %dma_wait3A_61 = tpu.memref_slice %arg2[%add3A_27] : memref<65536xf32, #tpu.memory_space<hbm>> -> memref<512xf32, #tpu.memory_space<hbm>>
    %dma_wait3A_62 = arith.constant 1536 : i32
    %dma_wait3A_63 = tpu.memref_slice %arg6[%dma_wait3A_62] : memref<2048xf32, #tpu.memory_space<vmem>> -> memref<512xf32, #tpu.memory_space<vmem>>
    %dma_wait3A_64 = tpu.memref_slice %arg2[%add3A_27] : memref<65536xf32, #tpu.memory_space<hbm>> -> memref<512xf32, #tpu.memory_space<hbm>>
    tpu.wait_dma2 semaphore(%arg10 : memref<!tpu.dma_semaphore, #tpu.memory_space<semaphore_mem>>) src(%dma_wait3A_64 : memref<512xf32, #tpu.memory_space<hbm>>) dst(%dma_wait3A_63 : memref<512xf32, #tpu.memory_space<vmem>>)
    %dma_wait3A_65 = arith.constant 0 : i32
    %dma_wait3A_66 = tpu.memref_slice %arg7[%dma_wait3A_65] : memref<16xf32, #tpu.memory_space<vmem>> -> memref<4xf32, #tpu.memory_space<vmem>>
    %dma_wait3A_67 = arith.constant 0 : i32
    %dma_wait3A_68 = tpu.memref_slice %arg7[%dma_wait3A_67] : memref<16xf32, #tpu.memory_space<vmem>> -> memref<4xf32, #tpu.memory_space<vmem>>
    tpu.wait_dma2 semaphore(%arg10 : memref<!tpu.dma_semaphore, #tpu.memory_space<semaphore_mem>>) src(%arg3 : memref<4xf32, #tpu.memory_space<hbm>>) dst(%dma_wait3A_68 : memref<4xf32, #tpu.memory_space<vmem>>)
    %dma_wait3A_69 = arith.constant 0 : i32
    %dma_wait3A_70 = tpu.memref_slice %arg8[%dma_wait3A_69] : memref<16xf32, #tpu.memory_space<vmem>> -> memref<4xf32, #tpu.memory_space<vmem>>
    %dma_wait3A_71 = arith.constant 0 : i32
    %dma_wait3A_72 = tpu.memref_slice %arg8[%dma_wait3A_71] : memref<16xf32, #tpu.memory_space<vmem>> -> memref<4xf32, #tpu.memory_space<vmem>>
    tpu.wait_dma2 semaphore(%arg10 : memref<!tpu.dma_semaphore, #tpu.memory_space<semaphore_mem>>) src(%arg4 : memref<4xf32, #tpu.memory_space<hbm>>) dst(%dma_wait3A_72 : memref<4xf32, #tpu.memory_space<vmem>>)
    %get3A = arith.constant 0 : index
    %get3A_73 = tpu.vector_load %arg7[%get3A] {strides = array<i32>} : memref<16xf32, #tpu.memory_space<vmem>>, vector<16xf32>,
    %get3A_74 = vector.shape_cast %get3A_73 : vector<16xf32> to vector<16xf32>
    %get3A_75 = arith.constant 0 : index
    %get3A_76 = tpu.vector_load %arg8[%get3A_75] {strides = array<i32>} : memref<16xf32, #tpu.memory_space<vmem>>, vector<16xf32>,
    %get3A_77 = vector.shape_cast %get3A_76 : vector<16xf32> to vector<16xf32>
    %broadcast_in_dim3A = arith.constant 0 : i32
    %broadcast_in_dim3A_78 = vector.broadcast %broadcast_in_dim3A : i32 to vector<16xi32>
    %get3A_79 = arith.constant 0 : index
    %get3A_80 = tpu.vector_load %arg6[%get3A_79] {strides = array<i32>} : memref<2048xf32, #tpu.memory_space<vmem>>, vector<16xf32>,
    %get3A_81 = vector.shape_cast %get3A_80 : vector<16xf32> to vector<16xf32>
    %slice3A = vector.extract_strided_slice %get3A_77 {offsets = [0], sizes = [1], strides = [1]} : vector<16xf32> to vector<1xf32>
    %squeeze3A = vector.extract %slice3A[0] : f32 from vector<1xf32>
    %sub3A = vector.broadcast %squeeze3A : f32 to vector<16xf32>
    %sub3A_82 = arith.subf %get3A_81, %sub3A : vector<16xf32>
    %slice3A_83 = vector.extract_strided_slice %get3A_74 {offsets = [0], sizes = [1], strides = [1]} : vector<16xf32> to vector<1xf32>
    %squeeze3A_84 = vector.extract %slice3A_83[0] : f32 from vector<1xf32>
    %div3A = vector.broadcast %squeeze3A_84 : f32 to vector<16xf32>
    %div3A_85 = arith.divf %sub3A_82, %div3A : vector<16xf32>
    %convert_element_type3A = arith.fptosi %div3A_85 : vector<16xf32> to vector<16xi32>
    %mul3A_86 = arith.constant 148877 : i32
    %mul3A_87 = vector.broadcast %mul3A_86 : i32 to vector<16xi32>
    %mul3A_88 = arith.muli %convert_element_type3A, %mul3A_87 : vector<16xi32>
    %add3A_89 = arith.addi %broadcast_in_dim3A_78, %mul3A_88 : vector<16xi32>
    %get3A_90 = arith.constant 512 : index
    %get3A_91 = tpu.vector_load %arg6[%get3A_90] {strides = array<i32>} : memref<2048xf32, #tpu.memory_space<vmem>>, vector<16xf32>,
    %get3A_92 = vector.shape_cast %get3A_91 : vector<16xf32> to vector<16xf32>
    %slice3A_93 = vector.extract_strided_slice %get3A_77 {offsets = [1], sizes = [1], strides = [1]} : vector<16xf32> to vector<1xf32>
    %squeeze3A_94 = vector.extract %slice3A_93[0] : f32 from vector<1xf32>
    %sub3A_95 = vector.broadcast %squeeze3A_94 : f32 to vector<16xf32>
    %sub3A_96 = arith.subf %get3A_92, %sub3A_95 : vector<16xf32>
    %slice3A_97 = vector.extract_strided_slice %get3A_74 {offsets = [1], sizes = [1], strides = [1]} : vector<16xf32> to vector<1xf32>
    %squeeze3A_98 = vector.extract %slice3A_97[0] : f32 from vector<1xf32>
    %div3A_99 = vector.broadcast %squeeze3A_98 : f32 to vector<16xf32>
    %div3A_100 = arith.divf %sub3A_96, %div3A_99 : vector<16xf32>
    %convert_element_type3A_101 = arith.fptosi %div3A_100 : vector<16xf32> to vector<16xi32>
    %mul3A_102 = arith.constant 2809 : i32
    %mul3A_103 = vector.broadcast %mul3A_102 : i32 to vector<16xi32>
    %mul3A_104 = arith.muli %convert_element_type3A_101, %mul3A_103 : vector<16xi32>
    %add3A_105 = arith.addi %add3A_89, %mul3A_104 : vector<16xi32>
    %get3A_106 = arith.constant 1024 : index
    %get3A_107 = tpu.vector_load %arg6[%get3A_106] {strides = array<i32>} : memref<2048xf32, #tpu.memory_space<vmem>>, vector<16xf32>,
    %get3A_108 = vector.shape_cast %get3A_107 : vector<16xf32> to vector<16xf32>
    %slice3A_109 = vector.extract_strided_slice %get3A_77 {offsets = [2], sizes = [1], strides = [1]} : vector<16xf32> to vector<1xf32>
    %squeeze3A_110 = vector.extract %slice3A_109[0] : f32 from vector<1xf32>
    %sub3A_111 = vector.broadcast %squeeze3A_110 : f32 to vector<16xf32>
    %sub3A_112 = arith.subf %get3A_108, %sub3A_111 : vector<16xf32>
    %slice3A_113 = vector.extract_strided_slice %get3A_74 {offsets = [2], sizes = [1], strides = [1]} : vector<16xf32> to vector<1xf32>
    %squeeze3A_114 = vector.extract %slice3A_113[0] : f32 from vector<1xf32>
    %div3A_115 = vector.broadcast %squeeze3A_114 : f32 to vector<16xf32>
    %div3A_116 = arith.divf %sub3A_112, %div3A_115 : vector<16xf32>
    %convert_element_type3A_117 = arith.fptosi %div3A_116 : vector<16xf32> to vector<16xi32>
    %mul3A_118 = arith.constant 53 : i32
    %mul3A_119 = vector.broadcast %mul3A_118 : i32 to vector<16xi32>
    %mul3A_120 = arith.muli %convert_element_type3A_117, %mul3A_119 : vector<16xi32>
    %add3A_121 = arith.addi %add3A_105, %mul3A_120 : vector<16xi32>
    %get3A_122 = arith.constant 1536 : index
    %get3A_123 = tpu.vector_load %arg6[%get3A_122] {strides = array<i32>} : memref<2048xf32, #tpu.memory_space<vmem>>, vector<16xf32>,
    %get3A_124 = vector.shape_cast %get3A_123 : vector<16xf32> to vector<16xf32>
    %slice3A_125 = vector.extract_strided_slice %get3A_77 {offsets = [3], sizes = [1], strides = [1]} : vector<16xf32> to vector<1xf32>
    %squeeze3A_126 = vector.extract %slice3A_125[0] : f32 from vector<1xf32>
    %sub3A_127 = vector.broadcast %squeeze3A_126 : f32 to vector<16xf32>
    %sub3A_128 = arith.subf %get3A_124, %sub3A_127 : vector<16xf32>
    %slice3A_129 = vector.extract_strided_slice %get3A_74 {offsets = [3], sizes = [1], strides = [1]} : vector<16xf32> to vector<1xf32>
    %squeeze3A_130 = vector.extract %slice3A_129[0] : f32 from vector<1xf32>
    %div3A_131 = vector.broadcast %squeeze3A_130 : f32 to vector<16xf32>
    %div3A_132 = arith.divf %sub3A_128, %div3A_131 : vector<16xf32>
    %convert_element_type3A_133 = arith.fptosi %div3A_132 : vector<16xf32> to vector<16xi32>
    %mul3A_134 = arith.constant 1 : i32
    %mul3A_135 = vector.broadcast %mul3A_134 : i32 to vector<16xi32>
    %mul3A_136 = arith.muli %convert_element_type3A_133, %mul3A_135 : vector<16xi32>
    %add3A_137 = arith.addi %add3A_121, %mul3A_136 : vector<16xi32>
    %swap3A = arith.constant 0 : index
    %swap3A_138 = tpu.vector_load %arg9[%swap3A] {strides = array<i32>} : memref<512xi32, #tpu.memory_space<vmem>>, vector<16xi32>,
    %swap3A_139 = vector.shape_cast %swap3A_138 : vector<16xi32> to vector<16xi32>
    %swap3A_140 = vector.shape_cast %add3A_137 : vector<16xi32> to vector<16xi32>
    tpu.vector_store %arg9[%swap3A], %swap3A_140 {strides = array<i32>} : memref<512xi32, #tpu.memory_space<vmem>>, vector<16xi32>,
    %broadcast_in_dim3A_141 = arith.constant 0 : i32
    %broadcast_in_dim3A_142 = vector.broadcast %broadcast_in_dim3A_141 : i32 to vector<16xi32>
    %get3A_143 = arith.constant 16 : index
    %get3A_144 = tpu.vector_load %arg6[%get3A_143] {strides = array<i32>} : memref<2048xf32, #tpu.memory_space<vmem>>, vector<16xf32>,
    %get3A_145 = vector.shape_cast %get3A_144 : vector<16xf32> to vector<16xf32>
    %slice3A_146 = vector.extract_strided_slice %get3A_77 {offsets = [0], sizes = [1], strides = [1]} : vector<16xf32> to vector<1xf32>
    %squeeze3A_147 = vector.extract %slice3A_146[0] : f32 from vector<1xf32>
    %sub3A_148 = vector.broadcast %squeeze3A_147 : f32 to vector<16xf32>
    %sub3A_149 = arith.subf %get3A_145, %sub3A_148 : vector<16xf32>
    %slice3A_150 = vector.extract_strided_slice %get3A_74 {offsets = [0], sizes = [1], strides = [1]} : vector<16xf32> to vector<1xf32>
    %squeeze3A_151 = vector.extract %slice3A_150[0] : f32 from vector<1xf32>
    %div3A_152 = vector.broadcast %squeeze3A_151 : f32 to vector<16xf32>
    %div3A_153 = arith.divf %sub3A_149, %div3A_152 : vector<16xf32>
    %convert_element_type3A_154 = arith.fptosi %div3A_153 : vector<16xf32> to vector<16xi32>
    %mul3A_155 = arith.constant 148877 : i32
    %mul3A_156 = vector.broadcast %mul3A_155 : i32 to vector<16xi32>
    %mul3A_157 = arith.muli %convert_element_type3A_154, %mul3A_156 : vector<16xi32>
    %add3A_158 = arith.addi %broadcast_in_dim3A_142, %mul3A_157 : vector<16xi32>
    %get3A_159 = arith.constant 528 : index
    %get3A_160 = tpu.vector_load %arg6[%get3A_159] {strides = array<i32>} : memref<2048xf32, #tpu.memory_space<vmem>>, vector<16xf32>,
    %get3A_161 = vector.shape_cast %get3A_160 : vector<16xf32> to vector<16xf32>
    %slice3A_162 = vector.extract_strided_slice %get3A_77 {offsets = [1], sizes = [1], strides = [1]} : vector<16xf32> to vector<1xf32>
    %squeeze3A_163 = vector.extract %slice3A_162[0] : f32 from vector<1xf32>
    %sub3A_164 = vector.broadcast %squeeze3A_163 : f32 to vector<16xf32>
    %sub3A_165 = arith.subf %get3A_161, %sub3A_164 : vector<16xf32>
    %slice3A_166 = vector.extract_strided_slice %get3A_74 {offsets = [1], sizes = [1], strides = [1]} : vector<16xf32> to vector<1xf32>
    %squeeze3A_167 = vector.extract %slice3A_166[0] : f32 from vector<1xf32>
    %div3A_168 = vector.broadcast %squeeze3A_167 : f32 to vector<16xf32>
    %div3A_169 = arith.divf %sub3A_165, %div3A_168 : vector<16xf32>
    %convert_element_type3A_170 = arith.fptosi %div3A_169 : vector<16xf32> to vector<16xi32>
    %mul3A_171 = arith.constant 2809 : i32
    %mul3A_172 = vector.broadcast %mul3A_171 : i32 to vector<16xi32>
    %mul3A_173 = arith.muli %convert_element_type3A_170, %mul3A_172 : vector<16xi32>
    %add3A_174 = arith.addi %add3A_158, %mul3A_173 : vector<16xi32>
    %get3A_175 = arith.constant 1040 : index
    %get3A_176 = tpu.vector_load %arg6[%get3A_175] {strides = array<i32>} : memref<2048xf32, #tpu.memory_space<vmem>>, vector<16xf32>,
    %get3A_177 = vector.shape_cast %get3A_176 : vector<16xf32> to vector<16xf32>
    %slice3A_178 = vector.extract_strided_slice %get3A_77 {offsets = [2], sizes = [1], strides = [1]} : vector<16xf32> to vector<1xf32>
    %squeeze3A_179 = vector.extract %slice3A_178[0] : f32 from vector<1xf32>
    %sub3A_180 = vector.broadcast %squeeze3A_179 : f32 to vector<16xf32>
    %sub3A_181 = arith.subf %get3A_177, %sub3A_180 : vector<16xf32>
    %slice3A_182 = vector.extract_strided_slice %get3A_74 {offsets = [2], sizes = [1], strides = [1]} : vector<16xf32> to vector<1xf32>
    %squeeze3A_183 = vector.extract %slice3A_182[0] : f32 from vector<1xf32>
    %div3A_184 = vector.broadcast %squeeze3A_183 : f32 to vector<16xf32>
    %div3A_185 = arith.divf %sub3A_181, %div3A_184 : vector<16xf32>
    %convert_element_type3A_186 = arith.fptosi %div3A_185 : vector<16xf32> to vector<16xi32>
    %mul3A_187 = arith.constant 53 : i32
    %mul3A_188 = vector.broadcast %mul3A_187 : i32 to vector<16xi32>
    %mul3A_189 = arith.muli %convert_element_type3A_186, %mul3A_188 : vector<16xi32>
    %add3A_190 = arith.addi %add3A_174, %mul3A_189 : vector<16xi32>
    %get3A_191 = arith.constant 1552 : index
    %get3A_192 = tpu.vector_load %arg6[%get3A_191] {strides = array<i32>} : memref<2048xf32, #tpu.memory_space<vmem>>, vector<16xf32>,
    %get3A_193 = vector.shape_cast %get3A_192 : vector<16xf32> to vector<16xf32>
    %slice3A_194 = vector.extract_strided_slice %get3A_77 {offsets = [3], sizes = [1], strides = [1]} : vector<16xf32> to vector<1xf32>
    %squeeze3A_195 = vector.extract %slice3A_194[0] : f32 from vector<1xf32>
    %sub3A_196 = vector.broadcast %squeeze3A_195 : f32 to vector<16xf32>
    %sub3A_197 = arith.subf %get3A_193, %sub3A_196 : vector<16xf32>
    %slice3A_198 = vector.extract_strided_slice %get3A_74 {offsets = [3], sizes = [1], strides = [1]} : vector<16xf32> to vector<1xf32>
    %squeeze3A_199 = vector.extract %slice3A_198[0] : f32 from vector<1xf32>
    %div3A_200 = vector.broadcast %squeeze3A_199 : f32 to vector<16xf32>
    %div3A_201 = arith.divf %sub3A_197, %div3A_200 : vector<16xf32>
    %convert_element_type3A_202 = arith.fptosi %div3A_201 : vector<16xf32> to vector<16xi32>
    %mul3A_203 = arith.constant 1 : i32
    %mul3A_204 = vector.broadcast %mul3A_203 : i32 to vector<16xi32>
    %mul3A_205 = arith.muli %convert_element_type3A_202, %mul3A_204 : vector<16xi32>
    %add3A_206 = arith.addi %add3A_190, %mul3A_205 : vector<16xi32>
    %swap3A_207 = arith.constant 16 : index
    %swap3A_208 = tpu.vector_load %arg9[%swap3A_207] {strides = array<i32>} : memref<512xi32, #tpu.memory_space<vmem>>, vector<16xi32>,
    %swap3A_209 = vector.shape_cast %swap3A_208 : vector<16xi32> to vector<16xi32>
    %swap3A_210 = vector.shape_cast %add3A_206 : vector<16xi32> to vector<16xi32>
    tpu.vector_store %arg9[%swap3A_207], %swap3A_210 {strides = array<i32>} : memref<512xi32, #tpu.memory_space<vmem>>, vector<16xi32>,
    %broadcast_in_dim3A_211 = arith.constant 0 : i32
    %broadcast_in_dim3A_212 = vector.broadcast %broadcast_in_dim3A_211 : i32 to vector<16xi32>
    %get3A_213 = arith.constant 32 : index
    %get3A_214 = tpu.vector_load %arg6[%get3A_213] {strides = array<i32>} : memref<2048xf32, #tpu.memory_space<vmem>>, vector<16xf32>,
    %get3A_215 = vector.shape_cast %get3A_214 : vector<16xf32> to vector<16xf32>
    %slice3A_216 = vector.extract_strided_slice %get3A_77 {offsets = [0], sizes = [1], strides = [1]} : vector<16xf32> to vector<1xf32>
    %squeeze3A_217 = vector.extract %slice3A_216[0] : f32 from vector<1xf32>
    %sub3A_218 = vector.broadcast %squeeze3A_217 : f32 to vector<16xf32>
    %sub3A_219 = arith.subf %get3A_215, %sub3A_218 : vector<16xf32>
    %slice3A_220 = vector.extract_strided_slice %get3A_74 {offsets = [0], sizes = [1], strides = [1]} : vector<16xf32> to vector<1xf32>
    %squeeze3A_221 = vector.extract %slice3A_220[0] : f32 from vector<1xf32>
    %div3A_222 = vector.broadcast %squeeze3A_221 : f32 to vector<16xf32>
    %div3A_223 = arith.divf %sub3A_219, %div3A_222 : vector<16xf32>
    %convert_element_type3A_224 = arith.fptosi %div3A_223 : vector<16xf32> to vector<16xi32>
    %mul3A_225 = arith.constant 148877 : i32
    %mul3A_226 = vector.broadcast %mul3A_225 : i32 to vector<16xi32>
    %mul3A_227 = arith.muli %convert_element_type3A_224, %mul3A_226 : vector<16xi32>
    %add3A_228 = arith.addi %broadcast_in_dim3A_212, %mul3A_227 : vector<16xi32>
    %get3A_229 = arith.constant 544 : index
    %get3A_230 = tpu.vector_load %arg6[%get3A_229] {strides = array<i32>} : memref<2048xf32, #tpu.memory_space<vmem>>, vector<16xf32>,
    %get3A_231 = vector.shape_cast %get3A_230 : vector<16xf32> to vector<16xf32>
    %slice3A_232 = vector.extract_strided_slice %get3A_77 {offsets = [1], sizes = [1], strides = [1]} : vector<16xf32> to vector<1xf32>
    %squeeze3A_233 = vector.extract %slice3A_232[0] : f32 from vector<1xf32>
    %sub3A_234 = vector.broadcast %squeeze3A_233 : f32 to vector<16xf32>
    %sub3A_235 = arith.subf %get3A_231, %sub3A_234 : vector<16xf32>
    %slice3A_236 = vector.extract_strided_slice %get3A_74 {offsets = [1], sizes = [1], strides = [1]} : vector<16xf32> to vector<1xf32>
    %squeeze3A_237 = vector.extract %slice3A_236[0] : f32 from vector<1xf32>
    %div3A_238 = vector.broadcast %squeeze3A_237 : f32 to vector<16xf32>
    %div3A_239 = arith.divf %sub3A_235, %div3A_238 : vector<16xf32>
    %convert_element_type3A_240 = arith.fptosi %div3A_239 : vector<16xf32> to vector<16xi32>
    %mul3A_241 = arith.constant 2809 : i32
    %mul3A_242 = vector.broadcast %mul3A_241 : i32 to vector<16xi32>
    %mul3A_243 = arith.muli %convert_element_type3A_240, %mul3A_242 : vector<16xi32>
    %add3A_244 = arith.addi %add3A_228, %mul3A_243 : vector<16xi32>
    %get3A_245 = arith.constant 1056 : index
    %get3A_246 = tpu.vector_load %arg6[%get3A_245] {strides = array<i32>} : memref<2048xf32, #tpu.memory_space<vmem>>, vector<16xf32>,
    %get3A_247 = vector.shape_cast %get3A_246 : vector<16xf32> to vector<16xf32>
    %slice3A_248 = vector.extract_strided_slice %get3A_77 {offsets = [2], sizes = [1], strides = [1]} : vector<16xf32> to vector<1xf32>
    %squeeze3A_249 = vector.extract %slice3A_248[0] : f32 from vector<1xf32>
    %sub3A_250 = vector.broadcast %squeeze3A_249 : f32 to vector<16xf32>
    %sub3A_251 = arith.subf %get3A_247, %sub3A_250 : vector<16xf32>
    %slice3A_252 = vector.extract_strided_slice %get3A_74 {offsets = [2], sizes = [1], strides = [1]} : vector<16xf32> to vector<1xf32>
    %squeeze3A_253 = vector.extract %slice3A_252[0] : f32 from vector<1xf32>
    %div3A_254 = vector.broadcast %squeeze3A_253 : f32 to vector<16xf32>
    %div3A_255 = arith.divf %sub3A_251, %div3A_254 : vector<16xf32>
    %convert_element_type3A_256 = arith.fptosi %div3A_255 : vector<16xf32> to vector<16xi32>
    %mul3A_257 = arith.constant 53 : i32
    %mul3A_258 = vector.broadcast %mul3A_257 : i32 to vector<16xi32>
    %mul3A_259 = arith.muli %convert_element_type3A_256, %mul3A_258 : vector<16xi32>
    %add3A_260 = arith.addi %add3A_244, %mul3A_259 : vector<16xi32>
    %get3A_261 = arith.constant 1568 : index
    %get3A_262 = tpu.vector_load %arg6[%get3A_261] {strides = array<i32>} : memref<2048xf32, #tpu.memory_space<vmem>>, vector<16xf32>,
    %get3A_263 = vector.shape_cast %get3A_262 : vector<16xf32> to vector<16xf32>
    %slice3A_264 = vector.extract_strided_slice %get3A_77 {offsets = [3], sizes = [1], strides = [1]} : vector<16xf32> to vector<1xf32>
    %squeeze3A_265 = vector.extract %slice3A_264[0] : f32 from vector<1xf32>
    %sub3A_266 = vector.broadcast %squeeze3A_265 : f32 to vector<16xf32>
    %sub3A_267 = arith.subf %get3A_263, %sub3A_266 : vector<16xf32>
    %slice3A_268 = vector.extract_strided_slice %get3A_74 {offsets = [3], sizes = [1], strides = [1]} : vector<16xf32> to vector<1xf32>
    %squeeze3A_269 = vector.extract %slice3A_268[0] : f32 from vector<1xf32>
    %div3A_270 = vector.broadcast %squeeze3A_269 : f32 to vector<16xf32>
    %div3A_271 = arith.divf %sub3A_267, %div3A_270 : vector<16xf32>
    %convert_element_type3A_272 = arith.fptosi %div3A_271 : vector<16xf32> to vector<16xi32>
    %mul3A_273 = arith.constant 1 : i32
    %mul3A_274 = vector.broadcast %mul3A_273 : i32 to vector<16xi32>
    %mul3A_275 = arith.muli %convert_element_type3A_272, %mul3A_274 : vector<16xi32>
    %add3A_276 = arith.addi %add3A_260, %mul3A_275 : vector<16xi32>
    %swap3A_277 = arith.constant 32 : index
    %swap3A_278 = tpu.vector_load %arg9[%swap3A_277] {strides = array<i32>} : memref<512xi32, #tpu.memory_space<vmem>>, vector<16xi32>,
    %swap3A_279 = vector.shape_cast %swap3A_278 : vector<16xi32> to vector<16xi32>
    %swap3A_280 = vector.shape_cast %add3A_276 : vector<16xi32> to vector<16xi32>
    tpu.vector_store %arg9[%swap3A_277], %swap3A_280 {strides = array<i32>} : memref<512xi32, #tpu.memory_space<vmem>>, vector<16xi32>,
    %broadcast_in_dim3A_281 = arith.constant 0 : i32
    %broadcast_in_dim3A_282 = vector.broadcast %broadcast_in_dim3A_281 : i32 to vector<16xi32>
    %get3A_283 = arith.constant 48 : index
    %get3A_284 = tpu.vector_load %arg6[%get3A_283] {strides = array<i32>} : memref<2048xf32, #tpu.memory_space<vmem>>, vector<16xf32>,
    %get3A_285 = vector.shape_cast %get3A_284 : vector<16xf32> to vector<16xf32>
    %slice3A_286 = vector.extract_strided_slice %get3A_77 {offsets = [0], sizes = [1], strides = [1]} : vector<16xf32> to vector<1xf32>
    %squeeze3A_287 = vector.extract %slice3A_286[0] : f32 from vector<1xf32>
    %sub3A_288 = vector.broadcast %squeeze3A_287 : f32 to vector<16xf32>
    %sub3A_289 = arith.subf %get3A_285, %sub3A_288 : vector<16xf32>
    %slice3A_290 = vector.extract_strided_slice %get3A_74 {offsets = [0], sizes = [1], strides = [1]} : vector<16xf32> to vector<1xf32>
    %squeeze3A_291 = vector.extract %slice3A_290[0] : f32 from vector<1xf32>
    %div3A_292 = vector.broadcast %squeeze3A_291 : f32 to vector<16xf32>
    %div3A_293 = arith.divf %sub3A_289, %div3A_292 : vector<16xf32>
    %convert_element_type3A_294 = arith.fptosi %div3A_293 : vector<16xf32> to vector<16xi32>
    %mul3A_295 = arith.constant 148877 : i32
    %mul3A_296 = vector.broadcast %mul3A_295 : i32 to vector<16xi32>
    %mul3A_297 = arith.muli %convert_element_type3A_294, %mul3A_296 : vector<16xi32>
    %add3A_298 = arith.addi %broadcast_in_dim3A_282, %mul3A_297 : vector<16xi32>
    %get3A_299 = arith.constant 560 : index
    %get3A_300 = tpu.vector_load %arg6[%get3A_299] {strides = array<i32>} : memref<2048xf32, #tpu.memory_space<vmem>>, vector<16xf32>,
    %get3A_301 = vector.shape_cast %get3A_300 : vector<16xf32> to vector<16xf32>
    %slice3A_302 = vector.extract_strided_slice %get3A_77 {offsets = [1], sizes = [1], strides = [1]} : vector<16xf32> to vector<1xf32>
    %squeeze3A_303 = vector.extract %slice3A_302[0] : f32 from vector<1xf32>
    %sub3A_304 = vector.broadcast %squeeze3A_303 : f32 to vector<16xf32>
    %sub3A_305 = arith.subf %get3A_301, %sub3A_304 : vector<16xf32>
    %slice3A_306 = vector.extract_strided_slice %get3A_74 {offsets = [1], sizes = [1], strides = [1]} : vector<16xf32> to vector<1xf32>
    %squeeze3A_307 = vector.extract %slice3A_306[0] : f32 from vector<1xf32>
    %div3A_308 = vector.broadcast %squeeze3A_307 : f32 to vector<16xf32>
    %div3A_309 = arith.divf %sub3A_305, %div3A_308 : vector<16xf32>
    %convert_element_type3A_310 = arith.fptosi %div3A_309 : vector<16xf32> to vector<16xi32>
    %mul3A_311 = arith.constant 2809 : i32
    %mul3A_312 = vector.broadcast %mul3A_311 : i32 to vector<16xi32>
    %mul3A_313 = arith.muli %convert_element_type3A_310, %mul3A_312 : vector<16xi32>
    %add3A_314 = arith.addi %add3A_298, %mul3A_313 : vector<16xi32>
    %get3A_315 = arith.constant 1072 : index
    %get3A_316 = tpu.vector_load %arg6[%get3A_315] {strides = array<i32>} : memref<2048xf32, #tpu.memory_space<vmem>>, vector<16xf32>,
    %get3A_317 = vector.shape_cast %get3A_316 : vector<16xf32> to vector<16xf32>
    %slice3A_318 = vector.extract_strided_slice %get3A_77 {offsets = [2], sizes = [1], strides = [1]} : vector<16xf32> to vector<1xf32>
    %squeeze3A_319 = vector.extract %slice3A_318[0] : f32 from vector<1xf32>
    %sub3A_320 = vector.broadcast %squeeze3A_319 : f32 to vector<16xf32>
    %sub3A_321 = arith.subf %get3A_317, %sub3A_320 : vector<16xf32>
    %slice3A_322 = vector.extract_strided_slice %get3A_74 {offsets = [2], sizes = [1], strides = [1]} : vector<16xf32> to vector<1xf32>
    %squeeze3A_323 = vector.extract %slice3A_322[0] : f32 from vector<1xf32>
    %div3A_324 = vector.broadcast %squeeze3A_323 : f32 to vector<16xf32>
    %div3A_325 = arith.divf %sub3A_321, %div3A_324 : vector<16xf32>
    %convert_element_type3A_326 = arith.fptosi %div3A_325 : vector<16xf32> to vector<16xi32>
    %mul3A_327 = arith.constant 53 : i32
    %mul3A_328 = vector.broadcast %mul3A_327 : i32 to vector<16xi32>
    %mul3A_329 = arith.muli %convert_element_type3A_326, %mul3A_328 : vector<16xi32>
    %add3A_330 = arith.addi %add3A_314, %mul3A_329 : vector<16xi32>
    %get3A_331 = arith.constant 1584 : index
    %get3A_332 = tpu.vector_load %arg6[%get3A_331] {strides = array<i32>} : memref<2048xf32, #tpu.memory_space<vmem>>, vector<16xf32>,
    %get3A_333 = vector.shape_cast %get3A_332 : vector<16xf32> to vector<16xf32>
    %slice3A_334 = vector.extract_strided_slice %get3A_77 {offsets = [3], sizes = [1], strides = [1]} : vector<16xf32> to vector<1xf32>
    %squeeze3A_335 = vector.extract %slice3A_334[0] : f32 from vector<1xf32>
    %sub3A_336 = vector.broadcast %squeeze3A_335 : f32 to vector<16xf32>
    %sub3A_337 = arith.subf %get3A_333, %sub3A_336 : vector<16xf32>
    %slice3A_338 = vector.extract_strided_slice %get3A_74 {offsets = [3], sizes = [1], strides = [1]} : vector<16xf32> to vector<1xf32>
    %squeeze3A_339 = vector.extract %slice3A_338[0] : f32 from vector<1xf32>
    %div3A_340 = vector.broadcast %squeeze3A_339 : f32 to vector<16xf32>
    %div3A_341 = arith.divf %sub3A_337, %div3A_340 : vector<16xf32>
    %convert_element_type3A_342 = arith.fptosi %div3A_341 : vector<16xf32> to vector<16xi32>
    %mul3A_343 = arith.constant 1 : i32
    %mul3A_344 = vector.broadcast %mul3A_343 : i32 to vector<16xi32>
    %mul3A_345 = arith.muli %convert_element_type3A_342, %mul3A_344 : vector<16xi32>
    %add3A_346 = arith.addi %add3A_330, %mul3A_345 : vector<16xi32>
    %swap3A_347 = arith.constant 48 : index
    %swap3A_348 = tpu.vector_load %arg9[%swap3A_347] {strides = array<i32>} : memref<512xi32, #tpu.memory_space<vmem>>, vector<16xi32>,
    %swap3A_349 = vector.shape_cast %swap3A_348 : vector<16xi32> to vector<16xi32>
    %swap3A_350 = vector.shape_cast %add3A_346 : vector<16xi32> to vector<16xi32>
    tpu.vector_store %arg9[%swap3A_347], %swap3A_350 {strides = array<i32>} : memref<512xi32, #tpu.memory_space<vmem>>, vector<16xi32>,
    %broadcast_in_dim3A_351 = arith.constant 0 : i32
    %broadcast_in_dim3A_352 = vector.broadcast %broadcast_in_dim3A_351 : i32 to vector<16xi32>
    %get3A_353 = arith.constant 64 : index
    %get3A_354 = tpu.vector_load %arg6[%get3A_353] {strides = array<i32>} : memref<2048xf32, #tpu.memory_space<vmem>>, vector<16xf32>,
    %get3A_355 = vector.shape_cast %get3A_354 : vector<16xf32> to vector<16xf32>
    %slice3A_356 = vector.extract_strided_slice %get3A_77 {offsets = [0], sizes = [1], strides = [1]} : vector<16xf32> to vector<1xf32>
    %squeeze3A_357 = vector.extract %slice3A_356[0] : f32 from vector<1xf32>
    %sub3A_358 = vector.broadcast %squeeze3A_357 : f32 to vector<16xf32>
    %sub3A_359 = arith.subf %get3A_355, %sub3A_358 : vector<16xf32>
    %slice3A_360 = vector.extract_strided_slice %get3A_74 {offsets = [0], sizes = [1], strides = [1]} : vector<16xf32> to vector<1xf32>
    %squeeze3A_361 = vector.extract %slice3A_360[0] : f32 from vector<1xf32>
    %div3A_362 = vector.broadcast %squeeze3A_361 : f32 to vector<16xf32>
    %div3A_363 = arith.divf %sub3A_359, %div3A_362 : vector<16xf32>
    %convert_element_type3A_364 = arith.fptosi %div3A_363 : vector<16xf32> to vector<16xi32>
    %mul3A_365 = arith.constant 148877 : i32
    %mul3A_366 = vector.broadcast %mul3A_365 : i32 to vector<16xi32>
    %mul3A_367 = arith.muli %convert_element_type3A_364, %mul3A_366 : vector<16xi32>
    %add3A_368 = arith.addi %broadcast_in_dim3A_352, %mul3A_367 : vector<16xi32>
    %get3A_369 = arith.constant 576 : index
    %get3A_370 = tpu.vector_load %arg6[%get3A_369] {strides = array<i32>} : memref<2048xf32, #tpu.memory_space<vmem>>, vector<16xf32>,
    %get3A_371 = vector.shape_cast %get3A_370 : vector<16xf32> to vector<16xf32>
    %slice3A_372 = vector.extract_strided_slice %get3A_77 {offsets = [1], sizes = [1], strides = [1]} : vector<16xf32> to vector<1xf32>
    %squeeze3A_373 = vector.extract %slice3A_372[0] : f32 from vector<1xf32>
    %sub3A_374 = vector.broadcast %squeeze3A_373 : f32 to vector<16xf32>
    %sub3A_375 = arith.subf %get3A_371, %sub3A_374 : vector<16xf32>
    %slice3A_376 = vector.extract_strided_slice %get3A_74 {offsets = [1], sizes = [1], strides = [1]} : vector<16xf32> to vector<1xf32>
    %squeeze3A_377 = vector.extract %slice3A_376[0] : f32 from vector<1xf32>
    %div3A_378 = vector.broadcast %squeeze3A_377 : f32 to vector<16xf32>
    %div3A_379 = arith.divf %sub3A_375, %div3A_378 : vector<16xf32>
    %convert_element_type3A_380 = arith.fptosi %div3A_379 : vector<16xf32> to vector<16xi32>
    %mul3A_381 = arith.constant 2809 : i32
    %mul3A_382 = vector.broadcast %mul3A_381 : i32 to vector<16xi32>
    %mul3A_383 = arith.muli %convert_element_type3A_380, %mul3A_382 : vector<16xi32>
    %add3A_384 = arith.addi %add3A_368, %mul3A_383 : vector<16xi32>
    %get3A_385 = arith.constant 1088 : index
    %get3A_386 = tpu.vector_load %arg6[%get3A_385] {strides = array<i32>} : memref<2048xf32, #tpu.memory_space<vmem>>, vector<16xf32>,
    %get3A_387 = vector.shape_cast %get3A_386 : vector<16xf32> to vector<16xf32>
    %slice3A_388 = vector.extract_strided_slice %get3A_77 {offsets = [2], sizes = [1], strides = [1]} : vector<16xf32> to vector<1xf32>
    %squeeze3A_389 = vector.extract %slice3A_388[0] : f32 from vector<1xf32>
    %sub3A_390 = vector.broadcast %squeeze3A_389 : f32 to vector<16xf32>
    %sub3A_391 = arith.subf %get3A_387, %sub3A_390 : vector<16xf32>
    %slice3A_392 = vector.extract_strided_slice %get3A_74 {offsets = [2], sizes = [1], strides = [1]} : vector<16xf32> to vector<1xf32>
    %squeeze3A_393 = vector.extract %slice3A_392[0] : f32 from vector<1xf32>
    %div3A_394 = vector.broadcast %squeeze3A_393 : f32 to vector<16xf32>
    %div3A_395 = arith.divf %sub3A_391, %div3A_394 : vector<16xf32>
    %convert_element_type3A_396 = arith.fptosi %div3A_395 : vector<16xf32> to vector<16xi32>
    %mul3A_397 = arith.constant 53 : i32
    %mul3A_398 = vector.broadcast %mul3A_397 : i32 to vector<16xi32>
    %mul3A_399 = arith.muli %convert_element_type3A_396, %mul3A_398 : vector<16xi32>
    %add3A_400 = arith.addi %add3A_384, %mul3A_399 : vector<16xi32>
    %get3A_401 = arith.constant 1600 : index
    %get3A_402 = tpu.vector_load %arg6[%get3A_401] {strides = array<i32>} : memref<2048xf32, #tpu.memory_space<vmem>>, vector<16xf32>,
    %get3A_403 = vector.shape_cast %get3A_402 : vector<16xf32> to vector<16xf32>
    %slice3A_404 = vector.extract_strided_slice %get3A_77 {offsets = [3], sizes = [1], strides = [1]} : vector<16xf32> to vector<1xf32>
    %squeeze3A_405 = vector.extract %slice3A_404[0] : f32 from vector<1xf32>
    %sub3A_406 = vector.broadcast %squeeze3A_405 : f32 to vector<16xf32>
    %sub3A_407 = arith.subf %get3A_403, %sub3A_406 : vector<16xf32>
    %slice3A_408 = vector.extract_strided_slice %get3A_74 {offsets = [3], sizes = [1], strides = [1]} : vector<16xf32> to vector<1xf32>
    %squeeze3A_409 = vector.extract %slice3A_408[0] : f32 from vector<1xf32>
    %div3A_410 = vector.broadcast %squeeze3A_409 : f32 to vector<16xf32>
    %div3A_411 = arith.divf %sub3A_407, %div3A_410 : vector<16xf32>
    %convert_element_type3A_412 = arith.fptosi %div3A_411 : vector<16xf32> to vector<16xi32>
    %mul3A_413 = arith.constant 1 : i32
    %mul3A_414 = vector.broadcast %mul3A_413 : i32 to vector<16xi32>
    %mul3A_415 = arith.muli %convert_element_type3A_412, %mul3A_414 : vector<16xi32>
    %add3A_416 = arith.addi %add3A_400, %mul3A_415 : vector<16xi32>
    %swap3A_417 = arith.constant 64 : index
    %swap3A_418 = tpu.vector_load %arg9[%swap3A_417] {strides = array<i32>} : memref<512xi32, #tpu.memory_space<vmem>>, vector<16xi32>,
    %swap3A_419 = vector.shape_cast %swap3A_418 : vector<16xi32> to vector<16xi32>
    %swap3A_420 = vector.shape_cast %add3A_416 : vector<16xi32> to vector<16xi32>
    tpu.vector_store %arg9[%swap3A_417], %swap3A_420 {strides = array<i32>} : memref<512xi32, #tpu.memory_space<vmem>>, vector<16xi32>,
    %broadcast_in_dim3A_421 = arith.constant 0 : i32
    %broadcast_in_dim3A_422 = vector.broadcast %broadcast_in_dim3A_421 : i32 to vector<16xi32>
    %get3A_423 = arith.constant 80 : index
    %get3A_424 = tpu.vector_load %arg6[%get3A_423] {strides = array<i32>} : memref<2048xf32, #tpu.memory_space<vmem>>, vector<16xf32>,
    %get3A_425 = vector.shape_cast %get3A_424 : vector<16xf32> to vector<16xf32>
    %slice3A_426 = vector.extract_strided_slice %get3A_77 {offsets = [0], sizes = [1], strides = [1]} : vector<16xf32> to vector<1xf32>
    %squeeze3A_427 = vector.extract %slice3A_426[0] : f32 from vector<1xf32>
    %sub3A_428 = vector.broadcast %squeeze3A_427 : f32 to vector<16xf32>
    %sub3A_429 = arith.subf %get3A_425, %sub3A_428 : vector<16xf32>
    %slice3A_430 = vector.extract_strided_slice %get3A_74 {offsets = [0], sizes = [1], strides = [1]} : vector<16xf32> to vector<1xf32>
    %squeeze3A_431 = vector.extract %slice3A_430[0] : f32 from vector<1xf32>
    %div3A_432 = vector.broadcast %squeeze3A_431 : f32 to vector<16xf32>
    %div3A_433 = arith.divf %sub3A_429, %div3A_432 : vector<16xf32>
    %convert_element_type3A_434 = arith.fptosi %div3A_433 : vector<16xf32> to vector<16xi32>
    %mul3A_435 = arith.constant 148877 : i32
    %mul3A_436 = vector.broadcast %mul3A_435 : i32 to vector<16xi32>
    %mul3A_437 = arith.muli %convert_element_type3A_434, %mul3A_436 : vector<16xi32>
    %add3A_438 = arith.addi %broadcast_in_dim3A_422, %mul3A_437 : vector<16xi32>
    %get3A_439 = arith.constant 592 : index
    %get3A_440 = tpu.vector_load %arg6[%get3A_439] {strides = array<i32>} : memref<2048xf32, #tpu.memory_space<vmem>>, vector<16xf32>,
    %get3A_441 = vector.shape_cast %get3A_440 : vector<16xf32> to vector<16xf32>
    %slice3A_442 = vector.extract_strided_slice %get3A_77 {offsets = [1], sizes = [1], strides = [1]} : vector<16xf32> to vector<1xf32>
    %squeeze3A_443 = vector.extract %slice3A_442[0] : f32 from vector<1xf32>
    %sub3A_444 = vector.broadcast %squeeze3A_443 : f32 to vector<16xf32>
    %sub3A_445 = arith.subf %get3A_441, %sub3A_444 : vector<16xf32>
    %slice3A_446 = vector.extract_strided_slice %get3A_74 {offsets = [1], sizes = [1], strides = [1]} : vector<16xf32> to vector<1xf32>
    %squeeze3A_447 = vector.extract %slice3A_446[0] : f32 from vector<1xf32>
    %div3A_448 = vector.broadcast %squeeze3A_447 : f32 to vector<16xf32>
    %div3A_449 = arith.divf %sub3A_445, %div3A_448 : vector<16xf32>
    %convert_element_type3A_450 = arith.fptosi %div3A_449 : vector<16xf32> to vector<16xi32>
    %mul3A_451 = arith.constant 2809 : i32
    %mul3A_452 = vector.broadcast %mul3A_451 : i32 to vector<16xi32>
    %mul3A_453 = arith.muli %convert_element_type3A_450, %mul3A_452 : vector<16xi32>
    %add3A_454 = arith.addi %add3A_438, %mul3A_453 : vector<16xi32>
    %get3A_455 = arith.constant 1104 : index
    %get3A_456 = tpu.vector_load %arg6[%get3A_455] {strides = array<i32>} : memref<2048xf32, #tpu.memory_space<vmem>>, vector<16xf32>,
    %get3A_457 = vector.shape_cast %get3A_456 : vector<16xf32> to vector<16xf32>
    %slice3A_458 = vector.extract_strided_slice %get3A_77 {offsets = [2], sizes = [1], strides = [1]} : vector<16xf32> to vector<1xf32>
    %squeeze3A_459 = vector.extract %slice3A_458[0] : f32 from vector<1xf32>
    %sub3A_460 = vector.broadcast %squeeze3A_459 : f32 to vector<16xf32>
    %sub3A_461 = arith.subf %get3A_457, %sub3A_460 : vector<16xf32>
    %slice3A_462 = vector.extract_strided_slice %get3A_74 {offsets = [2], sizes = [1], strides = [1]} : vector<16xf32> to vector<1xf32>
    %squeeze3A_463 = vector.extract %slice3A_462[0] : f32 from vector<1xf32>
    %div3A_464 = vector.broadcast %squeeze3A_463 : f32 to vector<16xf32>
    %div3A_465 = arith.divf %sub3A_461, %div3A_464 : vector<16xf32>
    %convert_element_type3A_466 = arith.fptosi %div3A_465 : vector<16xf32> to vector<16xi32>
    %mul3A_467 = arith.constant 53 : i32
    %mul3A_468 = vector.broadcast %mul3A_467 : i32 to vector<16xi32>
    %mul3A_469 = arith.muli %convert_element_type3A_466, %mul3A_468 : vector<16xi32>
    %add3A_470 = arith.addi %add3A_454, %mul3A_469 : vector<16xi32>
    %get3A_471 = arith.constant 1616 : index
    %get3A_472 = tpu.vector_load %arg6[%get3A_471] {strides = array<i32>} : memref<2048xf32, #tpu.memory_space<vmem>>, vector<16xf32>,
    %get3A_473 = vector.shape_cast %get3A_472 : vector<16xf32> to vector<16xf32>
    %slice3A_474 = vector.extract_strided_slice %get3A_77 {offsets = [3], sizes = [1], strides = [1]} : vector<16xf32> to vector<1xf32>
    %squeeze3A_475 = vector.extract %slice3A_474[0] : f32 from vector<1xf32>
    %sub3A_476 = vector.broadcast %squeeze3A_475 : f32 to vector<16xf32>
    %sub3A_477 = arith.subf %get3A_473, %sub3A_476 : vector<16xf32>
    %slice3A_478 = vector.extract_strided_slice %get3A_74 {offsets = [3], sizes = [1], strides = [1]} : vector<16xf32> to vector<1xf32>
    %squeeze3A_479 = vector.extract %slice3A_478[0] : f32 from vector<1xf32>
    %div3A_480 = vector.broadcast %squeeze3A_479 : f32 to vector<16xf32>
    %div3A_481 = arith.divf %sub3A_477, %div3A_480 : vector<16xf32>
    %convert_element_type3A_482 = arith.fptosi %div3A_481 : vector<16xf32> to vector<16xi32>
    %mul3A_483 = arith.constant 1 : i32
    %mul3A_484 = vector.broadcast %mul3A_483 : i32 to vector<16xi32>
    %mul3A_485 = arith.muli %convert_element_type3A_482, %mul3A_484 : vector<16xi32>
    %add3A_486 = arith.addi %add3A_470, %mul3A_485 : vector<16xi32>
    %swap3A_487 = arith.constant 80 : index
    %swap3A_488 = tpu.vector_load %arg9[%swap3A_487] {strides = array<i32>} : memref<512xi32, #tpu.memory_space<vmem>>, vector<16xi32>,
    %swap3A_489 = vector.shape_cast %swap3A_488 : vector<16xi32> to vector<16xi32>
    %swap3A_490 = vector.shape_cast %add3A_486 : vector<16xi32> to vector<16xi32>
    tpu.vector_store %arg9[%swap3A_487], %swap3A_490 {strides = array<i32>} : memref<512xi32, #tpu.memory_space<vmem>>, vector<16xi32>,
    %broadcast_in_dim3A_491 = arith.constant 0 : i32
    %broadcast_in_dim3A_492 = vector.broadcast %broadcast_in_dim3A_491 : i32 to vector<16xi32>
    %get3A_493 = arith.constant 96 : index
    %get3A_494 = tpu.vector_load %arg6[%get3A_493] {strides = array<i32>} : memref<2048xf32, #tpu.memory_space<vmem>>, vector<16xf32>,
    %get3A_495 = vector.shape_cast %get3A_494 : vector<16xf32> to vector<16xf32>
    %slice3A_496 = vector.extract_strided_slice %get3A_77 {offsets = [0], sizes = [1], strides = [1]} : vector<16xf32> to vector<1xf32>
    %squeeze3A_497 = vector.extract %slice3A_496[0] : f32 from vector<1xf32>
    %sub3A_498 = vector.broadcast %squeeze3A_497 : f32 to vector<16xf32>
    %sub3A_499 = arith.subf %get3A_495, %sub3A_498 : vector<16xf32>
    %slice3A_500 = vector.extract_strided_slice %get3A_74 {offsets = [0], sizes = [1], strides = [1]} : vector<16xf32> to vector<1xf32>
    %squeeze3A_501 = vector.extract %slice3A_500[0] : f32 from vector<1xf32>
    %div3A_502 = vector.broadcast %squeeze3A_501 : f32 to vector<16xf32>
    %div3A_503 = arith.divf %sub3A_499, %div3A_502 : vector<16xf32>
    %convert_element_type3A_504 = arith.fptosi %div3A_503 : vector<16xf32> to vector<16xi32>
    %mul3A_505 = arith.constant 148877 : i32
    %mul3A_506 = vector.broadcast %mul3A_505 : i32 to vector<16xi32>
    %mul3A_507 = arith.muli %convert_element_type3A_504, %mul3A_506 : vector<16xi32>
    %add3A_508 = arith.addi %broadcast_in_dim3A_492, %mul3A_507 : vector<16xi32>
    %get3A_509 = arith.constant 608 : index
    %get3A_510 = tpu.vector_load %arg6[%get3A_509] {strides = array<i32>} : memref<2048xf32, #tpu.memory_space<vmem>>, vector<16xf32>,
    %get3A_511 = vector.shape_cast %get3A_510 : vector<16xf32> to vector<16xf32>
    %slice3A_512 = vector.extract_strided_slice %get3A_77 {offsets = [1], sizes = [1], strides = [1]} : vector<16xf32> to vector<1xf32>
    %squeeze3A_513 = vector.extract %slice3A_512[0] : f32 from vector<1xf32>
    %sub3A_514 = vector.broadcast %squeeze3A_513 : f32 to vector<16xf32>
    %sub3A_515 = arith.subf %get3A_511, %sub3A_514 : vector<16xf32>
    %slice3A_516 = vector.extract_strided_slice %get3A_74 {offsets = [1], sizes = [1], strides = [1]} : vector<16xf32> to vector<1xf32>
    %squeeze3A_517 = vector.extract %slice3A_516[0] : f32 from vector<1xf32>
    %div3A_518 = vector.broadcast %squeeze3A_517 : f32 to vector<16xf32>
    %div3A_519 = arith.divf %sub3A_515, %div3A_518 : vector<16xf32>
    %convert_element_type3A_520 = arith.fptosi %div3A_519 : vector<16xf32> to vector<16xi32>
    %mul3A_521 = arith.constant 2809 : i32
    %mul3A_522 = vector.broadcast %mul3A_521 : i32 to vector<16xi32>
    %mul3A_523 = arith.muli %convert_element_type3A_520, %mul3A_522 : vector<16xi32>
    %add3A_524 = arith.addi %add3A_508, %mul3A_523 : vector<16xi32>
    %get3A_525 = arith.constant 1120 : index
    %get3A_526 = tpu.vector_load %arg6[%get3A_525] {strides = array<i32>} : memref<2048xf32, #tpu.memory_space<vmem>>, vector<16xf32>,
    %get3A_527 = vector.shape_cast %get3A_526 : vector<16xf32> to vector<16xf32>
    %slice3A_528 = vector.extract_strided_slice %get3A_77 {offsets = [2], sizes = [1], strides = [1]} : vector<16xf32> to vector<1xf32>
    %squeeze3A_529 = vector.extract %slice3A_528[0] : f32 from vector<1xf32>
    %sub3A_530 = vector.broadcast %squeeze3A_529 : f32 to vector<16xf32>
    %sub3A_531 = arith.subf %get3A_527, %sub3A_530 : vector<16xf32>
    %slice3A_532 = vector.extract_strided_slice %get3A_74 {offsets = [2], sizes = [1], strides = [1]} : vector<16xf32> to vector<1xf32>
    %squeeze3A_533 = vector.extract %slice3A_532[0] : f32 from vector<1xf32>
    %div3A_534 = vector.broadcast %squeeze3A_533 : f32 to vector<16xf32>
    %div3A_535 = arith.divf %sub3A_531, %div3A_534 : vector<16xf32>
    %convert_element_type3A_536 = arith.fptosi %div3A_535 : vector<16xf32> to vector<16xi32>
    %mul3A_537 = arith.constant 53 : i32
    %mul3A_538 = vector.broadcast %mul3A_537 : i32 to vector<16xi32>
    %mul3A_539 = arith.muli %convert_element_type3A_536, %mul3A_538 : vector<16xi32>
    %add3A_540 = arith.addi %add3A_524, %mul3A_539 : vector<16xi32>
    %get3A_541 = arith.constant 1632 : index
    %get3A_542 = tpu.vector_load %arg6[%get3A_541] {strides = array<i32>} : memref<2048xf32, #tpu.memory_space<vmem>>, vector<16xf32>,
    %get3A_543 = vector.shape_cast %get3A_542 : vector<16xf32> to vector<16xf32>
    %slice3A_544 = vector.extract_strided_slice %get3A_77 {offsets = [3], sizes = [1], strides = [1]} : vector<16xf32> to vector<1xf32>
    %squeeze3A_545 = vector.extract %slice3A_544[0] : f32 from vector<1xf32>
    %sub3A_546 = vector.broadcast %squeeze3A_545 : f32 to vector<16xf32>
    %sub3A_547 = arith.subf %get3A_543, %sub3A_546 : vector<16xf32>
    %slice3A_548 = vector.extract_strided_slice %get3A_74 {offsets = [3], sizes = [1], strides = [1]} : vector<16xf32> to vector<1xf32>
    %squeeze3A_549 = vector.extract %slice3A_548[0] : f32 from vector<1xf32>
    %div3A_550 = vector.broadcast %squeeze3A_549 : f32 to vector<16xf32>
    %div3A_551 = arith.divf %sub3A_547, %div3A_550 : vector<16xf32>
    %convert_element_type3A_552 = arith.fptosi %div3A_551 : vector<16xf32> to vector<16xi32>
    %mul3A_553 = arith.constant 1 : i32
    %mul3A_554 = vector.broadcast %mul3A_553 : i32 to vector<16xi32>
    %mul3A_555 = arith.muli %convert_element_type3A_552, %mul3A_554 : vector<16xi32>
    %add3A_556 = arith.addi %add3A_540, %mul3A_555 : vector<16xi32>
    %swap3A_557 = arith.constant 96 : index
    %swap3A_558 = tpu.vector_load %arg9[%swap3A_557] {strides = array<i32>} : memref<512xi32, #tpu.memory_space<vmem>>, vector<16xi32>,
    %swap3A_559 = vector.shape_cast %swap3A_558 : vector<16xi32> to vector<16xi32>
    %swap3A_560 = vector.shape_cast %add3A_556 : vector<16xi32> to vector<16xi32>
    tpu.vector_store %arg9[%swap3A_557], %swap3A_560 {strides = array<i32>} : memref<512xi32, #tpu.memory_space<vmem>>, vector<16xi32>,
    %broadcast_in_dim3A_561 = arith.constant 0 : i32
    %broadcast_in_dim3A_562 = vector.broadcast %broadcast_in_dim3A_561 : i32 to vector<16xi32>
    %get3A_563 = arith.constant 112 : index
    %get3A_564 = tpu.vector_load %arg6[%get3A_563] {strides = array<i32>} : memref<2048xf32, #tpu.memory_space<vmem>>, vector<16xf32>,
    %get3A_565 = vector.shape_cast %get3A_564 : vector<16xf32> to vector<16xf32>
    %slice3A_566 = vector.extract_strided_slice %get3A_77 {offsets = [0], sizes = [1], strides = [1]} : vector<16xf32> to vector<1xf32>
    %squeeze3A_567 = vector.extract %slice3A_566[0] : f32 from vector<1xf32>
    %sub3A_568 = vector.broadcast %squeeze3A_567 : f32 to vector<16xf32>
    %sub3A_569 = arith.subf %get3A_565, %sub3A_568 : vector<16xf32>
    %slice3A_570 = vector.extract_strided_slice %get3A_74 {offsets = [0], sizes = [1], strides = [1]} : vector<16xf32> to vector<1xf32>
    %squeeze3A_571 = vector.extract %slice3A_570[0] : f32 from vector<1xf32>
    %div3A_572 = vector.broadcast %squeeze3A_571 : f32 to vector<16xf32>
    %div3A_573 = arith.divf %sub3A_569, %div3A_572 : vector<16xf32>
    %convert_element_type3A_574 = arith.fptosi %div3A_573 : vector<16xf32> to vector<16xi32>
    %mul3A_575 = arith.constant 148877 : i32
    %mul3A_576 = vector.broadcast %mul3A_575 : i32 to vector<16xi32>
    %mul3A_577 = arith.muli %convert_element_type3A_574, %mul3A_576 : vector<16xi32>
    %add3A_578 = arith.addi %broadcast_in_dim3A_562, %mul3A_577 : vector<16xi32>
    %get3A_579 = arith.constant 624 : index
    %get3A_580 = tpu.vector_load %arg6[%get3A_579] {strides = array<i32>} : memref<2048xf32, #tpu.memory_space<vmem>>, vector<16xf32>,
    %get3A_581 = vector.shape_cast %get3A_580 : vector<16xf32> to vector<16xf32>
    %slice3A_582 = vector.extract_strided_slice %get3A_77 {offsets = [1], sizes = [1], strides = [1]} : vector<16xf32> to vector<1xf32>
    %squeeze3A_583 = vector.extract %slice3A_582[0] : f32 from vector<1xf32>
    %sub3A_584 = vector.broadcast %squeeze3A_583 : f32 to vector<16xf32>
    %sub3A_585 = arith.subf %get3A_581, %sub3A_584 : vector<16xf32>
    %slice3A_586 = vector.extract_strided_slice %get3A_74 {offsets = [1], sizes = [1], strides = [1]} : vector<16xf32> to vector<1xf32>
    %squeeze3A_587 = vector.extract %slice3A_586[0] : f32 from vector<1xf32>
    %div3A_588 = vector.broadcast %squeeze3A_587 : f32 to vector<16xf32>
    %div3A_589 = arith.divf %sub3A_585, %div3A_588 : vector<16xf32>
    %convert_element_type3A_590 = arith.fptosi %div3A_589 : vector<16xf32> to vector<16xi32>
    %mul3A_591 = arith.constant 2809 : i32
    %mul3A_592 = vector.broadcast %mul3A_591 : i32 to vector<16xi32>
    %mul3A_593 = arith.muli %convert_element_type3A_590, %mul3A_592 : vector<16xi32>
    %add3A_594 = arith.addi %add3A_578, %mul3A_593 : vector<16xi32>
    %get3A_595 = arith.constant 1136 : index
    %get3A_596 = tpu.vector_load %arg6[%get3A_595] {strides = array<i32>} : memref<2048xf32, #tpu.memory_space<vmem>>, vector<16xf32>,
    %get3A_597 = vector.shape_cast %get3A_596 : vector<16xf32> to vector<16xf32>
    %slice3A_598 = vector.extract_strided_slice %get3A_77 {offsets = [2], sizes = [1], strides = [1]} : vector<16xf32> to vector<1xf32>
    %squeeze3A_599 = vector.extract %slice3A_598[0] : f32 from vector<1xf32>
    %sub3A_600 = vector.broadcast %squeeze3A_599 : f32 to vector<16xf32>
    %sub3A_601 = arith.subf %get3A_597, %sub3A_600 : vector<16xf32>
    %slice3A_602 = vector.extract_strided_slice %get3A_74 {offsets = [2], sizes = [1], strides = [1]} : vector<16xf32> to vector<1xf32>
    %squeeze3A_603 = vector.extract %slice3A_602[0] : f32 from vector<1xf32>
    %div3A_604 = vector.broadcast %squeeze3A_603 : f32 to vector<16xf32>
    %div3A_605 = arith.divf %sub3A_601, %div3A_604 : vector<16xf32>
    %convert_element_type3A_606 = arith.fptosi %div3A_605 : vector<16xf32> to vector<16xi32>
    %mul3A_607 = arith.constant 53 : i32
    %mul3A_608 = vector.broadcast %mul3A_607 : i32 to vector<16xi32>
    %mul3A_609 = arith.muli %convert_element_type3A_606, %mul3A_608 : vector<16xi32>
    %add3A_610 = arith.addi %add3A_594, %mul3A_609 : vector<16xi32>
    %get3A_611 = arith.constant 1648 : index
    %get3A_612 = tpu.vector_load %arg6[%get3A_611] {strides = array<i32>} : memref<2048xf32, #tpu.memory_space<vmem>>, vector<16xf32>,
    %get3A_613 = vector.shape_cast %get3A_612 : vector<16xf32> to vector<16xf32>
    %slice3A_614 = vector.extract_strided_slice %get3A_77 {offsets = [3], sizes = [1], strides = [1]} : vector<16xf32> to vector<1xf32>
    %squeeze3A_615 = vector.extract %slice3A_614[0] : f32 from vector<1xf32>
    %sub3A_616 = vector.broadcast %squeeze3A_615 : f32 to vector<16xf32>
    %sub3A_617 = arith.subf %get3A_613, %sub3A_616 : vector<16xf32>
    %slice3A_618 = vector.extract_strided_slice %get3A_74 {offsets = [3], sizes = [1], strides = [1]} : vector<16xf32> to vector<1xf32>
    %squeeze3A_619 = vector.extract %slice3A_618[0] : f32 from vector<1xf32>
    %div3A_620 = vector.broadcast %squeeze3A_619 : f32 to vector<16xf32>
    %div3A_621 = arith.divf %sub3A_617, %div3A_620 : vector<16xf32>
    %convert_element_type3A_622 = arith.fptosi %div3A_621 : vector<16xf32> to vector<16xi32>
    %mul3A_623 = arith.constant 1 : i32
    %mul3A_624 = vector.broadcast %mul3A_623 : i32 to vector<16xi32>
    %mul3A_625 = arith.muli %convert_element_type3A_622, %mul3A_624 : vector<16xi32>
    %add3A_626 = arith.addi %add3A_610, %mul3A_625 : vector<16xi32>
    %swap3A_627 = arith.constant 112 : index
    %swap3A_628 = tpu.vector_load %arg9[%swap3A_627] {strides = array<i32>} : memref<512xi32, #tpu.memory_space<vmem>>, vector<16xi32>,
    %swap3A_629 = vector.shape_cast %swap3A_628 : vector<16xi32> to vector<16xi32>
    %swap3A_630 = vector.shape_cast %add3A_626 : vector<16xi32> to vector<16xi32>
    tpu.vector_store %arg9[%swap3A_627], %swap3A_630 {strides = array<i32>} : memref<512xi32, #tpu.memory_space<vmem>>, vector<16xi32>,
    %broadcast_in_dim3A_631 = arith.constant 0 : i32
    %broadcast_in_dim3A_632 = vector.broadcast %broadcast_in_dim3A_631 : i32 to vector<16xi32>
    %get3A_633 = arith.constant 128 : index
    %get3A_634 = tpu.vector_load %arg6[%get3A_633] {strides = array<i32>} : memref<2048xf32, #tpu.memory_space<vmem>>, vector<16xf32>,
    %get3A_635 = vector.shape_cast %get3A_634 : vector<16xf32> to vector<16xf32>
    %slice3A_636 = vector.extract_strided_slice %get3A_77 {offsets = [0], sizes = [1], strides = [1]} : vector<16xf32> to vector<1xf32>
    %squeeze3A_637 = vector.extract %slice3A_636[0] : f32 from vector<1xf32>
    %sub3A_638 = vector.broadcast %squeeze3A_637 : f32 to vector<16xf32>
    %sub3A_639 = arith.subf %get3A_635, %sub3A_638 : vector<16xf32>
    %slice3A_640 = vector.extract_strided_slice %get3A_74 {offsets = [0], sizes = [1], strides = [1]} : vector<16xf32> to vector<1xf32>
    %squeeze3A_641 = vector.extract %slice3A_640[0] : f32 from vector<1xf32>
    %div3A_642 = vector.broadcast %squeeze3A_641 : f32 to vector<16xf32>
    %div3A_643 = arith.divf %sub3A_639, %div3A_642 : vector<16xf32>
    %convert_element_type3A_644 = arith.fptosi %div3A_643 : vector<16xf32> to vector<16xi32>
    %mul3A_645 = arith.constant 148877 : i32
    %mul3A_646 = vector.broadcast %mul3A_645 : i32 to vector<16xi32>
    %mul3A_647 = arith.muli %convert_element_type3A_644, %mul3A_646 : vector<16xi32>
    %add3A_648 = arith.addi %broadcast_in_dim3A_632, %mul3A_647 : vector<16xi32>
    %get3A_649 = arith.constant 640 : index
    %get3A_650 = tpu.vector_load %arg6[%get3A_649] {strides = array<i32>} : memref<2048xf32, #tpu.memory_space<vmem>>, vector<16xf32>,
    %get3A_651 = vector.shape_cast %get3A_650 : vector<16xf32> to vector<16xf32>
    %slice3A_652 = vector.extract_strided_slice %get3A_77 {offsets = [1], sizes = [1], strides = [1]} : vector<16xf32> to vector<1xf32>
    %squeeze3A_653 = vector.extract %slice3A_652[0] : f32 from vector<1xf32>
    %sub3A_654 = vector.broadcast %squeeze3A_653 : f32 to vector<16xf32>
    %sub3A_655 = arith.subf %get3A_651, %sub3A_654 : vector<16xf32>
    %slice3A_656 = vector.extract_strided_slice %get3A_74 {offsets = [1], sizes = [1], strides = [1]} : vector<16xf32> to vector<1xf32>
    %squeeze3A_657 = vector.extract %slice3A_656[0] : f32 from vector<1xf32>
    %div3A_658 = vector.broadcast %squeeze3A_657 : f32 to vector<16xf32>
    %div3A_659 = arith.divf %sub3A_655, %div3A_658 : vector<16xf32>
    %convert_element_type3A_660 = arith.fptosi %div3A_659 : vector<16xf32> to vector<16xi32>
    %mul3A_661 = arith.constant 2809 : i32
    %mul3A_662 = vector.broadcast %mul3A_661 : i32 to vector<16xi32>
    %mul3A_663 = arith.muli %convert_element_type3A_660, %mul3A_662 : vector<16xi32>
    %add3A_664 = arith.addi %add3A_648, %mul3A_663 : vector<16xi32>
    %get3A_665 = arith.constant 1152 : index
    %get3A_666 = tpu.vector_load %arg6[%get3A_665] {strides = array<i32>} : memref<2048xf32, #tpu.memory_space<vmem>>, vector<16xf32>,
    %get3A_667 = vector.shape_cast %get3A_666 : vector<16xf32> to vector<16xf32>
    %slice3A_668 = vector.extract_strided_slice %get3A_77 {offsets = [2], sizes = [1], strides = [1]} : vector<16xf32> to vector<1xf32>
    %squeeze3A_669 = vector.extract %slice3A_668[0] : f32 from vector<1xf32>
    %sub3A_670 = vector.broadcast %squeeze3A_669 : f32 to vector<16xf32>
    %sub3A_671 = arith.subf %get3A_667, %sub3A_670 : vector<16xf32>
    %slice3A_672 = vector.extract_strided_slice %get3A_74 {offsets = [2], sizes = [1], strides = [1]} : vector<16xf32> to vector<1xf32>
    %squeeze3A_673 = vector.extract %slice3A_672[0] : f32 from vector<1xf32>
    %div3A_674 = vector.broadcast %squeeze3A_673 : f32 to vector<16xf32>
    %div3A_675 = arith.divf %sub3A_671, %div3A_674 : vector<16xf32>
    %convert_element_type3A_676 = arith.fptosi %div3A_675 : vector<16xf32> to vector<16xi32>
    %mul3A_677 = arith.constant 53 : i32
    %mul3A_678 = vector.broadcast %mul3A_677 : i32 to vector<16xi32>
    %mul3A_679 = arith.muli %convert_element_type3A_676, %mul3A_678 : vector<16xi32>
    %add3A_680 = arith.addi %add3A_664, %mul3A_679 : vector<16xi32>
    %get3A_681 = arith.constant 1664 : index
    %get3A_682 = tpu.vector_load %arg6[%get3A_681] {strides = array<i32>} : memref<2048xf32, #tpu.memory_space<vmem>>, vector<16xf32>,
    %get3A_683 = vector.shape_cast %get3A_682 : vector<16xf32> to vector<16xf32>
    %slice3A_684 = vector.extract_strided_slice %get3A_77 {offsets = [3], sizes = [1], strides = [1]} : vector<16xf32> to vector<1xf32>
    %squeeze3A_685 = vector.extract %slice3A_684[0] : f32 from vector<1xf32>
    %sub3A_686 = vector.broadcast %squeeze3A_685 : f32 to vector<16xf32>
    %sub3A_687 = arith.subf %get3A_683, %sub3A_686 : vector<16xf32>
    %slice3A_688 = vector.extract_strided_slice %get3A_74 {offsets = [3], sizes = [1], strides = [1]} : vector<16xf32> to vector<1xf32>
    %squeeze3A_689 = vector.extract %slice3A_688[0] : f32 from vector<1xf32>
    %div3A_690 = vector.broadcast %squeeze3A_689 : f32 to vector<16xf32>
    %div3A_691 = arith.divf %sub3A_687, %div3A_690 : vector<16xf32>
    %convert_element_type3A_692 = arith.fptosi %div3A_691 : vector<16xf32> to vector<16xi32>
    %mul3A_693 = arith.constant 1 : i32
    %mul3A_694 = vector.broadcast %mul3A_693 : i32 to vector<16xi32>
    %mul3A_695 = arith.muli %convert_element_type3A_692, %mul3A_694 : vector<16xi32>
    %add3A_696 = arith.addi %add3A_680, %mul3A_695 : vector<16xi32>
    %swap3A_697 = arith.constant 128 : index
    %swap3A_698 = tpu.vector_load %arg9[%swap3A_697] {strides = array<i32>} : memref<512xi32, #tpu.memory_space<vmem>>, vector<16xi32>,
    %swap3A_699 = vector.shape_cast %swap3A_698 : vector<16xi32> to vector<16xi32>
    %swap3A_700 = vector.shape_cast %add3A_696 : vector<16xi32> to vector<16xi32>
    tpu.vector_store %arg9[%swap3A_697], %swap3A_700 {strides = array<i32>} : memref<512xi32, #tpu.memory_space<vmem>>, vector<16xi32>,
    %broadcast_in_dim3A_701 = arith.constant 0 : i32
    %broadcast_in_dim3A_702 = vector.broadcast %broadcast_in_dim3A_701 : i32 to vector<16xi32>
    %get3A_703 = arith.constant 144 : index
    %get3A_704 = tpu.vector_load %arg6[%get3A_703] {strides = array<i32>} : memref<2048xf32, #tpu.memory_space<vmem>>, vector<16xf32>,
    %get3A_705 = vector.shape_cast %get3A_704 : vector<16xf32> to vector<16xf32>
    %slice3A_706 = vector.extract_strided_slice %get3A_77 {offsets = [0], sizes = [1], strides = [1]} : vector<16xf32> to vector<1xf32>
    %squeeze3A_707 = vector.extract %slice3A_706[0] : f32 from vector<1xf32>
    %sub3A_708 = vector.broadcast %squeeze3A_707 : f32 to vector<16xf32>
    %sub3A_709 = arith.subf %get3A_705, %sub3A_708 : vector<16xf32>
    %slice3A_710 = vector.extract_strided_slice %get3A_74 {offsets = [0], sizes = [1], strides = [1]} : vector<16xf32> to vector<1xf32>
    %squeeze3A_711 = vector.extract %slice3A_710[0] : f32 from vector<1xf32>
    %div3A_712 = vector.broadcast %squeeze3A_711 : f32 to vector<16xf32>
    %div3A_713 = arith.divf %sub3A_709, %div3A_712 : vector<16xf32>
    %convert_element_type3A_714 = arith.fptosi %div3A_713 : vector<16xf32> to vector<16xi32>
    %mul3A_715 = arith.constant 148877 : i32
    %mul3A_716 = vector.broadcast %mul3A_715 : i32 to vector<16xi32>
    %mul3A_717 = arith.muli %convert_element_type3A_714, %mul3A_716 : vector<16xi32>
    %add3A_718 = arith.addi %broadcast_in_dim3A_702, %mul3A_717 : vector<16xi32>
    %get3A_719 = arith.constant 656 : index
    %get3A_720 = tpu.vector_load %arg6[%get3A_719] {strides = array<i32>} : memref<2048xf32, #tpu.memory_space<vmem>>, vector<16xf32>,
    %get3A_721 = vector.shape_cast %get3A_720 : vector<16xf32> to vector<16xf32>
    %slice3A_722 = vector.extract_strided_slice %get3A_77 {offsets = [1], sizes = [1], strides = [1]} : vector<16xf32> to vector<1xf32>
    %squeeze3A_723 = vector.extract %slice3A_722[0] : f32 from vector<1xf32>
    %sub3A_724 = vector.broadcast %squeeze3A_723 : f32 to vector<16xf32>
    %sub3A_725 = arith.subf %get3A_721, %sub3A_724 : vector<16xf32>
    %slice3A_726 = vector.extract_strided_slice %get3A_74 {offsets = [1], sizes = [1], strides = [1]} : vector<16xf32> to vector<1xf32>
    %squeeze3A_727 = vector.extract %slice3A_726[0] : f32 from vector<1xf32>
    %div3A_728 = vector.broadcast %squeeze3A_727 : f32 to vector<16xf32>
    %div3A_729 = arith.divf %sub3A_725, %div3A_728 : vector<16xf32>
    %convert_element_type3A_730 = arith.fptosi %div3A_729 : vector<16xf32> to vector<16xi32>
    %mul3A_731 = arith.constant 2809 : i32
    %mul3A_732 = vector.broadcast %mul3A_731 : i32 to vector<16xi32>
    %mul3A_733 = arith.muli %convert_element_type3A_730, %mul3A_732 : vector<16xi32>
    %add3A_734 = arith.addi %add3A_718, %mul3A_733 : vector<16xi32>
    %get3A_735 = arith.constant 1168 : index
    %get3A_736 = tpu.vector_load %arg6[%get3A_735] {strides = array<i32>} : memref<2048xf32, #tpu.memory_space<vmem>>, vector<16xf32>,
    %get3A_737 = vector.shape_cast %get3A_736 : vector<16xf32> to vector<16xf32>
    %slice3A_738 = vector.extract_strided_slice %get3A_77 {offsets = [2], sizes = [1], strides = [1]} : vector<16xf32> to vector<1xf32>
    %squeeze3A_739 = vector.extract %slice3A_738[0] : f32 from vector<1xf32>
    %sub3A_740 = vector.broadcast %squeeze3A_739 : f32 to vector<16xf32>
    %sub3A_741 = arith.subf %get3A_737, %sub3A_740 : vector<16xf32>
    %slice3A_742 = vector.extract_strided_slice %get3A_74 {offsets = [2], sizes = [1], strides = [1]} : vector<16xf32> to vector<1xf32>
    %squeeze3A_743 = vector.extract %slice3A_742[0] : f32 from vector<1xf32>
    %div3A_744 = vector.broadcast %squeeze3A_743 : f32 to vector<16xf32>
    %div3A_745 = arith.divf %sub3A_741, %div3A_744 : vector<16xf32>
    %convert_element_type3A_746 = arith.fptosi %div3A_745 : vector<16xf32> to vector<16xi32>
    %mul3A_747 = arith.constant 53 : i32
    %mul3A_748 = vector.broadcast %mul3A_747 : i32 to vector<16xi32>
    %mul3A_749 = arith.muli %convert_element_type3A_746, %mul3A_748 : vector<16xi32>
    %add3A_750 = arith.addi %add3A_734, %mul3A_749 : vector<16xi32>
    %get3A_751 = arith.constant 1680 : index
    %get3A_752 = tpu.vector_load %arg6[%get3A_751] {strides = array<i32>} : memref<2048xf32, #tpu.memory_space<vmem>>, vector<16xf32>,
    %get3A_753 = vector.shape_cast %get3A_752 : vector<16xf32> to vector<16xf32>
    %slice3A_754 = vector.extract_strided_slice %get3A_77 {offsets = [3], sizes = [1], strides = [1]} : vector<16xf32> to vector<1xf32>
    %squeeze3A_755 = vector.extract %slice3A_754[0] : f32 from vector<1xf32>
    %sub3A_756 = vector.broadcast %squeeze3A_755 : f32 to vector<16xf32>
    %sub3A_757 = arith.subf %get3A_753, %sub3A_756 : vector<16xf32>
    %slice3A_758 = vector.extract_strided_slice %get3A_74 {offsets = [3], sizes = [1], strides = [1]} : vector<16xf32> to vector<1xf32>
    %squeeze3A_759 = vector.extract %slice3A_758[0] : f32 from vector<1xf32>
    %div3A_760 = vector.broadcast %squeeze3A_759 : f32 to vector<16xf32>
    %div3A_761 = arith.divf %sub3A_757, %div3A_760 : vector<16xf32>
    %convert_element_type3A_762 = arith.fptosi %div3A_761 : vector<16xf32> to vector<16xi32>
    %mul3A_763 = arith.constant 1 : i32
    %mul3A_764 = vector.broadcast %mul3A_763 : i32 to vector<16xi32>
    %mul3A_765 = arith.muli %convert_element_type3A_762, %mul3A_764 : vector<16xi32>
    %add3A_766 = arith.addi %add3A_750, %mul3A_765 : vector<16xi32>
    %swap3A_767 = arith.constant 144 : index
    %swap3A_768 = tpu.vector_load %arg9[%swap3A_767] {strides = array<i32>} : memref<512xi32, #tpu.memory_space<vmem>>, vector<16xi32>,
    %swap3A_769 = vector.shape_cast %swap3A_768 : vector<16xi32> to vector<16xi32>
    %swap3A_770 = vector.shape_cast %add3A_766 : vector<16xi32> to vector<16xi32>
    tpu.vector_store %arg9[%swap3A_767], %swap3A_770 {strides = array<i32>} : memref<512xi32, #tpu.memory_space<vmem>>, vector<16xi32>,
    %broadcast_in_dim3A_771 = arith.constant 0 : i32
    %broadcast_in_dim3A_772 = vector.broadcast %broadcast_in_dim3A_771 : i32 to vector<16xi32>
    %get3A_773 = arith.constant 160 : index
    %get3A_774 = tpu.vector_load %arg6[%get3A_773] {strides = array<i32>} : memref<2048xf32, #tpu.memory_space<vmem>>, vector<16xf32>,
    %get3A_775 = vector.shape_cast %get3A_774 : vector<16xf32> to vector<16xf32>
    %slice3A_776 = vector.extract_strided_slice %get3A_77 {offsets = [0], sizes = [1], strides = [1]} : vector<16xf32> to vector<1xf32>
    %squeeze3A_777 = vector.extract %slice3A_776[0] : f32 from vector<1xf32>
    %sub3A_778 = vector.broadcast %squeeze3A_777 : f32 to vector<16xf32>
    %sub3A_779 = arith.subf %get3A_775, %sub3A_778 : vector<16xf32>
    %slice3A_780 = vector.extract_strided_slice %get3A_74 {offsets = [0], sizes = [1], strides = [1]} : vector<16xf32> to vector<1xf32>
    %squeeze3A_781 = vector.extract %slice3A_780[0] : f32 from vector<1xf32>
    %div3A_782 = vector.broadcast %squeeze3A_781 : f32 to vector<16xf32>
    %div3A_783 = arith.divf %sub3A_779, %div3A_782 : vector<16xf32>
    %convert_element_type3A_784 = arith.fptosi %div3A_783 : vector<16xf32> to vector<16xi32>
    %mul3A_785 = arith.constant 148877 : i32
    %mul3A_786 = vector.broadcast %mul3A_785 : i32 to vector<16xi32>
    %mul3A_787 = arith.muli %convert_element_type3A_784, %mul3A_786 : vector<16xi32>
    %add3A_788 = arith.addi %broadcast_in_dim3A_772, %mul3A_787 : vector<16xi32>
    %get3A_789 = arith.constant 672 : index
    %get3A_790 = tpu.vector_load %arg6[%get3A_789] {strides = array<i32>} : memref<2048xf32, #tpu.memory_space<vmem>>, vector<16xf32>,
    %get3A_791 = vector.shape_cast %get3A_790 : vector<16xf32> to vector<16xf32>
    %slice3A_792 = vector.extract_strided_slice %get3A_77 {offsets = [1], sizes = [1], strides = [1]} : vector<16xf32> to vector<1xf32>
    %squeeze3A_793 = vector.extract %slice3A_792[0] : f32 from vector<1xf32>
    %sub3A_794 = vector.broadcast %squeeze3A_793 : f32 to vector<16xf32>
    %sub3A_795 = arith.subf %get3A_791, %sub3A_794 : vector<16xf32>
    %slice3A_796 = vector.extract_strided_slice %get3A_74 {offsets = [1], sizes = [1], strides = [1]} : vector<16xf32> to vector<1xf32>
    %squeeze3A_797 = vector.extract %slice3A_796[0] : f32 from vector<1xf32>
    %div3A_798 = vector.broadcast %squeeze3A_797 : f32 to vector<16xf32>
    %div3A_799 = arith.divf %sub3A_795, %div3A_798 : vector<16xf32>
    %convert_element_type3A_800 = arith.fptosi %div3A_799 : vector<16xf32> to vector<16xi32>
    %mul3A_801 = arith.constant 2809 : i32
    %mul3A_802 = vector.broadcast %mul3A_801 : i32 to vector<16xi32>
    %mul3A_803 = arith.muli %convert_element_type3A_800, %mul3A_802 : vector<16xi32>
    %add3A_804 = arith.addi %add3A_788, %mul3A_803 : vector<16xi32>
    %get3A_805 = arith.constant 1184 : index
    %get3A_806 = tpu.vector_load %arg6[%get3A_805] {strides = array<i32>} : memref<2048xf32, #tpu.memory_space<vmem>>, vector<16xf32>,
    %get3A_807 = vector.shape_cast %get3A_806 : vector<16xf32> to vector<16xf32>
    %slice3A_808 = vector.extract_strided_slice %get3A_77 {offsets = [2], sizes = [1], strides = [1]} : vector<16xf32> to vector<1xf32>
    %squeeze3A_809 = vector.extract %slice3A_808[0] : f32 from vector<1xf32>
    %sub3A_810 = vector.broadcast %squeeze3A_809 : f32 to vector<16xf32>
    %sub3A_811 = arith.subf %get3A_807, %sub3A_810 : vector<16xf32>
    %slice3A_812 = vector.extract_strided_slice %get3A_74 {offsets = [2], sizes = [1], strides = [1]} : vector<16xf32> to vector<1xf32>
    %squeeze3A_813 = vector.extract %slice3A_812[0] : f32 from vector<1xf32>
    %div3A_814 = vector.broadcast %squeeze3A_813 : f32 to vector<16xf32>
    %div3A_815 = arith.divf %sub3A_811, %div3A_814 : vector<16xf32>
    %convert_element_type3A_816 = arith.fptosi %div3A_815 : vector<16xf32> to vector<16xi32>
    %mul3A_817 = arith.constant 53 : i32
    %mul3A_818 = vector.broadcast %mul3A_817 : i32 to vector<16xi32>
    %mul3A_819 = arith.muli %convert_element_type3A_816, %mul3A_818 : vector<16xi32>
    %add3A_820 = arith.addi %add3A_804, %mul3A_819 : vector<16xi32>
    %get3A_821 = arith.constant 1696 : index
    %get3A_822 = tpu.vector_load %arg6[%get3A_821] {strides = array<i32>} : memref<2048xf32, #tpu.memory_space<vmem>>, vector<16xf32>,
    %get3A_823 = vector.shape_cast %get3A_822 : vector<16xf32> to vector<16xf32>
    %slice3A_824 = vector.extract_strided_slice %get3A_77 {offsets = [3], sizes = [1], strides = [1]} : vector<16xf32> to vector<1xf32>
    %squeeze3A_825 = vector.extract %slice3A_824[0] : f32 from vector<1xf32>
    %sub3A_826 = vector.broadcast %squeeze3A_825 : f32 to vector<16xf32>
    %sub3A_827 = arith.subf %get3A_823, %sub3A_826 : vector<16xf32>
    %slice3A_828 = vector.extract_strided_slice %get3A_74 {offsets = [3], sizes = [1], strides = [1]} : vector<16xf32> to vector<1xf32>
    %squeeze3A_829 = vector.extract %slice3A_828[0] : f32 from vector<1xf32>
    %div3A_830 = vector.broadcast %squeeze3A_829 : f32 to vector<16xf32>
    %div3A_831 = arith.divf %sub3A_827, %div3A_830 : vector<16xf32>
    %convert_element_type3A_832 = arith.fptosi %div3A_831 : vector<16xf32> to vector<16xi32>
    %mul3A_833 = arith.constant 1 : i32
    %mul3A_834 = vector.broadcast %mul3A_833 : i32 to vector<16xi32>
    %mul3A_835 = arith.muli %convert_element_type3A_832, %mul3A_834 : vector<16xi32>
    %add3A_836 = arith.addi %add3A_820, %mul3A_835 : vector<16xi32>
    %swap3A_837 = arith.constant 160 : index
    %swap3A_838 = tpu.vector_load %arg9[%swap3A_837] {strides = array<i32>} : memref<512xi32, #tpu.memory_space<vmem>>, vector<16xi32>,
    %swap3A_839 = vector.shape_cast %swap3A_838 : vector<16xi32> to vector<16xi32>
    %swap3A_840 = vector.shape_cast %add3A_836 : vector<16xi32> to vector<16xi32>
    tpu.vector_store %arg9[%swap3A_837], %swap3A_840 {strides = array<i32>} : memref<512xi32, #tpu.memory_space<vmem>>, vector<16xi32>,
    %broadcast_in_dim3A_841 = arith.constant 0 : i32
    %broadcast_in_dim3A_842 = vector.broadcast %broadcast_in_dim3A_841 : i32 to vector<16xi32>
    %get3A_843 = arith.constant 176 : index
    %get3A_844 = tpu.vector_load %arg6[%get3A_843] {strides = array<i32>} : memref<2048xf32, #tpu.memory_space<vmem>>, vector<16xf32>,
    %get3A_845 = vector.shape_cast %get3A_844 : vector<16xf32> to vector<16xf32>
    %slice3A_846 = vector.extract_strided_slice %get3A_77 {offsets = [0], sizes = [1], strides = [1]} : vector<16xf32> to vector<1xf32>
    %squeeze3A_847 = vector.extract %slice3A_846[0] : f32 from vector<1xf32>
    %sub3A_848 = vector.broadcast %squeeze3A_847 : f32 to vector<16xf32>
    %sub3A_849 = arith.subf %get3A_845, %sub3A_848 : vector<16xf32>
    %slice3A_850 = vector.extract_strided_slice %get3A_74 {offsets = [0], sizes = [1], strides = [1]} : vector<16xf32> to vector<1xf32>
    %squeeze3A_851 = vector.extract %slice3A_850[0] : f32 from vector<1xf32>
    %div3A_852 = vector.broadcast %squeeze3A_851 : f32 to vector<16xf32>
    %div3A_853 = arith.divf %sub3A_849, %div3A_852 : vector<16xf32>
    %convert_element_type3A_854 = arith.fptosi %div3A_853 : vector<16xf32> to vector<16xi32>
    %mul3A_855 = arith.constant 148877 : i32
    %mul3A_856 = vector.broadcast %mul3A_855 : i32 to vector<16xi32>
    %mul3A_857 = arith.muli %convert_element_type3A_854, %mul3A_856 : vector<16xi32>
    %add3A_858 = arith.addi %broadcast_in_dim3A_842, %mul3A_857 : vector<16xi32>
    %get3A_859 = arith.constant 688 : index
    %get3A_860 = tpu.vector_load %arg6[%get3A_859] {strides = array<i32>} : memref<2048xf32, #tpu.memory_space<vmem>>, vector<16xf32>,
    %get3A_861 = vector.shape_cast %get3A_860 : vector<16xf32> to vector<16xf32>
    %slice3A_862 = vector.extract_strided_slice %get3A_77 {offsets = [1], sizes = [1], strides = [1]} : vector<16xf32> to vector<1xf32>
    %squeeze3A_863 = vector.extract %slice3A_862[0] : f32 from vector<1xf32>
    %sub3A_864 = vector.broadcast %squeeze3A_863 : f32 to vector<16xf32>
    %sub3A_865 = arith.subf %get3A_861, %sub3A_864 : vector<16xf32>
    %slice3A_866 = vector.extract_strided_slice %get3A_74 {offsets = [1], sizes = [1], strides = [1]} : vector<16xf32> to vector<1xf32>
    %squeeze3A_867 = vector.extract %slice3A_866[0] : f32 from vector<1xf32>
    %div3A_868 = vector.broadcast %squeeze3A_867 : f32 to vector<16xf32>
    %div3A_869 = arith.divf %sub3A_865, %div3A_868 : vector<16xf32>
    %convert_element_type3A_870 = arith.fptosi %div3A_869 : vector<16xf32> to vector<16xi32>
    %mul3A_871 = arith.constant 2809 : i32
    %mul3A_872 = vector.broadcast %mul3A_871 : i32 to vector<16xi32>
    %mul3A_873 = arith.muli %convert_element_type3A_870, %mul3A_872 : vector<16xi32>
    %add3A_874 = arith.addi %add3A_858, %mul3A_873 : vector<16xi32>
    %get3A_875 = arith.constant 1200 : index
    %get3A_876 = tpu.vector_load %arg6[%get3A_875] {strides = array<i32>} : memref<2048xf32, #tpu.memory_space<vmem>>, vector<16xf32>,
    %get3A_877 = vector.shape_cast %get3A_876 : vector<16xf32> to vector<16xf32>
    %slice3A_878 = vector.extract_strided_slice %get3A_77 {offsets = [2], sizes = [1], strides = [1]} : vector<16xf32> to vector<1xf32>
    %squeeze3A_879 = vector.extract %slice3A_878[0] : f32 from vector<1xf32>
    %sub3A_880 = vector.broadcast %squeeze3A_879 : f32 to vector<16xf32>
    %sub3A_881 = arith.subf %get3A_877, %sub3A_880 : vector<16xf32>
    %slice3A_882 = vector.extract_strided_slice %get3A_74 {offsets = [2], sizes = [1], strides = [1]} : vector<16xf32> to vector<1xf32>
    %squeeze3A_883 = vector.extract %slice3A_882[0] : f32 from vector<1xf32>
    %div3A_884 = vector.broadcast %squeeze3A_883 : f32 to vector<16xf32>
    %div3A_885 = arith.divf %sub3A_881, %div3A_884 : vector<16xf32>
    %convert_element_type3A_886 = arith.fptosi %div3A_885 : vector<16xf32> to vector<16xi32>
    %mul3A_887 = arith.constant 53 : i32
    %mul3A_888 = vector.broadcast %mul3A_887 : i32 to vector<16xi32>
    %mul3A_889 = arith.muli %convert_element_type3A_886, %mul3A_888 : vector<16xi32>
    %add3A_890 = arith.addi %add3A_874, %mul3A_889 : vector<16xi32>
    %get3A_891 = arith.constant 1712 : index
    %get3A_892 = tpu.vector_load %arg6[%get3A_891] {strides = array<i32>} : memref<2048xf32, #tpu.memory_space<vmem>>, vector<16xf32>,
    %get3A_893 = vector.shape_cast %get3A_892 : vector<16xf32> to vector<16xf32>
    %slice3A_894 = vector.extract_strided_slice %get3A_77 {offsets = [3], sizes = [1], strides = [1]} : vector<16xf32> to vector<1xf32>
    %squeeze3A_895 = vector.extract %slice3A_894[0] : f32 from vector<1xf32>
    %sub3A_896 = vector.broadcast %squeeze3A_895 : f32 to vector<16xf32>
    %sub3A_897 = arith.subf %get3A_893, %sub3A_896 : vector<16xf32>
    %slice3A_898 = vector.extract_strided_slice %get3A_74 {offsets = [3], sizes = [1], strides = [1]} : vector<16xf32> to vector<1xf32>
    %squeeze3A_899 = vector.extract %slice3A_898[0] : f32 from vector<1xf32>
    %div3A_900 = vector.broadcast %squeeze3A_899 : f32 to vector<16xf32>
    %div3A_901 = arith.divf %sub3A_897, %div3A_900 : vector<16xf32>
    %convert_element_type3A_902 = arith.fptosi %div3A_901 : vector<16xf32> to vector<16xi32>
    %mul3A_903 = arith.constant 1 : i32
    %mul3A_904 = vector.broadcast %mul3A_903 : i32 to vector<16xi32>
    %mul3A_905 = arith.muli %convert_element_type3A_902, %mul3A_904 : vector<16xi32>
    %add3A_906 = arith.addi %add3A_890, %mul3A_905 : vector<16xi32>
    %swap3A_907 = arith.constant 176 : index
    %swap3A_908 = tpu.vector_load %arg9[%swap3A_907] {strides = array<i32>} : memref<512xi32, #tpu.memory_space<vmem>>, vector<16xi32>,
    %swap3A_909 = vector.shape_cast %swap3A_908 : vector<16xi32> to vector<16xi32>
    %swap3A_910 = vector.shape_cast %add3A_906 : vector<16xi32> to vector<16xi32>
    tpu.vector_store %arg9[%swap3A_907], %swap3A_910 {strides = array<i32>} : memref<512xi32, #tpu.memory_space<vmem>>, vector<16xi32>,
    %broadcast_in_dim3A_911 = arith.constant 0 : i32
    %broadcast_in_dim3A_912 = vector.broadcast %broadcast_in_dim3A_911 : i32 to vector<16xi32>
    %get3A_913 = arith.constant 192 : index
    %get3A_914 = tpu.vector_load %arg6[%get3A_913] {strides = array<i32>} : memref<2048xf32, #tpu.memory_space<vmem>>, vector<16xf32>,
    %get3A_915 = vector.shape_cast %get3A_914 : vector<16xf32> to vector<16xf32>
    %slice3A_916 = vector.extract_strided_slice %get3A_77 {offsets = [0], sizes = [1], strides = [1]} : vector<16xf32> to vector<1xf32>
    %squeeze3A_917 = vector.extract %slice3A_916[0] : f32 from vector<1xf32>
    %sub3A_918 = vector.broadcast %squeeze3A_917 : f32 to vector<16xf32>
    %sub3A_919 = arith.subf %get3A_915, %sub3A_918 : vector<16xf32>
    %slice3A_920 = vector.extract_strided_slice %get3A_74 {offsets = [0], sizes = [1], strides = [1]} : vector<16xf32> to vector<1xf32>
    %squeeze3A_921 = vector.extract %slice3A_920[0] : f32 from vector<1xf32>
    %div3A_922 = vector.broadcast %squeeze3A_921 : f32 to vector<16xf32>
    %div3A_923 = arith.divf %sub3A_919, %div3A_922 : vector<16xf32>
    %convert_element_type3A_924 = arith.fptosi %div3A_923 : vector<16xf32> to vector<16xi32>
    %mul3A_925 = arith.constant 148877 : i32
    %mul3A_926 = vector.broadcast %mul3A_925 : i32 to vector<16xi32>
    %mul3A_927 = arith.muli %convert_element_type3A_924, %mul3A_926 : vector<16xi32>
    %add3A_928 = arith.addi %broadcast_in_dim3A_912, %mul3A_927 : vector<16xi32>
    %get3A_929 = arith.constant 704 : index
    %get3A_930 = tpu.vector_load %arg6[%get3A_929] {strides = array<i32>} : memref<2048xf32, #tpu.memory_space<vmem>>, vector<16xf32>,
    %get3A_931 = vector.shape_cast %get3A_930 : vector<16xf32> to vector<16xf32>
    %slice3A_932 = vector.extract_strided_slice %get3A_77 {offsets = [1], sizes = [1], strides = [1]} : vector<16xf32> to vector<1xf32>
    %squeeze3A_933 = vector.extract %slice3A_932[0] : f32 from vector<1xf32>
    %sub3A_934 = vector.broadcast %squeeze3A_933 : f32 to vector<16xf32>
    %sub3A_935 = arith.subf %get3A_931, %sub3A_934 : vector<16xf32>
    %slice3A_936 = vector.extract_strided_slice %get3A_74 {offsets = [1], sizes = [1], strides = [1]} : vector<16xf32> to vector<1xf32>
    %squeeze3A_937 = vector.extract %slice3A_936[0] : f32 from vector<1xf32>
    %div3A_938 = vector.broadcast %squeeze3A_937 : f32 to vector<16xf32>
    %div3A_939 = arith.divf %sub3A_935, %div3A_938 : vector<16xf32>
    %convert_element_type3A_940 = arith.fptosi %div3A_939 : vector<16xf32> to vector<16xi32>
    %mul3A_941 = arith.constant 2809 : i32
    %mul3A_942 = vector.broadcast %mul3A_941 : i32 to vector<16xi32>
    %mul3A_943 = arith.muli %convert_element_type3A_940, %mul3A_942 : vector<16xi32>
    %add3A_944 = arith.addi %add3A_928, %mul3A_943 : vector<16xi32>
    %get3A_945 = arith.constant 1216 : index
    %get3A_946 = tpu.vector_load %arg6[%get3A_945] {strides = array<i32>} : memref<2048xf32, #tpu.memory_space<vmem>>, vector<16xf32>,
    %get3A_947 = vector.shape_cast %get3A_946 : vector<16xf32> to vector<16xf32>
    %slice3A_948 = vector.extract_strided_slice %get3A_77 {offsets = [2], sizes = [1], strides = [1]} : vector<16xf32> to vector<1xf32>
    %squeeze3A_949 = vector.extract %slice3A_948[0] : f32 from vector<1xf32>
    %sub3A_950 = vector.broadcast %squeeze3A_949 : f32 to vector<16xf32>
    %sub3A_951 = arith.subf %get3A_947, %sub3A_950 : vector<16xf32>
    %slice3A_952 = vector.extract_strided_slice %get3A_74 {offsets = [2], sizes = [1], strides = [1]} : vector<16xf32> to vector<1xf32>
    %squeeze3A_953 = vector.extract %slice3A_952[0] : f32 from vector<1xf32>
    %div3A_954 = vector.broadcast %squeeze3A_953 : f32 to vector<16xf32>
    %div3A_955 = arith.divf %sub3A_951, %div3A_954 : vector<16xf32>
    %convert_element_type3A_956 = arith.fptosi %div3A_955 : vector<16xf32> to vector<16xi32>
    %mul3A_957 = arith.constant 53 : i32
    %mul3A_958 = vector.broadcast %mul3A_957 : i32 to vector<16xi32>
    %mul3A_959 = arith.muli %convert_element_type3A_956, %mul3A_958 : vector<16xi32>
    %add3A_960 = arith.addi %add3A_944, %mul3A_959 : vector<16xi32>
    %get3A_961 = arith.constant 1728 : index
    %get3A_962 = tpu.vector_load %arg6[%get3A_961] {strides = array<i32>} : memref<2048xf32, #tpu.memory_space<vmem>>, vector<16xf32>,
    %get3A_963 = vector.shape_cast %get3A_962 : vector<16xf32> to vector<16xf32>
    %slice3A_964 = vector.extract_strided_slice %get3A_77 {offsets = [3], sizes = [1], strides = [1]} : vector<16xf32> to vector<1xf32>
    %squeeze3A_965 = vector.extract %slice3A_964[0] : f32 from vector<1xf32>
    %sub3A_966 = vector.broadcast %squeeze3A_965 : f32 to vector<16xf32>
    %sub3A_967 = arith.subf %get3A_963, %sub3A_966 : vector<16xf32>
    %slice3A_968 = vector.extract_strided_slice %get3A_74 {offsets = [3], sizes = [1], strides = [1]} : vector<16xf32> to vector<1xf32>
    %squeeze3A_969 = vector.extract %slice3A_968[0] : f32 from vector<1xf32>
    %div3A_970 = vector.broadcast %squeeze3A_969 : f32 to vector<16xf32>
    %div3A_971 = arith.divf %sub3A_967, %div3A_970 : vector<16xf32>
    %convert_element_type3A_972 = arith.fptosi %div3A_971 : vector<16xf32> to vector<16xi32>
    %mul3A_973 = arith.constant 1 : i32
    %mul3A_974 = vector.broadcast %mul3A_973 : i32 to vector<16xi32>
    %mul3A_975 = arith.muli %convert_element_type3A_972, %mul3A_974 : vector<16xi32>
    %add3A_976 = arith.addi %add3A_960, %mul3A_975 : vector<16xi32>
    %swap3A_977 = arith.constant 192 : index
    %swap3A_978 = tpu.vector_load %arg9[%swap3A_977] {strides = array<i32>} : memref<512xi32, #tpu.memory_space<vmem>>, vector<16xi32>,
    %swap3A_979 = vector.shape_cast %swap3A_978 : vector<16xi32> to vector<16xi32>
    %swap3A_980 = vector.shape_cast %add3A_976 : vector<16xi32> to vector<16xi32>
    tpu.vector_store %arg9[%swap3A_977], %swap3A_980 {strides = array<i32>} : memref<512xi32, #tpu.memory_space<vmem>>, vector<16xi32>,
    %broadcast_in_dim3A_981 = arith.constant 0 : i32
    %broadcast_in_dim3A_982 = vector.broadcast %broadcast_in_dim3A_981 : i32 to vector<16xi32>
    %get3A_983 = arith.constant 208 : index
    %get3A_984 = tpu.vector_load %arg6[%get3A_983] {strides = array<i32>} : memref<2048xf32, #tpu.memory_space<vmem>>, vector<16xf32>,
    %get3A_985 = vector.shape_cast %get3A_984 : vector<16xf32> to vector<16xf32>
    %slice3A_986 = vector.extract_strided_slice %get3A_77 {offsets = [0], sizes = [1], strides = [1]} : vector<16xf32> to vector<1xf32>
    %squeeze3A_987 = vector.extract %slice3A_986[0] : f32 from vector<1xf32>
    %sub3A_988 = vector.broadcast %squeeze3A_987 : f32 to vector<16xf32>
    %sub3A_989 = arith.subf %get3A_985, %sub3A_988 : vector<16xf32>
    %slice3A_990 = vector.extract_strided_slice %get3A_74 {offsets = [0], sizes = [1], strides = [1]} : vector<16xf32> to vector<1xf32>
    %squeeze3A_991 = vector.extract %slice3A_990[0] : f32 from vector<1xf32>
    %div3A_992 = vector.broadcast %squeeze3A_991 : f32 to vector<16xf32>
    %div3A_993 = arith.divf %sub3A_989, %div3A_992 : vector<16xf32>
    %convert_element_type3A_994 = arith.fptosi %div3A_993 : vector<16xf32> to vector<16xi32>
    %mul3A_995 = arith.constant 148877 : i32
    %mul3A_996 = vector.broadcast %mul3A_995 : i32 to vector<16xi32>
    %mul3A_997 = arith.muli %convert_element_type3A_994, %mul3A_996 : vector<16xi32>
    %add3A_998 = arith.addi %broadcast_in_dim3A_982, %mul3A_997 : vector<16xi32>
    %get3A_999 = arith.constant 720 : index
    %get3A_1000 = tpu.vector_load %arg6[%get3A_999] {strides = array<i32>} : memref<2048xf32, #tpu.memory_space<vmem>>, vector<16xf32>,
    %get3A_1001 = vector.shape_cast %get3A_1000 : vector<16xf32> to vector<16xf32>
    %slice3A_1002 = vector.extract_strided_slice %get3A_77 {offsets = [1], sizes = [1], strides = [1]} : vector<16xf32> to vector<1xf32>
    %squeeze3A_1003 = vector.extract %slice3A_1002[0] : f32 from vector<1xf32>
    %sub3A_1004 = vector.broadcast %squeeze3A_1003 : f32 to vector<16xf32>
    %sub3A_1005 = arith.subf %get3A_1001, %sub3A_1004 : vector<16xf32>
    %slice3A_1006 = vector.extract_strided_slice %get3A_74 {offsets = [1], sizes = [1], strides = [1]} : vector<16xf32> to vector<1xf32>
    %squeeze3A_1007 = vector.extract %slice3A_1006[0] : f32 from vector<1xf32>
    %div3A_1008 = vector.broadcast %squeeze3A_1007 : f32 to vector<16xf32>
    %div3A_1009 = arith.divf %sub3A_1005, %div3A_1008 : vector<16xf32>
    %convert_element_type3A_1010 = arith.fptosi %div3A_1009 : vector<16xf32> to vector<16xi32>
    %mul3A_1011 = arith.constant 2809 : i32
    %mul3A_1012 = vector.broadcast %mul3A_1011 : i32 to vector<16xi32>
    %mul3A_1013 = arith.muli %convert_element_type3A_1010, %mul3A_1012 : vector<16xi32>
    %add3A_1014 = arith.addi %add3A_998, %mul3A_1013 : vector<16xi32>
    %get3A_1015 = arith.constant 1232 : index
    %get3A_1016 = tpu.vector_load %arg6[%get3A_1015] {strides = array<i32>} : memref<2048xf32, #tpu.memory_space<vmem>>, vector<16xf32>,
    %get3A_1017 = vector.shape_cast %get3A_1016 : vector<16xf32> to vector<16xf32>
    %slice3A_1018 = vector.extract_strided_slice %get3A_77 {offsets = [2], sizes = [1], strides = [1]} : vector<16xf32> to vector<1xf32>
    %squeeze3A_1019 = vector.extract %slice3A_1018[0] : f32 from vector<1xf32>
    %sub3A_1020 = vector.broadcast %squeeze3A_1019 : f32 to vector<16xf32>
    %sub3A_1021 = arith.subf %get3A_1017, %sub3A_1020 : vector<16xf32>
    %slice3A_1022 = vector.extract_strided_slice %get3A_74 {offsets = [2], sizes = [1], strides = [1]} : vector<16xf32> to vector<1xf32>
    %squeeze3A_1023 = vector.extract %slice3A_1022[0] : f32 from vector<1xf32>
    %div3A_1024 = vector.broadcast %squeeze3A_1023 : f32 to vector<16xf32>
    %div3A_1025 = arith.divf %sub3A_1021, %div3A_1024 : vector<16xf32>
    %convert_element_type3A_1026 = arith.fptosi %div3A_1025 : vector<16xf32> to vector<16xi32>
    %mul3A_1027 = arith.constant 53 : i32
    %mul3A_1028 = vector.broadcast %mul3A_1027 : i32 to vector<16xi32>
    %mul3A_1029 = arith.muli %convert_element_type3A_1026, %mul3A_1028 : vector<16xi32>
    %add3A_1030 = arith.addi %add3A_1014, %mul3A_1029 : vector<16xi32>
    %get3A_1031 = arith.constant 1744 : index
    %get3A_1032 = tpu.vector_load %arg6[%get3A_1031] {strides = array<i32>} : memref<2048xf32, #tpu.memory_space<vmem>>, vector<16xf32>,
    %get3A_1033 = vector.shape_cast %get3A_1032 : vector<16xf32> to vector<16xf32>
    %slice3A_1034 = vector.extract_strided_slice %get3A_77 {offsets = [3], sizes = [1], strides = [1]} : vector<16xf32> to vector<1xf32>
    %squeeze3A_1035 = vector.extract %slice3A_1034[0] : f32 from vector<1xf32>
    %sub3A_1036 = vector.broadcast %squeeze3A_1035 : f32 to vector<16xf32>
    %sub3A_1037 = arith.subf %get3A_1033, %sub3A_1036 : vector<16xf32>
    %slice3A_1038 = vector.extract_strided_slice %get3A_74 {offsets = [3], sizes = [1], strides = [1]} : vector<16xf32> to vector<1xf32>
    %squeeze3A_1039 = vector.extract %slice3A_1038[0] : f32 from vector<1xf32>
    %div3A_1040 = vector.broadcast %squeeze3A_1039 : f32 to vector<16xf32>
    %div3A_1041 = arith.divf %sub3A_1037, %div3A_1040 : vector<16xf32>
    %convert_element_type3A_1042 = arith.fptosi %div3A_1041 : vector<16xf32> to vector<16xi32>
    %mul3A_1043 = arith.constant 1 : i32
    %mul3A_1044 = vector.broadcast %mul3A_1043 : i32 to vector<16xi32>
    %mul3A_1045 = arith.muli %convert_element_type3A_1042, %mul3A_1044 : vector<16xi32>
    %add3A_1046 = arith.addi %add3A_1030, %mul3A_1045 : vector<16xi32>
    %swap3A_1047 = arith.constant 208 : index
    %swap3A_1048 = tpu.vector_load %arg9[%swap3A_1047] {strides = array<i32>} : memref<512xi32, #tpu.memory_space<vmem>>, vector<16xi32>,
    %swap3A_1049 = vector.shape_cast %swap3A_1048 : vector<16xi32> to vector<16xi32>
    %swap3A_1050 = vector.shape_cast %add3A_1046 : vector<16xi32> to vector<16xi32>
    tpu.vector_store %arg9[%swap3A_1047], %swap3A_1050 {strides = array<i32>} : memref<512xi32, #tpu.memory_space<vmem>>, vector<16xi32>,
    %broadcast_in_dim3A_1051 = arith.constant 0 : i32
    %broadcast_in_dim3A_1052 = vector.broadcast %broadcast_in_dim3A_1051 : i32 to vector<16xi32>
    %get3A_1053 = arith.constant 224 : index
    %get3A_1054 = tpu.vector_load %arg6[%get3A_1053] {strides = array<i32>} : memref<2048xf32, #tpu.memory_space<vmem>>, vector<16xf32>,
    %get3A_1055 = vector.shape_cast %get3A_1054 : vector<16xf32> to vector<16xf32>
    %slice3A_1056 = vector.extract_strided_slice %get3A_77 {offsets = [0], sizes = [1], strides = [1]} : vector<16xf32> to vector<1xf32>
    %squeeze3A_1057 = vector.extract %slice3A_1056[0] : f32 from vector<1xf32>
    %sub3A_1058 = vector.broadcast %squeeze3A_1057 : f32 to vector<16xf32>
    %sub3A_1059 = arith.subf %get3A_1055, %sub3A_1058 : vector<16xf32>
    %slice3A_1060 = vector.extract_strided_slice %get3A_74 {offsets = [0], sizes = [1], strides = [1]} : vector<16xf32> to vector<1xf32>
    %squeeze3A_1061 = vector.extract %slice3A_1060[0] : f32 from vector<1xf32>
    %div3A_1062 = vector.broadcast %squeeze3A_1061 : f32 to vector<16xf32>
    %div3A_1063 = arith.divf %sub3A_1059, %div3A_1062 : vector<16xf32>
    %convert_element_type3A_1064 = arith.fptosi %div3A_1063 : vector<16xf32> to vector<16xi32>
    %mul3A_1065 = arith.constant 148877 : i32
    %mul3A_1066 = vector.broadcast %mul3A_1065 : i32 to vector<16xi32>
    %mul3A_1067 = arith.muli %convert_element_type3A_1064, %mul3A_1066 : vector<16xi32>
    %add3A_1068 = arith.addi %broadcast_in_dim3A_1052, %mul3A_1067 : vector<16xi32>
    %get3A_1069 = arith.constant 736 : index
    %get3A_1070 = tpu.vector_load %arg6[%get3A_1069] {strides = array<i32>} : memref<2048xf32, #tpu.memory_space<vmem>>, vector<16xf32>,
    %get3A_1071 = vector.shape_cast %get3A_1070 : vector<16xf32> to vector<16xf32>
    %slice3A_1072 = vector.extract_strided_slice %get3A_77 {offsets = [1], sizes = [1], strides = [1]} : vector<16xf32> to vector<1xf32>
    %squeeze3A_1073 = vector.extract %slice3A_1072[0] : f32 from vector<1xf32>
    %sub3A_1074 = vector.broadcast %squeeze3A_1073 : f32 to vector<16xf32>
    %sub3A_1075 = arith.subf %get3A_1071, %sub3A_1074 : vector<16xf32>
    %slice3A_1076 = vector.extract_strided_slice %get3A_74 {offsets = [1], sizes = [1], strides = [1]} : vector<16xf32> to vector<1xf32>
    %squeeze3A_1077 = vector.extract %slice3A_1076[0] : f32 from vector<1xf32>
    %div3A_1078 = vector.broadcast %squeeze3A_1077 : f32 to vector<16xf32>
    %div3A_1079 = arith.divf %sub3A_1075, %div3A_1078 : vector<16xf32>
    %convert_element_type3A_1080 = arith.fptosi %div3A_1079 : vector<16xf32> to vector<16xi32>
    %mul3A_1081 = arith.constant 2809 : i32
    %mul3A_1082 = vector.broadcast %mul3A_1081 : i32 to vector<16xi32>
    %mul3A_1083 = arith.muli %convert_element_type3A_1080, %mul3A_1082 : vector<16xi32>
    %add3A_1084 = arith.addi %add3A_1068, %mul3A_1083 : vector<16xi32>
    %get3A_1085 = arith.constant 1248 : index
    %get3A_1086 = tpu.vector_load %arg6[%get3A_1085] {strides = array<i32>} : memref<2048xf32, #tpu.memory_space<vmem>>, vector<16xf32>,
    %get3A_1087 = vector.shape_cast %get3A_1086 : vector<16xf32> to vector<16xf32>
    %slice3A_1088 = vector.extract_strided_slice %get3A_77 {offsets = [2], sizes = [1], strides = [1]} : vector<16xf32> to vector<1xf32>
    %squeeze3A_1089 = vector.extract %slice3A_1088[0] : f32 from vector<1xf32>
    %sub3A_1090 = vector.broadcast %squeeze3A_1089 : f32 to vector<16xf32>
    %sub3A_1091 = arith.subf %get3A_1087, %sub3A_1090 : vector<16xf32>
    %slice3A_1092 = vector.extract_strided_slice %get3A_74 {offsets = [2], sizes = [1], strides = [1]} : vector<16xf32> to vector<1xf32>
    %squeeze3A_1093 = vector.extract %slice3A_1092[0] : f32 from vector<1xf32>
    %div3A_1094 = vector.broadcast %squeeze3A_1093 : f32 to vector<16xf32>
    %div3A_1095 = arith.divf %sub3A_1091, %div3A_1094 : vector<16xf32>
    %convert_element_type3A_1096 = arith.fptosi %div3A_1095 : vector<16xf32> to vector<16xi32>
    %mul3A_1097 = arith.constant 53 : i32
    %mul3A_1098 = vector.broadcast %mul3A_1097 : i32 to vector<16xi32>
    %mul3A_1099 = arith.muli %convert_element_type3A_1096, %mul3A_1098 : vector<16xi32>
    %add3A_1100 = arith.addi %add3A_1084, %mul3A_1099 : vector<16xi32>
    %get3A_1101 = arith.constant 1760 : index
    %get3A_1102 = tpu.vector_load %arg6[%get3A_1101] {strides = array<i32>} : memref<2048xf32, #tpu.memory_space<vmem>>, vector<16xf32>,
    %get3A_1103 = vector.shape_cast %get3A_1102 : vector<16xf32> to vector<16xf32>
    %slice3A_1104 = vector.extract_strided_slice %get3A_77 {offsets = [3], sizes = [1], strides = [1]} : vector<16xf32> to vector<1xf32>
    %squeeze3A_1105 = vector.extract %slice3A_1104[0] : f32 from vector<1xf32>
    %sub3A_1106 = vector.broadcast %squeeze3A_1105 : f32 to vector<16xf32>
    %sub3A_1107 = arith.subf %get3A_1103, %sub3A_1106 : vector<16xf32>
    %slice3A_1108 = vector.extract_strided_slice %get3A_74 {offsets = [3], sizes = [1], strides = [1]} : vector<16xf32> to vector<1xf32>
    %squeeze3A_1109 = vector.extract %slice3A_1108[0] : f32 from vector<1xf32>
    %div3A_1110 = vector.broadcast %squeeze3A_1109 : f32 to vector<16xf32>
    %div3A_1111 = arith.divf %sub3A_1107, %div3A_1110 : vector<16xf32>
    %convert_element_type3A_1112 = arith.fptosi %div3A_1111 : vector<16xf32> to vector<16xi32>
    %mul3A_1113 = arith.constant 1 : i32
    %mul3A_1114 = vector.broadcast %mul3A_1113 : i32 to vector<16xi32>
    %mul3A_1115 = arith.muli %convert_element_type3A_1112, %mul3A_1114 : vector<16xi32>
    %add3A_1116 = arith.addi %add3A_1100, %mul3A_1115 : vector<16xi32>
    %swap3A_1117 = arith.constant 224 : index
    %swap3A_1118 = tpu.vector_load %arg9[%swap3A_1117] {strides = array<i32>} : memref<512xi32, #tpu.memory_space<vmem>>, vector<16xi32>,
    %swap3A_1119 = vector.shape_cast %swap3A_1118 : vector<16xi32> to vector<16xi32>
    %swap3A_1120 = vector.shape_cast %add3A_1116 : vector<16xi32> to vector<16xi32>
    tpu.vector_store %arg9[%swap3A_1117], %swap3A_1120 {strides = array<i32>} : memref<512xi32, #tpu.memory_space<vmem>>, vector<16xi32>,
    %broadcast_in_dim3A_1121 = arith.constant 0 : i32
    %broadcast_in_dim3A_1122 = vector.broadcast %broadcast_in_dim3A_1121 : i32 to vector<16xi32>
    %get3A_1123 = arith.constant 240 : index
    %get3A_1124 = tpu.vector_load %arg6[%get3A_1123] {strides = array<i32>} : memref<2048xf32, #tpu.memory_space<vmem>>, vector<16xf32>,
    %get3A_1125 = vector.shape_cast %get3A_1124 : vector<16xf32> to vector<16xf32>
    %slice3A_1126 = vector.extract_strided_slice %get3A_77 {offsets = [0], sizes = [1], strides = [1]} : vector<16xf32> to vector<1xf32>
    %squeeze3A_1127 = vector.extract %slice3A_1126[0] : f32 from vector<1xf32>
    %sub3A_1128 = vector.broadcast %squeeze3A_1127 : f32 to vector<16xf32>
    %sub3A_1129 = arith.subf %get3A_1125, %sub3A_1128 : vector<16xf32>
    %slice3A_1130 = vector.extract_strided_slice %get3A_74 {offsets = [0], sizes = [1], strides = [1]} : vector<16xf32> to vector<1xf32>
    %squeeze3A_1131 = vector.extract %slice3A_1130[0] : f32 from vector<1xf32>
    %div3A_1132 = vector.broadcast %squeeze3A_1131 : f32 to vector<16xf32>
    %div3A_1133 = arith.divf %sub3A_1129, %div3A_1132 : vector<16xf32>
    %convert_element_type3A_1134 = arith.fptosi %div3A_1133 : vector<16xf32> to vector<16xi32>
    %mul3A_1135 = arith.constant 148877 : i32
    %mul3A_1136 = vector.broadcast %mul3A_1135 : i32 to vector<16xi32>
    %mul3A_1137 = arith.muli %convert_element_type3A_1134, %mul3A_1136 : vector<16xi32>
    %add3A_1138 = arith.addi %broadcast_in_dim3A_1122, %mul3A_1137 : vector<16xi32>
    %get3A_1139 = arith.constant 752 : index
    %get3A_1140 = tpu.vector_load %arg6[%get3A_1139] {strides = array<i32>} : memref<2048xf32, #tpu.memory_space<vmem>>, vector<16xf32>,
    %get3A_1141 = vector.shape_cast %get3A_1140 : vector<16xf32> to vector<16xf32>
    %slice3A_1142 = vector.extract_strided_slice %get3A_77 {offsets = [1], sizes = [1], strides = [1]} : vector<16xf32> to vector<1xf32>
    %squeeze3A_1143 = vector.extract %slice3A_1142[0] : f32 from vector<1xf32>
    %sub3A_1144 = vector.broadcast %squeeze3A_1143 : f32 to vector<16xf32>
    %sub3A_1145 = arith.subf %get3A_1141, %sub3A_1144 : vector<16xf32>
    %slice3A_1146 = vector.extract_strided_slice %get3A_74 {offsets = [1], sizes = [1], strides = [1]} : vector<16xf32> to vector<1xf32>
    %squeeze3A_1147 = vector.extract %slice3A_1146[0] : f32 from vector<1xf32>
    %div3A_1148 = vector.broadcast %squeeze3A_1147 : f32 to vector<16xf32>
    %div3A_1149 = arith.divf %sub3A_1145, %div3A_1148 : vector<16xf32>
    %convert_element_type3A_1150 = arith.fptosi %div3A_1149 : vector<16xf32> to vector<16xi32>
    %mul3A_1151 = arith.constant 2809 : i32
    %mul3A_1152 = vector.broadcast %mul3A_1151 : i32 to vector<16xi32>
    %mul3A_1153 = arith.muli %convert_element_type3A_1150, %mul3A_1152 : vector<16xi32>
    %add3A_1154 = arith.addi %add3A_1138, %mul3A_1153 : vector<16xi32>
    %get3A_1155 = arith.constant 1264 : index
    %get3A_1156 = tpu.vector_load %arg6[%get3A_1155] {strides = array<i32>} : memref<2048xf32, #tpu.memory_space<vmem>>, vector<16xf32>,
    %get3A_1157 = vector.shape_cast %get3A_1156 : vector<16xf32> to vector<16xf32>
    %slice3A_1158 = vector.extract_strided_slice %get3A_77 {offsets = [2], sizes = [1], strides = [1]} : vector<16xf32> to vector<1xf32>
    %squeeze3A_1159 = vector.extract %slice3A_1158[0] : f32 from vector<1xf32>
    %sub3A_1160 = vector.broadcast %squeeze3A_1159 : f32 to vector<16xf32>
    %sub3A_1161 = arith.subf %get3A_1157, %sub3A_1160 : vector<16xf32>
    %slice3A_1162 = vector.extract_strided_slice %get3A_74 {offsets = [2], sizes = [1], strides = [1]} : vector<16xf32> to vector<1xf32>
    %squeeze3A_1163 = vector.extract %slice3A_1162[0] : f32 from vector<1xf32>
    %div3A_1164 = vector.broadcast %squeeze3A_1163 : f32 to vector<16xf32>
    %div3A_1165 = arith.divf %sub3A_1161, %div3A_1164 : vector<16xf32>
    %convert_element_type3A_1166 = arith.fptosi %div3A_1165 : vector<16xf32> to vector<16xi32>
    %mul3A_1167 = arith.constant 53 : i32
    %mul3A_1168 = vector.broadcast %mul3A_1167 : i32 to vector<16xi32>
    %mul3A_1169 = arith.muli %convert_element_type3A_1166, %mul3A_1168 : vector<16xi32>
    %add3A_1170 = arith.addi %add3A_1154, %mul3A_1169 : vector<16xi32>
    %get3A_1171 = arith.constant 1776 : index
    %get3A_1172 = tpu.vector_load %arg6[%get3A_1171] {strides = array<i32>} : memref<2048xf32, #tpu.memory_space<vmem>>, vector<16xf32>,
    %get3A_1173 = vector.shape_cast %get3A_1172 : vector<16xf32> to vector<16xf32>
    %slice3A_1174 = vector.extract_strided_slice %get3A_77 {offsets = [3], sizes = [1], strides = [1]} : vector<16xf32> to vector<1xf32>
    %squeeze3A_1175 = vector.extract %slice3A_1174[0] : f32 from vector<1xf32>
    %sub3A_1176 = vector.broadcast %squeeze3A_1175 : f32 to vector<16xf32>
    %sub3A_1177 = arith.subf %get3A_1173, %sub3A_1176 : vector<16xf32>
    %slice3A_1178 = vector.extract_strided_slice %get3A_74 {offsets = [3], sizes = [1], strides = [1]} : vector<16xf32> to vector<1xf32>
    %squeeze3A_1179 = vector.extract %slice3A_1178[0] : f32 from vector<1xf32>
    %div3A_1180 = vector.broadcast %squeeze3A_1179 : f32 to vector<16xf32>
    %div3A_1181 = arith.divf %sub3A_1177, %div3A_1180 : vector<16xf32>
    %convert_element_type3A_1182 = arith.fptosi %div3A_1181 : vector<16xf32> to vector<16xi32>
    %mul3A_1183 = arith.constant 1 : i32
    %mul3A_1184 = vector.broadcast %mul3A_1183 : i32 to vector<16xi32>
    %mul3A_1185 = arith.muli %convert_element_type3A_1182, %mul3A_1184 : vector<16xi32>
    %add3A_1186 = arith.addi %add3A_1170, %mul3A_1185 : vector<16xi32>
    %swap3A_1187 = arith.constant 240 : index
    %swap3A_1188 = tpu.vector_load %arg9[%swap3A_1187] {strides = array<i32>} : memref<512xi32, #tpu.memory_space<vmem>>, vector<16xi32>,
    %swap3A_1189 = vector.shape_cast %swap3A_1188 : vector<16xi32> to vector<16xi32>
    %swap3A_1190 = vector.shape_cast %add3A_1186 : vector<16xi32> to vector<16xi32>
    tpu.vector_store %arg9[%swap3A_1187], %swap3A_1190 {strides = array<i32>} : memref<512xi32, #tpu.memory_space<vmem>>, vector<16xi32>,
    %broadcast_in_dim3A_1191 = arith.constant 0 : i32
    %broadcast_in_dim3A_1192 = vector.broadcast %broadcast_in_dim3A_1191 : i32 to vector<16xi32>
    %get3A_1193 = arith.constant 256 : index
    %get3A_1194 = tpu.vector_load %arg6[%get3A_1193] {strides = array<i32>} : memref<2048xf32, #tpu.memory_space<vmem>>, vector<16xf32>,
    %get3A_1195 = vector.shape_cast %get3A_1194 : vector<16xf32> to vector<16xf32>
    %slice3A_1196 = vector.extract_strided_slice %get3A_77 {offsets = [0], sizes = [1], strides = [1]} : vector<16xf32> to vector<1xf32>
    %squeeze3A_1197 = vector.extract %slice3A_1196[0] : f32 from vector<1xf32>
    %sub3A_1198 = vector.broadcast %squeeze3A_1197 : f32 to vector<16xf32>
    %sub3A_1199 = arith.subf %get3A_1195, %sub3A_1198 : vector<16xf32>
    %slice3A_1200 = vector.extract_strided_slice %get3A_74 {offsets = [0], sizes = [1], strides = [1]} : vector<16xf32> to vector<1xf32>
    %squeeze3A_1201 = vector.extract %slice3A_1200[0] : f32 from vector<1xf32>
    %div3A_1202 = vector.broadcast %squeeze3A_1201 : f32 to vector<16xf32>
    %div3A_1203 = arith.divf %sub3A_1199, %div3A_1202 : vector<16xf32>
    %convert_element_type3A_1204 = arith.fptosi %div3A_1203 : vector<16xf32> to vector<16xi32>
    %mul3A_1205 = arith.constant 148877 : i32
    %mul3A_1206 = vector.broadcast %mul3A_1205 : i32 to vector<16xi32>
    %mul3A_1207 = arith.muli %convert_element_type3A_1204, %mul3A_1206 : vector<16xi32>
    %add3A_1208 = arith.addi %broadcast_in_dim3A_1192, %mul3A_1207 : vector<16xi32>
    %get3A_1209 = arith.constant 768 : index
    %get3A_1210 = tpu.vector_load %arg6[%get3A_1209] {strides = array<i32>} : memref<2048xf32, #tpu.memory_space<vmem>>, vector<16xf32>,
    %get3A_1211 = vector.shape_cast %get3A_1210 : vector<16xf32> to vector<16xf32>
    %slice3A_1212 = vector.extract_strided_slice %get3A_77 {offsets = [1], sizes = [1], strides = [1]} : vector<16xf32> to vector<1xf32>
    %squeeze3A_1213 = vector.extract %slice3A_1212[0] : f32 from vector<1xf32>
    %sub3A_1214 = vector.broadcast %squeeze3A_1213 : f32 to vector<16xf32>
    %sub3A_1215 = arith.subf %get3A_1211, %sub3A_1214 : vector<16xf32>
    %slice3A_1216 = vector.extract_strided_slice %get3A_74 {offsets = [1], sizes = [1], strides = [1]} : vector<16xf32> to vector<1xf32>
    %squeeze3A_1217 = vector.extract %slice3A_1216[0] : f32 from vector<1xf32>
    %div3A_1218 = vector.broadcast %squeeze3A_1217 : f32 to vector<16xf32>
    %div3A_1219 = arith.divf %sub3A_1215, %div3A_1218 : vector<16xf32>
    %convert_element_type3A_1220 = arith.fptosi %div3A_1219 : vector<16xf32> to vector<16xi32>
    %mul3A_1221 = arith.constant 2809 : i32
    %mul3A_1222 = vector.broadcast %mul3A_1221 : i32 to vector<16xi32>
    %mul3A_1223 = arith.muli %convert_element_type3A_1220, %mul3A_1222 : vector<16xi32>
    %add3A_1224 = arith.addi %add3A_1208, %mul3A_1223 : vector<16xi32>
    %get3A_1225 = arith.constant 1280 : index
    %get3A_1226 = tpu.vector_load %arg6[%get3A_1225] {strides = array<i32>} : memref<2048xf32, #tpu.memory_space<vmem>>, vector<16xf32>,
    %get3A_1227 = vector.shape_cast %get3A_1226 : vector<16xf32> to vector<16xf32>
    %slice3A_1228 = vector.extract_strided_slice %get3A_77 {offsets = [2], sizes = [1], strides = [1]} : vector<16xf32> to vector<1xf32>
    %squeeze3A_1229 = vector.extract %slice3A_1228[0] : f32 from vector<1xf32>
    %sub3A_1230 = vector.broadcast %squeeze3A_1229 : f32 to vector<16xf32>
    %sub3A_1231 = arith.subf %get3A_1227, %sub3A_1230 : vector<16xf32>
    %slice3A_1232 = vector.extract_strided_slice %get3A_74 {offsets = [2], sizes = [1], strides = [1]} : vector<16xf32> to vector<1xf32>
    %squeeze3A_1233 = vector.extract %slice3A_1232[0] : f32 from vector<1xf32>
    %div3A_1234 = vector.broadcast %squeeze3A_1233 : f32 to vector<16xf32>
    %div3A_1235 = arith.divf %sub3A_1231, %div3A_1234 : vector<16xf32>
    %convert_element_type3A_1236 = arith.fptosi %div3A_1235 : vector<16xf32> to vector<16xi32>
    %mul3A_1237 = arith.constant 53 : i32
    %mul3A_1238 = vector.broadcast %mul3A_1237 : i32 to vector<16xi32>
    %mul3A_1239 = arith.muli %convert_element_type3A_1236, %mul3A_1238 : vector<16xi32>
    %add3A_1240 = arith.addi %add3A_1224, %mul3A_1239 : vector<16xi32>
    %get3A_1241 = arith.constant 1792 : index
    %get3A_1242 = tpu.vector_load %arg6[%get3A_1241] {strides = array<i32>} : memref<2048xf32, #tpu.memory_space<vmem>>, vector<16xf32>,
    %get3A_1243 = vector.shape_cast %get3A_1242 : vector<16xf32> to vector<16xf32>
    %slice3A_1244 = vector.extract_strided_slice %get3A_77 {offsets = [3], sizes = [1], strides = [1]} : vector<16xf32> to vector<1xf32>
    %squeeze3A_1245 = vector.extract %slice3A_1244[0] : f32 from vector<1xf32>
    %sub3A_1246 = vector.broadcast %squeeze3A_1245 : f32 to vector<16xf32>
    %sub3A_1247 = arith.subf %get3A_1243, %sub3A_1246 : vector<16xf32>
    %slice3A_1248 = vector.extract_strided_slice %get3A_74 {offsets = [3], sizes = [1], strides = [1]} : vector<16xf32> to vector<1xf32>
    %squeeze3A_1249 = vector.extract %slice3A_1248[0] : f32 from vector<1xf32>
    %div3A_1250 = vector.broadcast %squeeze3A_1249 : f32 to vector<16xf32>
    %div3A_1251 = arith.divf %sub3A_1247, %div3A_1250 : vector<16xf32>
    %convert_element_type3A_1252 = arith.fptosi %div3A_1251 : vector<16xf32> to vector<16xi32>
    %mul3A_1253 = arith.constant 1 : i32
    %mul3A_1254 = vector.broadcast %mul3A_1253 : i32 to vector<16xi32>
    %mul3A_1255 = arith.muli %convert_element_type3A_1252, %mul3A_1254 : vector<16xi32>
    %add3A_1256 = arith.addi %add3A_1240, %mul3A_1255 : vector<16xi32>
    %swap3A_1257 = arith.constant 256 : index
    %swap3A_1258 = tpu.vector_load %arg9[%swap3A_1257] {strides = array<i32>} : memref<512xi32, #tpu.memory_space<vmem>>, vector<16xi32>,
    %swap3A_1259 = vector.shape_cast %swap3A_1258 : vector<16xi32> to vector<16xi32>
    %swap3A_1260 = vector.shape_cast %add3A_1256 : vector<16xi32> to vector<16xi32>
    tpu.vector_store %arg9[%swap3A_1257], %swap3A_1260 {strides = array<i32>} : memref<512xi32, #tpu.memory_space<vmem>>, vector<16xi32>,
    %broadcast_in_dim3A_1261 = arith.constant 0 : i32
    %broadcast_in_dim3A_1262 = vector.broadcast %broadcast_in_dim3A_1261 : i32 to vector<16xi32>
    %get3A_1263 = arith.constant 272 : index
    %get3A_1264 = tpu.vector_load %arg6[%get3A_1263] {strides = array<i32>} : memref<2048xf32, #tpu.memory_space<vmem>>, vector<16xf32>,
    %get3A_1265 = vector.shape_cast %get3A_1264 : vector<16xf32> to vector<16xf32>
    %slice3A_1266 = vector.extract_strided_slice %get3A_77 {offsets = [0], sizes = [1], strides = [1]} : vector<16xf32> to vector<1xf32>
    %squeeze3A_1267 = vector.extract %slice3A_1266[0] : f32 from vector<1xf32>
    %sub3A_1268 = vector.broadcast %squeeze3A_1267 : f32 to vector<16xf32>
    %sub3A_1269 = arith.subf %get3A_1265, %sub3A_1268 : vector<16xf32>
    %slice3A_1270 = vector.extract_strided_slice %get3A_74 {offsets = [0], sizes = [1], strides = [1]} : vector<16xf32> to vector<1xf32>
    %squeeze3A_1271 = vector.extract %slice3A_1270[0] : f32 from vector<1xf32>
    %div3A_1272 = vector.broadcast %squeeze3A_1271 : f32 to vector<16xf32>
    %div3A_1273 = arith.divf %sub3A_1269, %div3A_1272 : vector<16xf32>
    %convert_element_type3A_1274 = arith.fptosi %div3A_1273 : vector<16xf32> to vector<16xi32>
    %mul3A_1275 = arith.constant 148877 : i32
    %mul3A_1276 = vector.broadcast %mul3A_1275 : i32 to vector<16xi32>
    %mul3A_1277 = arith.muli %convert_element_type3A_1274, %mul3A_1276 : vector<16xi32>
    %add3A_1278 = arith.addi %broadcast_in_dim3A_1262, %mul3A_1277 : vector<16xi32>
    %get3A_1279 = arith.constant 784 : index
    %get3A_1280 = tpu.vector_load %arg6[%get3A_1279] {strides = array<i32>} : memref<2048xf32, #tpu.memory_space<vmem>>, vector<16xf32>,
    %get3A_1281 = vector.shape_cast %get3A_1280 : vector<16xf32> to vector<16xf32>
    %slice3A_1282 = vector.extract_strided_slice %get3A_77 {offsets = [1], sizes = [1], strides = [1]} : vector<16xf32> to vector<1xf32>
    %squeeze3A_1283 = vector.extract %slice3A_1282[0] : f32 from vector<1xf32>
    %sub3A_1284 = vector.broadcast %squeeze3A_1283 : f32 to vector<16xf32>
    %sub3A_1285 = arith.subf %get3A_1281, %sub3A_1284 : vector<16xf32>
    %slice3A_1286 = vector.extract_strided_slice %get3A_74 {offsets = [1], sizes = [1], strides = [1]} : vector<16xf32> to vector<1xf32>
    %squeeze3A_1287 = vector.extract %slice3A_1286[0] : f32 from vector<1xf32>
    %div3A_1288 = vector.broadcast %squeeze3A_1287 : f32 to vector<16xf32>
    %div3A_1289 = arith.divf %sub3A_1285, %div3A_1288 : vector<16xf32>
    %convert_element_type3A_1290 = arith.fptosi %div3A_1289 : vector<16xf32> to vector<16xi32>
    %mul3A_1291 = arith.constant 2809 : i32
    %mul3A_1292 = vector.broadcast %mul3A_1291 : i32 to vector<16xi32>
    %mul3A_1293 = arith.muli %convert_element_type3A_1290, %mul3A_1292 : vector<16xi32>
    %add3A_1294 = arith.addi %add3A_1278, %mul3A_1293 : vector<16xi32>
    %get3A_1295 = arith.constant 1296 : index
    %get3A_1296 = tpu.vector_load %arg6[%get3A_1295] {strides = array<i32>} : memref<2048xf32, #tpu.memory_space<vmem>>, vector<16xf32>,
    %get3A_1297 = vector.shape_cast %get3A_1296 : vector<16xf32> to vector<16xf32>
    %slice3A_1298 = vector.extract_strided_slice %get3A_77 {offsets = [2], sizes = [1], strides = [1]} : vector<16xf32> to vector<1xf32>
    %squeeze3A_1299 = vector.extract %slice3A_1298[0] : f32 from vector<1xf32>
    %sub3A_1300 = vector.broadcast %squeeze3A_1299 : f32 to vector<16xf32>
    %sub3A_1301 = arith.subf %get3A_1297, %sub3A_1300 : vector<16xf32>
    %slice3A_1302 = vector.extract_strided_slice %get3A_74 {offsets = [2], sizes = [1], strides = [1]} : vector<16xf32> to vector<1xf32>
    %squeeze3A_1303 = vector.extract %slice3A_1302[0] : f32 from vector<1xf32>
    %div3A_1304 = vector.broadcast %squeeze3A_1303 : f32 to vector<16xf32>
    %div3A_1305 = arith.divf %sub3A_1301, %div3A_1304 : vector<16xf32>
    %convert_element_type3A_1306 = arith.fptosi %div3A_1305 : vector<16xf32> to vector<16xi32>
    %mul3A_1307 = arith.constant 53 : i32
    %mul3A_1308 = vector.broadcast %mul3A_1307 : i32 to vector<16xi32>
    %mul3A_1309 = arith.muli %convert_element_type3A_1306, %mul3A_1308 : vector<16xi32>
    %add3A_1310 = arith.addi %add3A_1294, %mul3A_1309 : vector<16xi32>
    %get3A_1311 = arith.constant 1808 : index
    %get3A_1312 = tpu.vector_load %arg6[%get3A_1311] {strides = array<i32>} : memref<2048xf32, #tpu.memory_space<vmem>>, vector<16xf32>,
    %get3A_1313 = vector.shape_cast %get3A_1312 : vector<16xf32> to vector<16xf32>
    %slice3A_1314 = vector.extract_strided_slice %get3A_77 {offsets = [3], sizes = [1], strides = [1]} : vector<16xf32> to vector<1xf32>
    %squeeze3A_1315 = vector.extract %slice3A_1314[0] : f32 from vector<1xf32>
    %sub3A_1316 = vector.broadcast %squeeze3A_1315 : f32 to vector<16xf32>
    %sub3A_1317 = arith.subf %get3A_1313, %sub3A_1316 : vector<16xf32>
    %slice3A_1318 = vector.extract_strided_slice %get3A_74 {offsets = [3], sizes = [1], strides = [1]} : vector<16xf32> to vector<1xf32>
    %squeeze3A_1319 = vector.extract %slice3A_1318[0] : f32 from vector<1xf32>
    %div3A_1320 = vector.broadcast %squeeze3A_1319 : f32 to vector<16xf32>
    %div3A_1321 = arith.divf %sub3A_1317, %div3A_1320 : vector<16xf32>
    %convert_element_type3A_1322 = arith.fptosi %div3A_1321 : vector<16xf32> to vector<16xi32>
    %mul3A_1323 = arith.constant 1 : i32
    %mul3A_1324 = vector.broadcast %mul3A_1323 : i32 to vector<16xi32>
    %mul3A_1325 = arith.muli %convert_element_type3A_1322, %mul3A_1324 : vector<16xi32>
    %add3A_1326 = arith.addi %add3A_1310, %mul3A_1325 : vector<16xi32>
    %swap3A_1327 = arith.constant 272 : index
    %swap3A_1328 = tpu.vector_load %arg9[%swap3A_1327] {strides = array<i32>} : memref<512xi32, #tpu.memory_space<vmem>>, vector<16xi32>,
    %swap3A_1329 = vector.shape_cast %swap3A_1328 : vector<16xi32> to vector<16xi32>
    %swap3A_1330 = vector.shape_cast %add3A_1326 : vector<16xi32> to vector<16xi32>
    tpu.vector_store %arg9[%swap3A_1327], %swap3A_1330 {strides = array<i32>} : memref<512xi32, #tpu.memory_space<vmem>>, vector<16xi32>,
    %broadcast_in_dim3A_1331 = arith.constant 0 : i32
    %broadcast_in_dim3A_1332 = vector.broadcast %broadcast_in_dim3A_1331 : i32 to vector<16xi32>
    %get3A_1333 = arith.constant 288 : index
    %get3A_1334 = tpu.vector_load %arg6[%get3A_1333] {strides = array<i32>} : memref<2048xf32, #tpu.memory_space<vmem>>, vector<16xf32>,
    %get3A_1335 = vector.shape_cast %get3A_1334 : vector<16xf32> to vector<16xf32>
    %slice3A_1336 = vector.extract_strided_slice %get3A_77 {offsets = [0], sizes = [1], strides = [1]} : vector<16xf32> to vector<1xf32>
    %squeeze3A_1337 = vector.extract %slice3A_1336[0] : f32 from vector<1xf32>
    %sub3A_1338 = vector.broadcast %squeeze3A_1337 : f32 to vector<16xf32>
    %sub3A_1339 = arith.subf %get3A_1335, %sub3A_1338 : vector<16xf32>
    %slice3A_1340 = vector.extract_strided_slice %get3A_74 {offsets = [0], sizes = [1], strides = [1]} : vector<16xf32> to vector<1xf32>
    %squeeze3A_1341 = vector.extract %slice3A_1340[0] : f32 from vector<1xf32>
    %div3A_1342 = vector.broadcast %squeeze3A_1341 : f32 to vector<16xf32>
    %div3A_1343 = arith.divf %sub3A_1339, %div3A_1342 : vector<16xf32>
    %convert_element_type3A_1344 = arith.fptosi %div3A_1343 : vector<16xf32> to vector<16xi32>
    %mul3A_1345 = arith.constant 148877 : i32
    %mul3A_1346 = vector.broadcast %mul3A_1345 : i32 to vector<16xi32>
    %mul3A_1347 = arith.muli %convert_element_type3A_1344, %mul3A_1346 : vector<16xi32>
    %add3A_1348 = arith.addi %broadcast_in_dim3A_1332, %mul3A_1347 : vector<16xi32>
    %get3A_1349 = arith.constant 800 : index
    %get3A_1350 = tpu.vector_load %arg6[%get3A_1349] {strides = array<i32>} : memref<2048xf32, #tpu.memory_space<vmem>>, vector<16xf32>,
    %get3A_1351 = vector.shape_cast %get3A_1350 : vector<16xf32> to vector<16xf32>
    %slice3A_1352 = vector.extract_strided_slice %get3A_77 {offsets = [1], sizes = [1], strides = [1]} : vector<16xf32> to vector<1xf32>
    %squeeze3A_1353 = vector.extract %slice3A_1352[0] : f32 from vector<1xf32>
    %sub3A_1354 = vector.broadcast %squeeze3A_1353 : f32 to vector<16xf32>
    %sub3A_1355 = arith.subf %get3A_1351, %sub3A_1354 : vector<16xf32>
    %slice3A_1356 = vector.extract_strided_slice %get3A_74 {offsets = [1], sizes = [1], strides = [1]} : vector<16xf32> to vector<1xf32>
    %squeeze3A_1357 = vector.extract %slice3A_1356[0] : f32 from vector<1xf32>
    %div3A_1358 = vector.broadcast %squeeze3A_1357 : f32 to vector<16xf32>
    %div3A_1359 = arith.divf %sub3A_1355, %div3A_1358 : vector<16xf32>
    %convert_element_type3A_1360 = arith.fptosi %div3A_1359 : vector<16xf32> to vector<16xi32>
    %mul3A_1361 = arith.constant 2809 : i32
    %mul3A_1362 = vector.broadcast %mul3A_1361 : i32 to vector<16xi32>
    %mul3A_1363 = arith.muli %convert_element_type3A_1360, %mul3A_1362 : vector<16xi32>
    %add3A_1364 = arith.addi %add3A_1348, %mul3A_1363 : vector<16xi32>
    %get3A_1365 = arith.constant 1312 : index
    %get3A_1366 = tpu.vector_load %arg6[%get3A_1365] {strides = array<i32>} : memref<2048xf32, #tpu.memory_space<vmem>>, vector<16xf32>,
    %get3A_1367 = vector.shape_cast %get3A_1366 : vector<16xf32> to vector<16xf32>
    %slice3A_1368 = vector.extract_strided_slice %get3A_77 {offsets = [2], sizes = [1], strides = [1]} : vector<16xf32> to vector<1xf32>
    %squeeze3A_1369 = vector.extract %slice3A_1368[0] : f32 from vector<1xf32>
    %sub3A_1370 = vector.broadcast %squeeze3A_1369 : f32 to vector<16xf32>
    %sub3A_1371 = arith.subf %get3A_1367, %sub3A_1370 : vector<16xf32>
    %slice3A_1372 = vector.extract_strided_slice %get3A_74 {offsets = [2], sizes = [1], strides = [1]} : vector<16xf32> to vector<1xf32>
    %squeeze3A_1373 = vector.extract %slice3A_1372[0] : f32 from vector<1xf32>
    %div3A_1374 = vector.broadcast %squeeze3A_1373 : f32 to vector<16xf32>
    %div3A_1375 = arith.divf %sub3A_1371, %div3A_1374 : vector<16xf32>
    %convert_element_type3A_1376 = arith.fptosi %div3A_1375 : vector<16xf32> to vector<16xi32>
    %mul3A_1377 = arith.constant 53 : i32
    %mul3A_1378 = vector.broadcast %mul3A_1377 : i32 to vector<16xi32>
    %mul3A_1379 = arith.muli %convert_element_type3A_1376, %mul3A_1378 : vector<16xi32>
    %add3A_1380 = arith.addi %add3A_1364, %mul3A_1379 : vector<16xi32>
    %get3A_1381 = arith.constant 1824 : index
    %get3A_1382 = tpu.vector_load %arg6[%get3A_1381] {strides = array<i32>} : memref<2048xf32, #tpu.memory_space<vmem>>, vector<16xf32>,
    %get3A_1383 = vector.shape_cast %get3A_1382 : vector<16xf32> to vector<16xf32>
    %slice3A_1384 = vector.extract_strided_slice %get3A_77 {offsets = [3], sizes = [1], strides = [1]} : vector<16xf32> to vector<1xf32>
    %squeeze3A_1385 = vector.extract %slice3A_1384[0] : f32 from vector<1xf32>
    %sub3A_1386 = vector.broadcast %squeeze3A_1385 : f32 to vector<16xf32>
    %sub3A_1387 = arith.subf %get3A_1383, %sub3A_1386 : vector<16xf32>
    %slice3A_1388 = vector.extract_strided_slice %get3A_74 {offsets = [3], sizes = [1], strides = [1]} : vector<16xf32> to vector<1xf32>
    %squeeze3A_1389 = vector.extract %slice3A_1388[0] : f32 from vector<1xf32>
    %div3A_1390 = vector.broadcast %squeeze3A_1389 : f32 to vector<16xf32>
    %div3A_1391 = arith.divf %sub3A_1387, %div3A_1390 : vector<16xf32>
    %convert_element_type3A_1392 = arith.fptosi %div3A_1391 : vector<16xf32> to vector<16xi32>
    %mul3A_1393 = arith.constant 1 : i32
    %mul3A_1394 = vector.broadcast %mul3A_1393 : i32 to vector<16xi32>
    %mul3A_1395 = arith.muli %convert_element_type3A_1392, %mul3A_1394 : vector<16xi32>
    %add3A_1396 = arith.addi %add3A_1380, %mul3A_1395 : vector<16xi32>
    %swap3A_1397 = arith.constant 288 : index
    %swap3A_1398 = tpu.vector_load %arg9[%swap3A_1397] {strides = array<i32>} : memref<512xi32, #tpu.memory_space<vmem>>, vector<16xi32>,
    %swap3A_1399 = vector.shape_cast %swap3A_1398 : vector<16xi32> to vector<16xi32>
    %swap3A_1400 = vector.shape_cast %add3A_1396 : vector<16xi32> to vector<16xi32>
    tpu.vector_store %arg9[%swap3A_1397], %swap3A_1400 {strides = array<i32>} : memref<512xi32, #tpu.memory_space<vmem>>, vector<16xi32>,
    %broadcast_in_dim3A_1401 = arith.constant 0 : i32
    %broadcast_in_dim3A_1402 = vector.broadcast %broadcast_in_dim3A_1401 : i32 to vector<16xi32>
    %get3A_1403 = arith.constant 304 : index
    %get3A_1404 = tpu.vector_load %arg6[%get3A_1403] {strides = array<i32>} : memref<2048xf32, #tpu.memory_space<vmem>>, vector<16xf32>,
    %get3A_1405 = vector.shape_cast %get3A_1404 : vector<16xf32> to vector<16xf32>
    %slice3A_1406 = vector.extract_strided_slice %get3A_77 {offsets = [0], sizes = [1], strides = [1]} : vector<16xf32> to vector<1xf32>
    %squeeze3A_1407 = vector.extract %slice3A_1406[0] : f32 from vector<1xf32>
    %sub3A_1408 = vector.broadcast %squeeze3A_1407 : f32 to vector<16xf32>
    %sub3A_1409 = arith.subf %get3A_1405, %sub3A_1408 : vector<16xf32>
    %slice3A_1410 = vector.extract_strided_slice %get3A_74 {offsets = [0], sizes = [1], strides = [1]} : vector<16xf32> to vector<1xf32>
    %squeeze3A_1411 = vector.extract %slice3A_1410[0] : f32 from vector<1xf32>
    %div3A_1412 = vector.broadcast %squeeze3A_1411 : f32 to vector<16xf32>
    %div3A_1413 = arith.divf %sub3A_1409, %div3A_1412 : vector<16xf32>
    %convert_element_type3A_1414 = arith.fptosi %div3A_1413 : vector<16xf32> to vector<16xi32>
    %mul3A_1415 = arith.constant 148877 : i32
    %mul3A_1416 = vector.broadcast %mul3A_1415 : i32 to vector<16xi32>
    %mul3A_1417 = arith.muli %convert_element_type3A_1414, %mul3A_1416 : vector<16xi32>
    %add3A_1418 = arith.addi %broadcast_in_dim3A_1402, %mul3A_1417 : vector<16xi32>
    %get3A_1419 = arith.constant 816 : index
    %get3A_1420 = tpu.vector_load %arg6[%get3A_1419] {strides = array<i32>} : memref<2048xf32, #tpu.memory_space<vmem>>, vector<16xf32>,
    %get3A_1421 = vector.shape_cast %get3A_1420 : vector<16xf32> to vector<16xf32>
    %slice3A_1422 = vector.extract_strided_slice %get3A_77 {offsets = [1], sizes = [1], strides = [1]} : vector<16xf32> to vector<1xf32>
    %squeeze3A_1423 = vector.extract %slice3A_1422[0] : f32 from vector<1xf32>
    %sub3A_1424 = vector.broadcast %squeeze3A_1423 : f32 to vector<16xf32>
    %sub3A_1425 = arith.subf %get3A_1421, %sub3A_1424 : vector<16xf32>
    %slice3A_1426 = vector.extract_strided_slice %get3A_74 {offsets = [1], sizes = [1], strides = [1]} : vector<16xf32> to vector<1xf32>
    %squeeze3A_1427 = vector.extract %slice3A_1426[0] : f32 from vector<1xf32>
    %div3A_1428 = vector.broadcast %squeeze3A_1427 : f32 to vector<16xf32>
    %div3A_1429 = arith.divf %sub3A_1425, %div3A_1428 : vector<16xf32>
    %convert_element_type3A_1430 = arith.fptosi %div3A_1429 : vector<16xf32> to vector<16xi32>
    %mul3A_1431 = arith.constant 2809 : i32
    %mul3A_1432 = vector.broadcast %mul3A_1431 : i32 to vector<16xi32>
    %mul3A_1433 = arith.muli %convert_element_type3A_1430, %mul3A_1432 : vector<16xi32>
    %add3A_1434 = arith.addi %add3A_1418, %mul3A_1433 : vector<16xi32>
    %get3A_1435 = arith.constant 1328 : index
    %get3A_1436 = tpu.vector_load %arg6[%get3A_1435] {strides = array<i32>} : memref<2048xf32, #tpu.memory_space<vmem>>, vector<16xf32>,
    %get3A_1437 = vector.shape_cast %get3A_1436 : vector<16xf32> to vector<16xf32>
    %slice3A_1438 = vector.extract_strided_slice %get3A_77 {offsets = [2], sizes = [1], strides = [1]} : vector<16xf32> to vector<1xf32>
    %squeeze3A_1439 = vector.extract %slice3A_1438[0] : f32 from vector<1xf32>
    %sub3A_1440 = vector.broadcast %squeeze3A_1439 : f32 to vector<16xf32>
    %sub3A_1441 = arith.subf %get3A_1437, %sub3A_1440 : vector<16xf32>
    %slice3A_1442 = vector.extract_strided_slice %get3A_74 {offsets = [2], sizes = [1], strides = [1]} : vector<16xf32> to vector<1xf32>
    %squeeze3A_1443 = vector.extract %slice3A_1442[0] : f32 from vector<1xf32>
    %div3A_1444 = vector.broadcast %squeeze3A_1443 : f32 to vector<16xf32>
    %div3A_1445 = arith.divf %sub3A_1441, %div3A_1444 : vector<16xf32>
    %convert_element_type3A_1446 = arith.fptosi %div3A_1445 : vector<16xf32> to vector<16xi32>
    %mul3A_1447 = arith.constant 53 : i32
    %mul3A_1448 = vector.broadcast %mul3A_1447 : i32 to vector<16xi32>
    %mul3A_1449 = arith.muli %convert_element_type3A_1446, %mul3A_1448 : vector<16xi32>
    %add3A_1450 = arith.addi %add3A_1434, %mul3A_1449 : vector<16xi32>
    %get3A_1451 = arith.constant 1840 : index
    %get3A_1452 = tpu.vector_load %arg6[%get3A_1451] {strides = array<i32>} : memref<2048xf32, #tpu.memory_space<vmem>>, vector<16xf32>,
    %get3A_1453 = vector.shape_cast %get3A_1452 : vector<16xf32> to vector<16xf32>
    %slice3A_1454 = vector.extract_strided_slice %get3A_77 {offsets = [3], sizes = [1], strides = [1]} : vector<16xf32> to vector<1xf32>
    %squeeze3A_1455 = vector.extract %slice3A_1454[0] : f32 from vector<1xf32>
    %sub3A_1456 = vector.broadcast %squeeze3A_1455 : f32 to vector<16xf32>
    %sub3A_1457 = arith.subf %get3A_1453, %sub3A_1456 : vector<16xf32>
    %slice3A_1458 = vector.extract_strided_slice %get3A_74 {offsets = [3], sizes = [1], strides = [1]} : vector<16xf32> to vector<1xf32>
    %squeeze3A_1459 = vector.extract %slice3A_1458[0] : f32 from vector<1xf32>
    %div3A_1460 = vector.broadcast %squeeze3A_1459 : f32 to vector<16xf32>
    %div3A_1461 = arith.divf %sub3A_1457, %div3A_1460 : vector<16xf32>
    %convert_element_type3A_1462 = arith.fptosi %div3A_1461 : vector<16xf32> to vector<16xi32>
    %mul3A_1463 = arith.constant 1 : i32
    %mul3A_1464 = vector.broadcast %mul3A_1463 : i32 to vector<16xi32>
    %mul3A_1465 = arith.muli %convert_element_type3A_1462, %mul3A_1464 : vector<16xi32>
    %add3A_1466 = arith.addi %add3A_1450, %mul3A_1465 : vector<16xi32>
    %swap3A_1467 = arith.constant 304 : index
    %swap3A_1468 = tpu.vector_load %arg9[%swap3A_1467] {strides = array<i32>} : memref<512xi32, #tpu.memory_space<vmem>>, vector<16xi32>,
    %swap3A_1469 = vector.shape_cast %swap3A_1468 : vector<16xi32> to vector<16xi32>
    %swap3A_1470 = vector.shape_cast %add3A_1466 : vector<16xi32> to vector<16xi32>
    tpu.vector_store %arg9[%swap3A_1467], %swap3A_1470 {strides = array<i32>} : memref<512xi32, #tpu.memory_space<vmem>>, vector<16xi32>,
    %broadcast_in_dim3A_1471 = arith.constant 0 : i32
    %broadcast_in_dim3A_1472 = vector.broadcast %broadcast_in_dim3A_1471 : i32 to vector<16xi32>
    %get3A_1473 = arith.constant 320 : index
    %get3A_1474 = tpu.vector_load %arg6[%get3A_1473] {strides = array<i32>} : memref<2048xf32, #tpu.memory_space<vmem>>, vector<16xf32>,
    %get3A_1475 = vector.shape_cast %get3A_1474 : vector<16xf32> to vector<16xf32>
    %slice3A_1476 = vector.extract_strided_slice %get3A_77 {offsets = [0], sizes = [1], strides = [1]} : vector<16xf32> to vector<1xf32>
    %squeeze3A_1477 = vector.extract %slice3A_1476[0] : f32 from vector<1xf32>
    %sub3A_1478 = vector.broadcast %squeeze3A_1477 : f32 to vector<16xf32>
    %sub3A_1479 = arith.subf %get3A_1475, %sub3A_1478 : vector<16xf32>
    %slice3A_1480 = vector.extract_strided_slice %get3A_74 {offsets = [0], sizes = [1], strides = [1]} : vector<16xf32> to vector<1xf32>
    %squeeze3A_1481 = vector.extract %slice3A_1480[0] : f32 from vector<1xf32>
    %div3A_1482 = vector.broadcast %squeeze3A_1481 : f32 to vector<16xf32>
    %div3A_1483 = arith.divf %sub3A_1479, %div3A_1482 : vector<16xf32>
    %convert_element_type3A_1484 = arith.fptosi %div3A_1483 : vector<16xf32> to vector<16xi32>
    %mul3A_1485 = arith.constant 148877 : i32
    %mul3A_1486 = vector.broadcast %mul3A_1485 : i32 to vector<16xi32>
    %mul3A_1487 = arith.muli %convert_element_type3A_1484, %mul3A_1486 : vector<16xi32>
    %add3A_1488 = arith.addi %broadcast_in_dim3A_1472, %mul3A_1487 : vector<16xi32>
    %get3A_1489 = arith.constant 832 : index
    %get3A_1490 = tpu.vector_load %arg6[%get3A_1489] {strides = array<i32>} : memref<2048xf32, #tpu.memory_space<vmem>>, vector<16xf32>,
    %get3A_1491 = vector.shape_cast %get3A_1490 : vector<16xf32> to vector<16xf32>
    %slice3A_1492 = vector.extract_strided_slice %get3A_77 {offsets = [1], sizes = [1], strides = [1]} : vector<16xf32> to vector<1xf32>
    %squeeze3A_1493 = vector.extract %slice3A_1492[0] : f32 from vector<1xf32>
    %sub3A_1494 = vector.broadcast %squeeze3A_1493 : f32 to vector<16xf32>
    %sub3A_1495 = arith.subf %get3A_1491, %sub3A_1494 : vector<16xf32>
    %slice3A_1496 = vector.extract_strided_slice %get3A_74 {offsets = [1], sizes = [1], strides = [1]} : vector<16xf32> to vector<1xf32>
    %squeeze3A_1497 = vector.extract %slice3A_1496[0] : f32 from vector<1xf32>
    %div3A_1498 = vector.broadcast %squeeze3A_1497 : f32 to vector<16xf32>
    %div3A_1499 = arith.divf %sub3A_1495, %div3A_1498 : vector<16xf32>
    %convert_element_type3A_1500 = arith.fptosi %div3A_1499 : vector<16xf32> to vector<16xi32>
    %mul3A_1501 = arith.constant 2809 : i32
    %mul3A_1502 = vector.broadcast %mul3A_1501 : i32 to vector<16xi32>
    %mul3A_1503 = arith.muli %convert_element_type3A_1500, %mul3A_1502 : vector<16xi32>
    %add3A_1504 = arith.addi %add3A_1488, %mul3A_1503 : vector<16xi32>
    %get3A_1505 = arith.constant 1344 : index
    %get3A_1506 = tpu.vector_load %arg6[%get3A_1505] {strides = array<i32>} : memref<2048xf32, #tpu.memory_space<vmem>>, vector<16xf32>,
    %get3A_1507 = vector.shape_cast %get3A_1506 : vector<16xf32> to vector<16xf32>
    %slice3A_1508 = vector.extract_strided_slice %get3A_77 {offsets = [2], sizes = [1], strides = [1]} : vector<16xf32> to vector<1xf32>
    %squeeze3A_1509 = vector.extract %slice3A_1508[0] : f32 from vector<1xf32>
    %sub3A_1510 = vector.broadcast %squeeze3A_1509 : f32 to vector<16xf32>
    %sub3A_1511 = arith.subf %get3A_1507, %sub3A_1510 : vector<16xf32>
    %slice3A_1512 = vector.extract_strided_slice %get3A_74 {offsets = [2], sizes = [1], strides = [1]} : vector<16xf32> to vector<1xf32>
    %squeeze3A_1513 = vector.extract %slice3A_1512[0] : f32 from vector<1xf32>
    %div3A_1514 = vector.broadcast %squeeze3A_1513 : f32 to vector<16xf32>
    %div3A_1515 = arith.divf %sub3A_1511, %div3A_1514 : vector<16xf32>
    %convert_element_type3A_1516 = arith.fptosi %div3A_1515 : vector<16xf32> to vector<16xi32>
    %mul3A_1517 = arith.constant 53 : i32
    %mul3A_1518 = vector.broadcast %mul3A_1517 : i32 to vector<16xi32>
    %mul3A_1519 = arith.muli %convert_element_type3A_1516, %mul3A_1518 : vector<16xi32>
    %add3A_1520 = arith.addi %add3A_1504, %mul3A_1519 : vector<16xi32>
    %get3A_1521 = arith.constant 1856 : index
    %get3A_1522 = tpu.vector_load %arg6[%get3A_1521] {strides = array<i32>} : memref<2048xf32, #tpu.memory_space<vmem>>, vector<16xf32>,
    %get3A_1523 = vector.shape_cast %get3A_1522 : vector<16xf32> to vector<16xf32>
    %slice3A_1524 = vector.extract_strided_slice %get3A_77 {offsets = [3], sizes = [1], strides = [1]} : vector<16xf32> to vector<1xf32>
    %squeeze3A_1525 = vector.extract %slice3A_1524[0] : f32 from vector<1xf32>
    %sub3A_1526 = vector.broadcast %squeeze3A_1525 : f32 to vector<16xf32>
    %sub3A_1527 = arith.subf %get3A_1523, %sub3A_1526 : vector<16xf32>
    %slice3A_1528 = vector.extract_strided_slice %get3A_74 {offsets = [3], sizes = [1], strides = [1]} : vector<16xf32> to vector<1xf32>
    %squeeze3A_1529 = vector.extract %slice3A_1528[0] : f32 from vector<1xf32>
    %div3A_1530 = vector.broadcast %squeeze3A_1529 : f32 to vector<16xf32>
    %div3A_1531 = arith.divf %sub3A_1527, %div3A_1530 : vector<16xf32>
    %convert_element_type3A_1532 = arith.fptosi %div3A_1531 : vector<16xf32> to vector<16xi32>
    %mul3A_1533 = arith.constant 1 : i32
    %mul3A_1534 = vector.broadcast %mul3A_1533 : i32 to vector<16xi32>
    %mul3A_1535 = arith.muli %convert_element_type3A_1532, %mul3A_1534 : vector<16xi32>
    %add3A_1536 = arith.addi %add3A_1520, %mul3A_1535 : vector<16xi32>
    %swap3A_1537 = arith.constant 320 : index
    %swap3A_1538 = tpu.vector_load %arg9[%swap3A_1537] {strides = array<i32>} : memref<512xi32, #tpu.memory_space<vmem>>, vector<16xi32>,
    %swap3A_1539 = vector.shape_cast %swap3A_1538 : vector<16xi32> to vector<16xi32>
    %swap3A_1540 = vector.shape_cast %add3A_1536 : vector<16xi32> to vector<16xi32>
    tpu.vector_store %arg9[%swap3A_1537], %swap3A_1540 {strides = array<i32>} : memref<512xi32, #tpu.memory_space<vmem>>, vector<16xi32>,
    %broadcast_in_dim3A_1541 = arith.constant 0 : i32
    %broadcast_in_dim3A_1542 = vector.broadcast %broadcast_in_dim3A_1541 : i32 to vector<16xi32>
    %get3A_1543 = arith.constant 336 : index
    %get3A_1544 = tpu.vector_load %arg6[%get3A_1543] {strides = array<i32>} : memref<2048xf32, #tpu.memory_space<vmem>>, vector<16xf32>,
    %get3A_1545 = vector.shape_cast %get3A_1544 : vector<16xf32> to vector<16xf32>
    %slice3A_1546 = vector.extract_strided_slice %get3A_77 {offsets = [0], sizes = [1], strides = [1]} : vector<16xf32> to vector<1xf32>
    %squeeze3A_1547 = vector.extract %slice3A_1546[0] : f32 from vector<1xf32>
    %sub3A_1548 = vector.broadcast %squeeze3A_1547 : f32 to vector<16xf32>
    %sub3A_1549 = arith.subf %get3A_1545, %sub3A_1548 : vector<16xf32>
    %slice3A_1550 = vector.extract_strided_slice %get3A_74 {offsets = [0], sizes = [1], strides = [1]} : vector<16xf32> to vector<1xf32>
    %squeeze3A_1551 = vector.extract %slice3A_1550[0] : f32 from vector<1xf32>
    %div3A_1552 = vector.broadcast %squeeze3A_1551 : f32 to vector<16xf32>
    %div3A_1553 = arith.divf %sub3A_1549, %div3A_1552 : vector<16xf32>
    %convert_element_type3A_1554 = arith.fptosi %div3A_1553 : vector<16xf32> to vector<16xi32>
    %mul3A_1555 = arith.constant 148877 : i32
    %mul3A_1556 = vector.broadcast %mul3A_1555 : i32 to vector<16xi32>
    %mul3A_1557 = arith.muli %convert_element_type3A_1554, %mul3A_1556 : vector<16xi32>
    %add3A_1558 = arith.addi %broadcast_in_dim3A_1542, %mul3A_1557 : vector<16xi32>
    %get3A_1559 = arith.constant 848 : index
    %get3A_1560 = tpu.vector_load %arg6[%get3A_1559] {strides = array<i32>} : memref<2048xf32, #tpu.memory_space<vmem>>, vector<16xf32>,
    %get3A_1561 = vector.shape_cast %get3A_1560 : vector<16xf32> to vector<16xf32>
    %slice3A_1562 = vector.extract_strided_slice %get3A_77 {offsets = [1], sizes = [1], strides = [1]} : vector<16xf32> to vector<1xf32>
    %squeeze3A_1563 = vector.extract %slice3A_1562[0] : f32 from vector<1xf32>
    %sub3A_1564 = vector.broadcast %squeeze3A_1563 : f32 to vector<16xf32>
    %sub3A_1565 = arith.subf %get3A_1561, %sub3A_1564 : vector<16xf32>
    %slice3A_1566 = vector.extract_strided_slice %get3A_74 {offsets = [1], sizes = [1], strides = [1]} : vector<16xf32> to vector<1xf32>
    %squeeze3A_1567 = vector.extract %slice3A_1566[0] : f32 from vector<1xf32>
    %div3A_1568 = vector.broadcast %squeeze3A_1567 : f32 to vector<16xf32>
    %div3A_1569 = arith.divf %sub3A_1565, %div3A_1568 : vector<16xf32>
    %convert_element_type3A_1570 = arith.fptosi %div3A_1569 : vector<16xf32> to vector<16xi32>
    %mul3A_1571 = arith.constant 2809 : i32
    %mul3A_1572 = vector.broadcast %mul3A_1571 : i32 to vector<16xi32>
    %mul3A_1573 = arith.muli %convert_element_type3A_1570, %mul3A_1572 : vector<16xi32>
    %add3A_1574 = arith.addi %add3A_1558, %mul3A_1573 : vector<16xi32>
    %get3A_1575 = arith.constant 1360 : index
    %get3A_1576 = tpu.vector_load %arg6[%get3A_1575] {strides = array<i32>} : memref<2048xf32, #tpu.memory_space<vmem>>, vector<16xf32>,
    %get3A_1577 = vector.shape_cast %get3A_1576 : vector<16xf32> to vector<16xf32>
    %slice3A_1578 = vector.extract_strided_slice %get3A_77 {offsets = [2], sizes = [1], strides = [1]} : vector<16xf32> to vector<1xf32>
    %squeeze3A_1579 = vector.extract %slice3A_1578[0] : f32 from vector<1xf32>
    %sub3A_1580 = vector.broadcast %squeeze3A_1579 : f32 to vector<16xf32>
    %sub3A_1581 = arith.subf %get3A_1577, %sub3A_1580 : vector<16xf32>
    %slice3A_1582 = vector.extract_strided_slice %get3A_74 {offsets = [2], sizes = [1], strides = [1]} : vector<16xf32> to vector<1xf32>
    %squeeze3A_1583 = vector.extract %slice3A_1582[0] : f32 from vector<1xf32>
    %div3A_1584 = vector.broadcast %squeeze3A_1583 : f32 to vector<16xf32>
    %div3A_1585 = arith.divf %sub3A_1581, %div3A_1584 : vector<16xf32>
    %convert_element_type3A_1586 = arith.fptosi %div3A_1585 : vector<16xf32> to vector<16xi32>
    %mul3A_1587 = arith.constant 53 : i32
    %mul3A_1588 = vector.broadcast %mul3A_1587 : i32 to vector<16xi32>
    %mul3A_1589 = arith.muli %convert_element_type3A_1586, %mul3A_1588 : vector<16xi32>
    %add3A_1590 = arith.addi %add3A_1574, %mul3A_1589 : vector<16xi32>
    %get3A_1591 = arith.constant 1872 : index
    %get3A_1592 = tpu.vector_load %arg6[%get3A_1591] {strides = array<i32>} : memref<2048xf32, #tpu.memory_space<vmem>>, vector<16xf32>,
    %get3A_1593 = vector.shape_cast %get3A_1592 : vector<16xf32> to vector<16xf32>
    %slice3A_1594 = vector.extract_strided_slice %get3A_77 {offsets = [3], sizes = [1], strides = [1]} : vector<16xf32> to vector<1xf32>
    %squeeze3A_1595 = vector.extract %slice3A_1594[0] : f32 from vector<1xf32>
    %sub3A_1596 = vector.broadcast %squeeze3A_1595 : f32 to vector<16xf32>
    %sub3A_1597 = arith.subf %get3A_1593, %sub3A_1596 : vector<16xf32>
    %slice3A_1598 = vector.extract_strided_slice %get3A_74 {offsets = [3], sizes = [1], strides = [1]} : vector<16xf32> to vector<1xf32>
    %squeeze3A_1599 = vector.extract %slice3A_1598[0] : f32 from vector<1xf32>
    %div3A_1600 = vector.broadcast %squeeze3A_1599 : f32 to vector<16xf32>
    %div3A_1601 = arith.divf %sub3A_1597, %div3A_1600 : vector<16xf32>
    %convert_element_type3A_1602 = arith.fptosi %div3A_1601 : vector<16xf32> to vector<16xi32>
    %mul3A_1603 = arith.constant 1 : i32
    %mul3A_1604 = vector.broadcast %mul3A_1603 : i32 to vector<16xi32>
    %mul3A_1605 = arith.muli %convert_element_type3A_1602, %mul3A_1604 : vector<16xi32>
    %add3A_1606 = arith.addi %add3A_1590, %mul3A_1605 : vector<16xi32>
    %swap3A_1607 = arith.constant 336 : index
    %swap3A_1608 = tpu.vector_load %arg9[%swap3A_1607] {strides = array<i32>} : memref<512xi32, #tpu.memory_space<vmem>>, vector<16xi32>,
    %swap3A_1609 = vector.shape_cast %swap3A_1608 : vector<16xi32> to vector<16xi32>
    %swap3A_1610 = vector.shape_cast %add3A_1606 : vector<16xi32> to vector<16xi32>
    tpu.vector_store %arg9[%swap3A_1607], %swap3A_1610 {strides = array<i32>} : memref<512xi32, #tpu.memory_space<vmem>>, vector<16xi32>,
    %broadcast_in_dim3A_1611 = arith.constant 0 : i32
    %broadcast_in_dim3A_1612 = vector.broadcast %broadcast_in_dim3A_1611 : i32 to vector<16xi32>
    %get3A_1613 = arith.constant 352 : index
    %get3A_1614 = tpu.vector_load %arg6[%get3A_1613] {strides = array<i32>} : memref<2048xf32, #tpu.memory_space<vmem>>, vector<16xf32>,
    %get3A_1615 = vector.shape_cast %get3A_1614 : vector<16xf32> to vector<16xf32>
    %slice3A_1616 = vector.extract_strided_slice %get3A_77 {offsets = [0], sizes = [1], strides = [1]} : vector<16xf32> to vector<1xf32>
    %squeeze3A_1617 = vector.extract %slice3A_1616[0] : f32 from vector<1xf32>
    %sub3A_1618 = vector.broadcast %squeeze3A_1617 : f32 to vector<16xf32>
    %sub3A_1619 = arith.subf %get3A_1615, %sub3A_1618 : vector<16xf32>
    %slice3A_1620 = vector.extract_strided_slice %get3A_74 {offsets = [0], sizes = [1], strides = [1]} : vector<16xf32> to vector<1xf32>
    %squeeze3A_1621 = vector.extract %slice3A_1620[0] : f32 from vector<1xf32>
    %div3A_1622 = vector.broadcast %squeeze3A_1621 : f32 to vector<16xf32>
    %div3A_1623 = arith.divf %sub3A_1619, %div3A_1622 : vector<16xf32>
    %convert_element_type3A_1624 = arith.fptosi %div3A_1623 : vector<16xf32> to vector<16xi32>
    %mul3A_1625 = arith.constant 148877 : i32
    %mul3A_1626 = vector.broadcast %mul3A_1625 : i32 to vector<16xi32>
    %mul3A_1627 = arith.muli %convert_element_type3A_1624, %mul3A_1626 : vector<16xi32>
    %add3A_1628 = arith.addi %broadcast_in_dim3A_1612, %mul3A_1627 : vector<16xi32>
    %get3A_1629 = arith.constant 864 : index
    %get3A_1630 = tpu.vector_load %arg6[%get3A_1629] {strides = array<i32>} : memref<2048xf32, #tpu.memory_space<vmem>>, vector<16xf32>,
    %get3A_1631 = vector.shape_cast %get3A_1630 : vector<16xf32> to vector<16xf32>
    %slice3A_1632 = vector.extract_strided_slice %get3A_77 {offsets = [1], sizes = [1], strides = [1]} : vector<16xf32> to vector<1xf32>
    %squeeze3A_1633 = vector.extract %slice3A_1632[0] : f32 from vector<1xf32>
    %sub3A_1634 = vector.broadcast %squeeze3A_1633 : f32 to vector<16xf32>
    %sub3A_1635 = arith.subf %get3A_1631, %sub3A_1634 : vector<16xf32>
    %slice3A_1636 = vector.extract_strided_slice %get3A_74 {offsets = [1], sizes = [1], strides = [1]} : vector<16xf32> to vector<1xf32>
    %squeeze3A_1637 = vector.extract %slice3A_1636[0] : f32 from vector<1xf32>
    %div3A_1638 = vector.broadcast %squeeze3A_1637 : f32 to vector<16xf32>
    %div3A_1639 = arith.divf %sub3A_1635, %div3A_1638 : vector<16xf32>
    %convert_element_type3A_1640 = arith.fptosi %div3A_1639 : vector<16xf32> to vector<16xi32>
    %mul3A_1641 = arith.constant 2809 : i32
    %mul3A_1642 = vector.broadcast %mul3A_1641 : i32 to vector<16xi32>
    %mul3A_1643 = arith.muli %convert_element_type3A_1640, %mul3A_1642 : vector<16xi32>
    %add3A_1644 = arith.addi %add3A_1628, %mul3A_1643 : vector<16xi32>
    %get3A_1645 = arith.constant 1376 : index
    %get3A_1646 = tpu.vector_load %arg6[%get3A_1645] {strides = array<i32>} : memref<2048xf32, #tpu.memory_space<vmem>>, vector<16xf32>,
    %get3A_1647 = vector.shape_cast %get3A_1646 : vector<16xf32> to vector<16xf32>
    %slice3A_1648 = vector.extract_strided_slice %get3A_77 {offsets = [2], sizes = [1], strides = [1]} : vector<16xf32> to vector<1xf32>
    %squeeze3A_1649 = vector.extract %slice3A_1648[0] : f32 from vector<1xf32>
    %sub3A_1650 = vector.broadcast %squeeze3A_1649 : f32 to vector<16xf32>
    %sub3A_1651 = arith.subf %get3A_1647, %sub3A_1650 : vector<16xf32>
    %slice3A_1652 = vector.extract_strided_slice %get3A_74 {offsets = [2], sizes = [1], strides = [1]} : vector<16xf32> to vector<1xf32>
    %squeeze3A_1653 = vector.extract %slice3A_1652[0] : f32 from vector<1xf32>
    %div3A_1654 = vector.broadcast %squeeze3A_1653 : f32 to vector<16xf32>
    %div3A_1655 = arith.divf %sub3A_1651, %div3A_1654 : vector<16xf32>
    %convert_element_type3A_1656 = arith.fptosi %div3A_1655 : vector<16xf32> to vector<16xi32>
    %mul3A_1657 = arith.constant 53 : i32
    %mul3A_1658 = vector.broadcast %mul3A_1657 : i32 to vector<16xi32>
    %mul3A_1659 = arith.muli %convert_element_type3A_1656, %mul3A_1658 : vector<16xi32>
    %add3A_1660 = arith.addi %add3A_1644, %mul3A_1659 : vector<16xi32>
    %get3A_1661 = arith.constant 1888 : index
    %get3A_1662 = tpu.vector_load %arg6[%get3A_1661] {strides = array<i32>} : memref<2048xf32, #tpu.memory_space<vmem>>, vector<16xf32>,
    %get3A_1663 = vector.shape_cast %get3A_1662 : vector<16xf32> to vector<16xf32>
    %slice3A_1664 = vector.extract_strided_slice %get3A_77 {offsets = [3], sizes = [1], strides = [1]} : vector<16xf32> to vector<1xf32>
    %squeeze3A_1665 = vector.extract %slice3A_1664[0] : f32 from vector<1xf32>
    %sub3A_1666 = vector.broadcast %squeeze3A_1665 : f32 to vector<16xf32>
    %sub3A_1667 = arith.subf %get3A_1663, %sub3A_1666 : vector<16xf32>
    %slice3A_1668 = vector.extract_strided_slice %get3A_74 {offsets = [3], sizes = [1], strides = [1]} : vector<16xf32> to vector<1xf32>
    %squeeze3A_1669 = vector.extract %slice3A_1668[0] : f32 from vector<1xf32>
    %div3A_1670 = vector.broadcast %squeeze3A_1669 : f32 to vector<16xf32>
    %div3A_1671 = arith.divf %sub3A_1667, %div3A_1670 : vector<16xf32>
    %convert_element_type3A_1672 = arith.fptosi %div3A_1671 : vector<16xf32> to vector<16xi32>
    %mul3A_1673 = arith.constant 1 : i32
    %mul3A_1674 = vector.broadcast %mul3A_1673 : i32 to vector<16xi32>
    %mul3A_1675 = arith.muli %convert_element_type3A_1672, %mul3A_1674 : vector<16xi32>
    %add3A_1676 = arith.addi %add3A_1660, %mul3A_1675 : vector<16xi32>
    %swap3A_1677 = arith.constant 352 : index
    %swap3A_1678 = tpu.vector_load %arg9[%swap3A_1677] {strides = array<i32>} : memref<512xi32, #tpu.memory_space<vmem>>, vector<16xi32>,
    %swap3A_1679 = vector.shape_cast %swap3A_1678 : vector<16xi32> to vector<16xi32>
    %swap3A_1680 = vector.shape_cast %add3A_1676 : vector<16xi32> to vector<16xi32>
    tpu.vector_store %arg9[%swap3A_1677], %swap3A_1680 {strides = array<i32>} : memref<512xi32, #tpu.memory_space<vmem>>, vector<16xi32>,
    %broadcast_in_dim3A_1681 = arith.constant 0 : i32
    %broadcast_in_dim3A_1682 = vector.broadcast %broadcast_in_dim3A_1681 : i32 to vector<16xi32>
    %get3A_1683 = arith.constant 368 : index
    %get3A_1684 = tpu.vector_load %arg6[%get3A_1683] {strides = array<i32>} : memref<2048xf32, #tpu.memory_space<vmem>>, vector<16xf32>,
    %get3A_1685 = vector.shape_cast %get3A_1684 : vector<16xf32> to vector<16xf32>
    %slice3A_1686 = vector.extract_strided_slice %get3A_77 {offsets = [0], sizes = [1], strides = [1]} : vector<16xf32> to vector<1xf32>
    %squeeze3A_1687 = vector.extract %slice3A_1686[0] : f32 from vector<1xf32>
    %sub3A_1688 = vector.broadcast %squeeze3A_1687 : f32 to vector<16xf32>
    %sub3A_1689 = arith.subf %get3A_1685, %sub3A_1688 : vector<16xf32>
    %slice3A_1690 = vector.extract_strided_slice %get3A_74 {offsets = [0], sizes = [1], strides = [1]} : vector<16xf32> to vector<1xf32>
    %squeeze3A_1691 = vector.extract %slice3A_1690[0] : f32 from vector<1xf32>
    %div3A_1692 = vector.broadcast %squeeze3A_1691 : f32 to vector<16xf32>
    %div3A_1693 = arith.divf %sub3A_1689, %div3A_1692 : vector<16xf32>
    %convert_element_type3A_1694 = arith.fptosi %div3A_1693 : vector<16xf32> to vector<16xi32>
    %mul3A_1695 = arith.constant 148877 : i32
    %mul3A_1696 = vector.broadcast %mul3A_1695 : i32 to vector<16xi32>
    %mul3A_1697 = arith.muli %convert_element_type3A_1694, %mul3A_1696 : vector<16xi32>
    %add3A_1698 = arith.addi %broadcast_in_dim3A_1682, %mul3A_1697 : vector<16xi32>
    %get3A_1699 = arith.constant 880 : index
    %get3A_1700 = tpu.vector_load %arg6[%get3A_1699] {strides = array<i32>} : memref<2048xf32, #tpu.memory_space<vmem>>, vector<16xf32>,
    %get3A_1701 = vector.shape_cast %get3A_1700 : vector<16xf32> to vector<16xf32>
    %slice3A_1702 = vector.extract_strided_slice %get3A_77 {offsets = [1], sizes = [1], strides = [1]} : vector<16xf32> to vector<1xf32>
    %squeeze3A_1703 = vector.extract %slice3A_1702[0] : f32 from vector<1xf32>
    %sub3A_1704 = vector.broadcast %squeeze3A_1703 : f32 to vector<16xf32>
    %sub3A_1705 = arith.subf %get3A_1701, %sub3A_1704 : vector<16xf32>
    %slice3A_1706 = vector.extract_strided_slice %get3A_74 {offsets = [1], sizes = [1], strides = [1]} : vector<16xf32> to vector<1xf32>
    %squeeze3A_1707 = vector.extract %slice3A_1706[0] : f32 from vector<1xf32>
    %div3A_1708 = vector.broadcast %squeeze3A_1707 : f32 to vector<16xf32>
    %div3A_1709 = arith.divf %sub3A_1705, %div3A_1708 : vector<16xf32>
    %convert_element_type3A_1710 = arith.fptosi %div3A_1709 : vector<16xf32> to vector<16xi32>
    %mul3A_1711 = arith.constant 2809 : i32
    %mul3A_1712 = vector.broadcast %mul3A_1711 : i32 to vector<16xi32>
    %mul3A_1713 = arith.muli %convert_element_type3A_1710, %mul3A_1712 : vector<16xi32>
    %add3A_1714 = arith.addi %add3A_1698, %mul3A_1713 : vector<16xi32>
    %get3A_1715 = arith.constant 1392 : index
    %get3A_1716 = tpu.vector_load %arg6[%get3A_1715] {strides = array<i32>} : memref<2048xf32, #tpu.memory_space<vmem>>, vector<16xf32>,
    %get3A_1717 = vector.shape_cast %get3A_1716 : vector<16xf32> to vector<16xf32>
    %slice3A_1718 = vector.extract_strided_slice %get3A_77 {offsets = [2], sizes = [1], strides = [1]} : vector<16xf32> to vector<1xf32>
    %squeeze3A_1719 = vector.extract %slice3A_1718[0] : f32 from vector<1xf32>
    %sub3A_1720 = vector.broadcast %squeeze3A_1719 : f32 to vector<16xf32>
    %sub3A_1721 = arith.subf %get3A_1717, %sub3A_1720 : vector<16xf32>
    %slice3A_1722 = vector.extract_strided_slice %get3A_74 {offsets = [2], sizes = [1], strides = [1]} : vector<16xf32> to vector<1xf32>
    %squeeze3A_1723 = vector.extract %slice3A_1722[0] : f32 from vector<1xf32>
    %div3A_1724 = vector.broadcast %squeeze3A_1723 : f32 to vector<16xf32>
    %div3A_1725 = arith.divf %sub3A_1721, %div3A_1724 : vector<16xf32>
    %convert_element_type3A_1726 = arith.fptosi %div3A_1725 : vector<16xf32> to vector<16xi32>
    %mul3A_1727 = arith.constant 53 : i32
    %mul3A_1728 = vector.broadcast %mul3A_1727 : i32 to vector<16xi32>
    %mul3A_1729 = arith.muli %convert_element_type3A_1726, %mul3A_1728 : vector<16xi32>
    %add3A_1730 = arith.addi %add3A_1714, %mul3A_1729 : vector<16xi32>
    %get3A_1731 = arith.constant 1904 : index
    %get3A_1732 = tpu.vector_load %arg6[%get3A_1731] {strides = array<i32>} : memref<2048xf32, #tpu.memory_space<vmem>>, vector<16xf32>,
    %get3A_1733 = vector.shape_cast %get3A_1732 : vector<16xf32> to vector<16xf32>
    %slice3A_1734 = vector.extract_strided_slice %get3A_77 {offsets = [3], sizes = [1], strides = [1]} : vector<16xf32> to vector<1xf32>
    %squeeze3A_1735 = vector.extract %slice3A_1734[0] : f32 from vector<1xf32>
    %sub3A_1736 = vector.broadcast %squeeze3A_1735 : f32 to vector<16xf32>
    %sub3A_1737 = arith.subf %get3A_1733, %sub3A_1736 : vector<16xf32>
    %slice3A_1738 = vector.extract_strided_slice %get3A_74 {offsets = [3], sizes = [1], strides = [1]} : vector<16xf32> to vector<1xf32>
    %squeeze3A_1739 = vector.extract %slice3A_1738[0] : f32 from vector<1xf32>
    %div3A_1740 = vector.broadcast %squeeze3A_1739 : f32 to vector<16xf32>
    %div3A_1741 = arith.divf %sub3A_1737, %div3A_1740 : vector<16xf32>
    %convert_element_type3A_1742 = arith.fptosi %div3A_1741 : vector<16xf32> to vector<16xi32>
    %mul3A_1743 = arith.constant 1 : i32
    %mul3A_1744 = vector.broadcast %mul3A_1743 : i32 to vector<16xi32>
    %mul3A_1745 = arith.muli %convert_element_type3A_1742, %mul3A_1744 : vector<16xi32>
    %add3A_1746 = arith.addi %add3A_1730, %mul3A_1745 : vector<16xi32>
    %swap3A_1747 = arith.constant 368 : index
    %swap3A_1748 = tpu.vector_load %arg9[%swap3A_1747] {strides = array<i32>} : memref<512xi32, #tpu.memory_space<vmem>>, vector<16xi32>,
    %swap3A_1749 = vector.shape_cast %swap3A_1748 : vector<16xi32> to vector<16xi32>
    %swap3A_1750 = vector.shape_cast %add3A_1746 : vector<16xi32> to vector<16xi32>
    tpu.vector_store %arg9[%swap3A_1747], %swap3A_1750 {strides = array<i32>} : memref<512xi32, #tpu.memory_space<vmem>>, vector<16xi32>,
    %broadcast_in_dim3A_1751 = arith.constant 0 : i32
    %broadcast_in_dim3A_1752 = vector.broadcast %broadcast_in_dim3A_1751 : i32 to vector<16xi32>
    %get3A_1753 = arith.constant 384 : index
    %get3A_1754 = tpu.vector_load %arg6[%get3A_1753] {strides = array<i32>} : memref<2048xf32, #tpu.memory_space<vmem>>, vector<16xf32>,
    %get3A_1755 = vector.shape_cast %get3A_1754 : vector<16xf32> to vector<16xf32>
    %slice3A_1756 = vector.extract_strided_slice %get3A_77 {offsets = [0], sizes = [1], strides = [1]} : vector<16xf32> to vector<1xf32>
    %squeeze3A_1757 = vector.extract %slice3A_1756[0] : f32 from vector<1xf32>
    %sub3A_1758 = vector.broadcast %squeeze3A_1757 : f32 to vector<16xf32>
    %sub3A_1759 = arith.subf %get3A_1755, %sub3A_1758 : vector<16xf32>
    %slice3A_1760 = vector.extract_strided_slice %get3A_74 {offsets = [0], sizes = [1], strides = [1]} : vector<16xf32> to vector<1xf32>
    %squeeze3A_1761 = vector.extract %slice3A_1760[0] : f32 from vector<1xf32>
    %div3A_1762 = vector.broadcast %squeeze3A_1761 : f32 to vector<16xf32>
    %div3A_1763 = arith.divf %sub3A_1759, %div3A_1762 : vector<16xf32>
    %convert_element_type3A_1764 = arith.fptosi %div3A_1763 : vector<16xf32> to vector<16xi32>
    %mul3A_1765 = arith.constant 148877 : i32
    %mul3A_1766 = vector.broadcast %mul3A_1765 : i32 to vector<16xi32>
    %mul3A_1767 = arith.muli %convert_element_type3A_1764, %mul3A_1766 : vector<16xi32>
    %add3A_1768 = arith.addi %broadcast_in_dim3A_1752, %mul3A_1767 : vector<16xi32>
    %get3A_1769 = arith.constant 896 : index
    %get3A_1770 = tpu.vector_load %arg6[%get3A_1769] {strides = array<i32>} : memref<2048xf32, #tpu.memory_space<vmem>>, vector<16xf32>,
    %get3A_1771 = vector.shape_cast %get3A_1770 : vector<16xf32> to vector<16xf32>
    %slice3A_1772 = vector.extract_strided_slice %get3A_77 {offsets = [1], sizes = [1], strides = [1]} : vector<16xf32> to vector<1xf32>
    %squeeze3A_1773 = vector.extract %slice3A_1772[0] : f32 from vector<1xf32>
    %sub3A_1774 = vector.broadcast %squeeze3A_1773 : f32 to vector<16xf32>
    %sub3A_1775 = arith.subf %get3A_1771, %sub3A_1774 : vector<16xf32>
    %slice3A_1776 = vector.extract_strided_slice %get3A_74 {offsets = [1], sizes = [1], strides = [1]} : vector<16xf32> to vector<1xf32>
    %squeeze3A_1777 = vector.extract %slice3A_1776[0] : f32 from vector<1xf32>
    %div3A_1778 = vector.broadcast %squeeze3A_1777 : f32 to vector<16xf32>
    %div3A_1779 = arith.divf %sub3A_1775, %div3A_1778 : vector<16xf32>
    %convert_element_type3A_1780 = arith.fptosi %div3A_1779 : vector<16xf32> to vector<16xi32>
    %mul3A_1781 = arith.constant 2809 : i32
    %mul3A_1782 = vector.broadcast %mul3A_1781 : i32 to vector<16xi32>
    %mul3A_1783 = arith.muli %convert_element_type3A_1780, %mul3A_1782 : vector<16xi32>
    %add3A_1784 = arith.addi %add3A_1768, %mul3A_1783 : vector<16xi32>
    %get3A_1785 = arith.constant 1408 : index
    %get3A_1786 = tpu.vector_load %arg6[%get3A_1785] {strides = array<i32>} : memref<2048xf32, #tpu.memory_space<vmem>>, vector<16xf32>,
    %get3A_1787 = vector.shape_cast %get3A_1786 : vector<16xf32> to vector<16xf32>
    %slice3A_1788 = vector.extract_strided_slice %get3A_77 {offsets = [2], sizes = [1], strides = [1]} : vector<16xf32> to vector<1xf32>
    %squeeze3A_1789 = vector.extract %slice3A_1788[0] : f32 from vector<1xf32>
    %sub3A_1790 = vector.broadcast %squeeze3A_1789 : f32 to vector<16xf32>
    %sub3A_1791 = arith.subf %get3A_1787, %sub3A_1790 : vector<16xf32>
    %slice3A_1792 = vector.extract_strided_slice %get3A_74 {offsets = [2], sizes = [1], strides = [1]} : vector<16xf32> to vector<1xf32>
    %squeeze3A_1793 = vector.extract %slice3A_1792[0] : f32 from vector<1xf32>
    %div3A_1794 = vector.broadcast %squeeze3A_1793 : f32 to vector<16xf32>
    %div3A_1795 = arith.divf %sub3A_1791, %div3A_1794 : vector<16xf32>
    %convert_element_type3A_1796 = arith.fptosi %div3A_1795 : vector<16xf32> to vector<16xi32>
    %mul3A_1797 = arith.constant 53 : i32
    %mul3A_1798 = vector.broadcast %mul3A_1797 : i32 to vector<16xi32>
    %mul3A_1799 = arith.muli %convert_element_type3A_1796, %mul3A_1798 : vector<16xi32>
    %add3A_1800 = arith.addi %add3A_1784, %mul3A_1799 : vector<16xi32>
    %get3A_1801 = arith.constant 1920 : index
    %get3A_1802 = tpu.vector_load %arg6[%get3A_1801] {strides = array<i32>} : memref<2048xf32, #tpu.memory_space<vmem>>, vector<16xf32>,
    %get3A_1803 = vector.shape_cast %get3A_1802 : vector<16xf32> to vector<16xf32>
    %slice3A_1804 = vector.extract_strided_slice %get3A_77 {offsets = [3], sizes = [1], strides = [1]} : vector<16xf32> to vector<1xf32>
    %squeeze3A_1805 = vector.extract %slice3A_1804[0] : f32 from vector<1xf32>
    %sub3A_1806 = vector.broadcast %squeeze3A_1805 : f32 to vector<16xf32>
    %sub3A_1807 = arith.subf %get3A_1803, %sub3A_1806 : vector<16xf32>
    %slice3A_1808 = vector.extract_strided_slice %get3A_74 {offsets = [3], sizes = [1], strides = [1]} : vector<16xf32> to vector<1xf32>
    %squeeze3A_1809 = vector.extract %slice3A_1808[0] : f32 from vector<1xf32>
    %div3A_1810 = vector.broadcast %squeeze3A_1809 : f32 to vector<16xf32>
    %div3A_1811 = arith.divf %sub3A_1807, %div3A_1810 : vector<16xf32>
    %convert_element_type3A_1812 = arith.fptosi %div3A_1811 : vector<16xf32> to vector<16xi32>
    %mul3A_1813 = arith.constant 1 : i32
    %mul3A_1814 = vector.broadcast %mul3A_1813 : i32 to vector<16xi32>
    %mul3A_1815 = arith.muli %convert_element_type3A_1812, %mul3A_1814 : vector<16xi32>
    %add3A_1816 = arith.addi %add3A_1800, %mul3A_1815 : vector<16xi32>
    %swap3A_1817 = arith.constant 384 : index
    %swap3A_1818 = tpu.vector_load %arg9[%swap3A_1817] {strides = array<i32>} : memref<512xi32, #tpu.memory_space<vmem>>, vector<16xi32>,
    %swap3A_1819 = vector.shape_cast %swap3A_1818 : vector<16xi32> to vector<16xi32>
    %swap3A_1820 = vector.shape_cast %add3A_1816 : vector<16xi32> to vector<16xi32>
    tpu.vector_store %arg9[%swap3A_1817], %swap3A_1820 {strides = array<i32>} : memref<512xi32, #tpu.memory_space<vmem>>, vector<16xi32>,
    %broadcast_in_dim3A_1821 = arith.constant 0 : i32
    %broadcast_in_dim3A_1822 = vector.broadcast %broadcast_in_dim3A_1821 : i32 to vector<16xi32>
    %get3A_1823 = arith.constant 400 : index
    %get3A_1824 = tpu.vector_load %arg6[%get3A_1823] {strides = array<i32>} : memref<2048xf32, #tpu.memory_space<vmem>>, vector<16xf32>,
    %get3A_1825 = vector.shape_cast %get3A_1824 : vector<16xf32> to vector<16xf32>
    %slice3A_1826 = vector.extract_strided_slice %get3A_77 {offsets = [0], sizes = [1], strides = [1]} : vector<16xf32> to vector<1xf32>
    %squeeze3A_1827 = vector.extract %slice3A_1826[0] : f32 from vector<1xf32>
    %sub3A_1828 = vector.broadcast %squeeze3A_1827 : f32 to vector<16xf32>
    %sub3A_1829 = arith.subf %get3A_1825, %sub3A_1828 : vector<16xf32>
    %slice3A_1830 = vector.extract_strided_slice %get3A_74 {offsets = [0], sizes = [1], strides = [1]} : vector<16xf32> to vector<1xf32>
    %squeeze3A_1831 = vector.extract %slice3A_1830[0] : f32 from vector<1xf32>
    %div3A_1832 = vector.broadcast %squeeze3A_1831 : f32 to vector<16xf32>
    %div3A_1833 = arith.divf %sub3A_1829, %div3A_1832 : vector<16xf32>
    %convert_element_type3A_1834 = arith.fptosi %div3A_1833 : vector<16xf32> to vector<16xi32>
    %mul3A_1835 = arith.constant 148877 : i32
    %mul3A_1836 = vector.broadcast %mul3A_1835 : i32 to vector<16xi32>
    %mul3A_1837 = arith.muli %convert_element_type3A_1834, %mul3A_1836 : vector<16xi32>
    %add3A_1838 = arith.addi %broadcast_in_dim3A_1822, %mul3A_1837 : vector<16xi32>
    %get3A_1839 = arith.constant 912 : index
    %get3A_1840 = tpu.vector_load %arg6[%get3A_1839] {strides = array<i32>} : memref<2048xf32, #tpu.memory_space<vmem>>, vector<16xf32>,
    %get3A_1841 = vector.shape_cast %get3A_1840 : vector<16xf32> to vector<16xf32>
    %slice3A_1842 = vector.extract_strided_slice %get3A_77 {offsets = [1], sizes = [1], strides = [1]} : vector<16xf32> to vector<1xf32>
    %squeeze3A_1843 = vector.extract %slice3A_1842[0] : f32 from vector<1xf32>
    %sub3A_1844 = vector.broadcast %squeeze3A_1843 : f32 to vector<16xf32>
    %sub3A_1845 = arith.subf %get3A_1841, %sub3A_1844 : vector<16xf32>
    %slice3A_1846 = vector.extract_strided_slice %get3A_74 {offsets = [1], sizes = [1], strides = [1]} : vector<16xf32> to vector<1xf32>
    %squeeze3A_1847 = vector.extract %slice3A_1846[0] : f32 from vector<1xf32>
    %div3A_1848 = vector.broadcast %squeeze3A_1847 : f32 to vector<16xf32>
    %div3A_1849 = arith.divf %sub3A_1845, %div3A_1848 : vector<16xf32>
    %convert_element_type3A_1850 = arith.fptosi %div3A_1849 : vector<16xf32> to vector<16xi32>
    %mul3A_1851 = arith.constant 2809 : i32
    %mul3A_1852 = vector.broadcast %mul3A_1851 : i32 to vector<16xi32>
    %mul3A_1853 = arith.muli %convert_element_type3A_1850, %mul3A_1852 : vector<16xi32>
    %add3A_1854 = arith.addi %add3A_1838, %mul3A_1853 : vector<16xi32>
    %get3A_1855 = arith.constant 1424 : index
    %get3A_1856 = tpu.vector_load %arg6[%get3A_1855] {strides = array<i32>} : memref<2048xf32, #tpu.memory_space<vmem>>, vector<16xf32>,
    %get3A_1857 = vector.shape_cast %get3A_1856 : vector<16xf32> to vector<16xf32>
    %slice3A_1858 = vector.extract_strided_slice %get3A_77 {offsets = [2], sizes = [1], strides = [1]} : vector<16xf32> to vector<1xf32>
    %squeeze3A_1859 = vector.extract %slice3A_1858[0] : f32 from vector<1xf32>
    %sub3A_1860 = vector.broadcast %squeeze3A_1859 : f32 to vector<16xf32>
    %sub3A_1861 = arith.subf %get3A_1857, %sub3A_1860 : vector<16xf32>
    %slice3A_1862 = vector.extract_strided_slice %get3A_74 {offsets = [2], sizes = [1], strides = [1]} : vector<16xf32> to vector<1xf32>
    %squeeze3A_1863 = vector.extract %slice3A_1862[0] : f32 from vector<1xf32>
    %div3A_1864 = vector.broadcast %squeeze3A_1863 : f32 to vector<16xf32>
    %div3A_1865 = arith.divf %sub3A_1861, %div3A_1864 : vector<16xf32>
    %convert_element_type3A_1866 = arith.fptosi %div3A_1865 : vector<16xf32> to vector<16xi32>
    %mul3A_1867 = arith.constant 53 : i32
    %mul3A_1868 = vector.broadcast %mul3A_1867 : i32 to vector<16xi32>
    %mul3A_1869 = arith.muli %convert_element_type3A_1866, %mul3A_1868 : vector<16xi32>
    %add3A_1870 = arith.addi %add3A_1854, %mul3A_1869 : vector<16xi32>
    %get3A_1871 = arith.constant 1936 : index
    %get3A_1872 = tpu.vector_load %arg6[%get3A_1871] {strides = array<i32>} : memref<2048xf32, #tpu.memory_space<vmem>>, vector<16xf32>,
    %get3A_1873 = vector.shape_cast %get3A_1872 : vector<16xf32> to vector<16xf32>
    %slice3A_1874 = vector.extract_strided_slice %get3A_77 {offsets = [3], sizes = [1], strides = [1]} : vector<16xf32> to vector<1xf32>
    %squeeze3A_1875 = vector.extract %slice3A_1874[0] : f32 from vector<1xf32>
    %sub3A_1876 = vector.broadcast %squeeze3A_1875 : f32 to vector<16xf32>
    %sub3A_1877 = arith.subf %get3A_1873, %sub3A_1876 : vector<16xf32>
    %slice3A_1878 = vector.extract_strided_slice %get3A_74 {offsets = [3], sizes = [1], strides = [1]} : vector<16xf32> to vector<1xf32>
    %squeeze3A_1879 = vector.extract %slice3A_1878[0] : f32 from vector<1xf32>
    %div3A_1880 = vector.broadcast %squeeze3A_1879 : f32 to vector<16xf32>
    %div3A_1881 = arith.divf %sub3A_1877, %div3A_1880 : vector<16xf32>
    %convert_element_type3A_1882 = arith.fptosi %div3A_1881 : vector<16xf32> to vector<16xi32>
    %mul3A_1883 = arith.constant 1 : i32
    %mul3A_1884 = vector.broadcast %mul3A_1883 : i32 to vector<16xi32>
    %mul3A_1885 = arith.muli %convert_element_type3A_1882, %mul3A_1884 : vector<16xi32>
    %add3A_1886 = arith.addi %add3A_1870, %mul3A_1885 : vector<16xi32>
    %swap3A_1887 = arith.constant 400 : index
    %swap3A_1888 = tpu.vector_load %arg9[%swap3A_1887] {strides = array<i32>} : memref<512xi32, #tpu.memory_space<vmem>>, vector<16xi32>,
    %swap3A_1889 = vector.shape_cast %swap3A_1888 : vector<16xi32> to vector<16xi32>
    %swap3A_1890 = vector.shape_cast %add3A_1886 : vector<16xi32> to vector<16xi32>
    tpu.vector_store %arg9[%swap3A_1887], %swap3A_1890 {strides = array<i32>} : memref<512xi32, #tpu.memory_space<vmem>>, vector<16xi32>,
    %broadcast_in_dim3A_1891 = arith.constant 0 : i32
    %broadcast_in_dim3A_1892 = vector.broadcast %broadcast_in_dim3A_1891 : i32 to vector<16xi32>
    %get3A_1893 = arith.constant 416 : index
    %get3A_1894 = tpu.vector_load %arg6[%get3A_1893] {strides = array<i32>} : memref<2048xf32, #tpu.memory_space<vmem>>, vector<16xf32>,
    %get3A_1895 = vector.shape_cast %get3A_1894 : vector<16xf32> to vector<16xf32>
    %slice3A_1896 = vector.extract_strided_slice %get3A_77 {offsets = [0], sizes = [1], strides = [1]} : vector<16xf32> to vector<1xf32>
    %squeeze3A_1897 = vector.extract %slice3A_1896[0] : f32 from vector<1xf32>
    %sub3A_1898 = vector.broadcast %squeeze3A_1897 : f32 to vector<16xf32>
    %sub3A_1899 = arith.subf %get3A_1895, %sub3A_1898 : vector<16xf32>
    %slice3A_1900 = vector.extract_strided_slice %get3A_74 {offsets = [0], sizes = [1], strides = [1]} : vector<16xf32> to vector<1xf32>
    %squeeze3A_1901 = vector.extract %slice3A_1900[0] : f32 from vector<1xf32>
    %div3A_1902 = vector.broadcast %squeeze3A_1901 : f32 to vector<16xf32>
    %div3A_1903 = arith.divf %sub3A_1899, %div3A_1902 : vector<16xf32>
    %convert_element_type3A_1904 = arith.fptosi %div3A_1903 : vector<16xf32> to vector<16xi32>
    %mul3A_1905 = arith.constant 148877 : i32
    %mul3A_1906 = vector.broadcast %mul3A_1905 : i32 to vector<16xi32>
    %mul3A_1907 = arith.muli %convert_element_type3A_1904, %mul3A_1906 : vector<16xi32>
    %add3A_1908 = arith.addi %broadcast_in_dim3A_1892, %mul3A_1907 : vector<16xi32>
    %get3A_1909 = arith.constant 928 : index
    %get3A_1910 = tpu.vector_load %arg6[%get3A_1909] {strides = array<i32>} : memref<2048xf32, #tpu.memory_space<vmem>>, vector<16xf32>,
    %get3A_1911 = vector.shape_cast %get3A_1910 : vector<16xf32> to vector<16xf32>
    %slice3A_1912 = vector.extract_strided_slice %get3A_77 {offsets = [1], sizes = [1], strides = [1]} : vector<16xf32> to vector<1xf32>
    %squeeze3A_1913 = vector.extract %slice3A_1912[0] : f32 from vector<1xf32>
    %sub3A_1914 = vector.broadcast %squeeze3A_1913 : f32 to vector<16xf32>
    %sub3A_1915 = arith.subf %get3A_1911, %sub3A_1914 : vector<16xf32>
    %slice3A_1916 = vector.extract_strided_slice %get3A_74 {offsets = [1], sizes = [1], strides = [1]} : vector<16xf32> to vector<1xf32>
    %squeeze3A_1917 = vector.extract %slice3A_1916[0] : f32 from vector<1xf32>
    %div3A_1918 = vector.broadcast %squeeze3A_1917 : f32 to vector<16xf32>
    %div3A_1919 = arith.divf %sub3A_1915, %div3A_1918 : vector<16xf32>
    %convert_element_type3A_1920 = arith.fptosi %div3A_1919 : vector<16xf32> to vector<16xi32>
    %mul3A_1921 = arith.constant 2809 : i32
    %mul3A_1922 = vector.broadcast %mul3A_1921 : i32 to vector<16xi32>
    %mul3A_1923 = arith.muli %convert_element_type3A_1920, %mul3A_1922 : vector<16xi32>
    %add3A_1924 = arith.addi %add3A_1908, %mul3A_1923 : vector<16xi32>
    %get3A_1925 = arith.constant 1440 : index
    %get3A_1926 = tpu.vector_load %arg6[%get3A_1925] {strides = array<i32>} : memref<2048xf32, #tpu.memory_space<vmem>>, vector<16xf32>,
    %get3A_1927 = vector.shape_cast %get3A_1926 : vector<16xf32> to vector<16xf32>
    %slice3A_1928 = vector.extract_strided_slice %get3A_77 {offsets = [2], sizes = [1], strides = [1]} : vector<16xf32> to vector<1xf32>
    %squeeze3A_1929 = vector.extract %slice3A_1928[0] : f32 from vector<1xf32>
    %sub3A_1930 = vector.broadcast %squeeze3A_1929 : f32 to vector<16xf32>
    %sub3A_1931 = arith.subf %get3A_1927, %sub3A_1930 : vector<16xf32>
    %slice3A_1932 = vector.extract_strided_slice %get3A_74 {offsets = [2], sizes = [1], strides = [1]} : vector<16xf32> to vector<1xf32>
    %squeeze3A_1933 = vector.extract %slice3A_1932[0] : f32 from vector<1xf32>
    %div3A_1934 = vector.broadcast %squeeze3A_1933 : f32 to vector<16xf32>
    %div3A_1935 = arith.divf %sub3A_1931, %div3A_1934 : vector<16xf32>
    %convert_element_type3A_1936 = arith.fptosi %div3A_1935 : vector<16xf32> to vector<16xi32>
    %mul3A_1937 = arith.constant 53 : i32
    %mul3A_1938 = vector.broadcast %mul3A_1937 : i32 to vector<16xi32>
    %mul3A_1939 = arith.muli %convert_element_type3A_1936, %mul3A_1938 : vector<16xi32>
    %add3A_1940 = arith.addi %add3A_1924, %mul3A_1939 : vector<16xi32>
    %get3A_1941 = arith.constant 1952 : index
    %get3A_1942 = tpu.vector_load %arg6[%get3A_1941] {strides = array<i32>} : memref<2048xf32, #tpu.memory_space<vmem>>, vector<16xf32>,
    %get3A_1943 = vector.shape_cast %get3A_1942 : vector<16xf32> to vector<16xf32>
    %slice3A_1944 = vector.extract_strided_slice %get3A_77 {offsets = [3], sizes = [1], strides = [1]} : vector<16xf32> to vector<1xf32>
    %squeeze3A_1945 = vector.extract %slice3A_1944[0] : f32 from vector<1xf32>
    %sub3A_1946 = vector.broadcast %squeeze3A_1945 : f32 to vector<16xf32>
    %sub3A_1947 = arith.subf %get3A_1943, %sub3A_1946 : vector<16xf32>
    %slice3A_1948 = vector.extract_strided_slice %get3A_74 {offsets = [3], sizes = [1], strides = [1]} : vector<16xf32> to vector<1xf32>
    %squeeze3A_1949 = vector.extract %slice3A_1948[0] : f32 from vector<1xf32>
    %div3A_1950 = vector.broadcast %squeeze3A_1949 : f32 to vector<16xf32>
    %div3A_1951 = arith.divf %sub3A_1947, %div3A_1950 : vector<16xf32>
    %convert_element_type3A_1952 = arith.fptosi %div3A_1951 : vector<16xf32> to vector<16xi32>
    %mul3A_1953 = arith.constant 1 : i32
    %mul3A_1954 = vector.broadcast %mul3A_1953 : i32 to vector<16xi32>
    %mul3A_1955 = arith.muli %convert_element_type3A_1952, %mul3A_1954 : vector<16xi32>
    %add3A_1956 = arith.addi %add3A_1940, %mul3A_1955 : vector<16xi32>
    %swap3A_1957 = arith.constant 416 : index
    %swap3A_1958 = tpu.vector_load %arg9[%swap3A_1957] {strides = array<i32>} : memref<512xi32, #tpu.memory_space<vmem>>, vector<16xi32>,
    %swap3A_1959 = vector.shape_cast %swap3A_1958 : vector<16xi32> to vector<16xi32>
    %swap3A_1960 = vector.shape_cast %add3A_1956 : vector<16xi32> to vector<16xi32>
    tpu.vector_store %arg9[%swap3A_1957], %swap3A_1960 {strides = array<i32>} : memref<512xi32, #tpu.memory_space<vmem>>, vector<16xi32>,
    %broadcast_in_dim3A_1961 = arith.constant 0 : i32
    %broadcast_in_dim3A_1962 = vector.broadcast %broadcast_in_dim3A_1961 : i32 to vector<16xi32>
    %get3A_1963 = arith.constant 432 : index
    %get3A_1964 = tpu.vector_load %arg6[%get3A_1963] {strides = array<i32>} : memref<2048xf32, #tpu.memory_space<vmem>>, vector<16xf32>,
    %get3A_1965 = vector.shape_cast %get3A_1964 : vector<16xf32> to vector<16xf32>
    %slice3A_1966 = vector.extract_strided_slice %get3A_77 {offsets = [0], sizes = [1], strides = [1]} : vector<16xf32> to vector<1xf32>
    %squeeze3A_1967 = vector.extract %slice3A_1966[0] : f32 from vector<1xf32>
    %sub3A_1968 = vector.broadcast %squeeze3A_1967 : f32 to vector<16xf32>
    %sub3A_1969 = arith.subf %get3A_1965, %sub3A_1968 : vector<16xf32>
    %slice3A_1970 = vector.extract_strided_slice %get3A_74 {offsets = [0], sizes = [1], strides = [1]} : vector<16xf32> to vector<1xf32>
    %squeeze3A_1971 = vector.extract %slice3A_1970[0] : f32 from vector<1xf32>
    %div3A_1972 = vector.broadcast %squeeze3A_1971 : f32 to vector<16xf32>
    %div3A_1973 = arith.divf %sub3A_1969, %div3A_1972 : vector<16xf32>
    %convert_element_type3A_1974 = arith.fptosi %div3A_1973 : vector<16xf32> to vector<16xi32>
    %mul3A_1975 = arith.constant 148877 : i32
    %mul3A_1976 = vector.broadcast %mul3A_1975 : i32 to vector<16xi32>
    %mul3A_1977 = arith.muli %convert_element_type3A_1974, %mul3A_1976 : vector<16xi32>
    %add3A_1978 = arith.addi %broadcast_in_dim3A_1962, %mul3A_1977 : vector<16xi32>
    %get3A_1979 = arith.constant 944 : index
    %get3A_1980 = tpu.vector_load %arg6[%get3A_1979] {strides = array<i32>} : memref<2048xf32, #tpu.memory_space<vmem>>, vector<16xf32>,
    %get3A_1981 = vector.shape_cast %get3A_1980 : vector<16xf32> to vector<16xf32>
    %slice3A_1982 = vector.extract_strided_slice %get3A_77 {offsets = [1], sizes = [1], strides = [1]} : vector<16xf32> to vector<1xf32>
    %squeeze3A_1983 = vector.extract %slice3A_1982[0] : f32 from vector<1xf32>
    %sub3A_1984 = vector.broadcast %squeeze3A_1983 : f32 to vector<16xf32>
    %sub3A_1985 = arith.subf %get3A_1981, %sub3A_1984 : vector<16xf32>
    %slice3A_1986 = vector.extract_strided_slice %get3A_74 {offsets = [1], sizes = [1], strides = [1]} : vector<16xf32> to vector<1xf32>
    %squeeze3A_1987 = vector.extract %slice3A_1986[0] : f32 from vector<1xf32>
    %div3A_1988 = vector.broadcast %squeeze3A_1987 : f32 to vector<16xf32>
    %div3A_1989 = arith.divf %sub3A_1985, %div3A_1988 : vector<16xf32>
    %convert_element_type3A_1990 = arith.fptosi %div3A_1989 : vector<16xf32> to vector<16xi32>
    %mul3A_1991 = arith.constant 2809 : i32
    %mul3A_1992 = vector.broadcast %mul3A_1991 : i32 to vector<16xi32>
    %mul3A_1993 = arith.muli %convert_element_type3A_1990, %mul3A_1992 : vector<16xi32>
    %add3A_1994 = arith.addi %add3A_1978, %mul3A_1993 : vector<16xi32>
    %get3A_1995 = arith.constant 1456 : index
    %get3A_1996 = tpu.vector_load %arg6[%get3A_1995] {strides = array<i32>} : memref<2048xf32, #tpu.memory_space<vmem>>, vector<16xf32>,
    %get3A_1997 = vector.shape_cast %get3A_1996 : vector<16xf32> to vector<16xf32>
    %slice3A_1998 = vector.extract_strided_slice %get3A_77 {offsets = [2], sizes = [1], strides = [1]} : vector<16xf32> to vector<1xf32>
    %squeeze3A_1999 = vector.extract %slice3A_1998[0] : f32 from vector<1xf32>
    %sub3A_2000 = vector.broadcast %squeeze3A_1999 : f32 to vector<16xf32>
    %sub3A_2001 = arith.subf %get3A_1997, %sub3A_2000 : vector<16xf32>
    %slice3A_2002 = vector.extract_strided_slice %get3A_74 {offsets = [2], sizes = [1], strides = [1]} : vector<16xf32> to vector<1xf32>
    %squeeze3A_2003 = vector.extract %slice3A_2002[0] : f32 from vector<1xf32>
    %div3A_2004 = vector.broadcast %squeeze3A_2003 : f32 to vector<16xf32>
    %div3A_2005 = arith.divf %sub3A_2001, %div3A_2004 : vector<16xf32>
    %convert_element_type3A_2006 = arith.fptosi %div3A_2005 : vector<16xf32> to vector<16xi32>
    %mul3A_2007 = arith.constant 53 : i32
    %mul3A_2008 = vector.broadcast %mul3A_2007 : i32 to vector<16xi32>
    %mul3A_2009 = arith.muli %convert_element_type3A_2006, %mul3A_2008 : vector<16xi32>
    %add3A_2010 = arith.addi %add3A_1994, %mul3A_2009 : vector<16xi32>
    %get3A_2011 = arith.constant 1968 : index
    %get3A_2012 = tpu.vector_load %arg6[%get3A_2011] {strides = array<i32>} : memref<2048xf32, #tpu.memory_space<vmem>>, vector<16xf32>,
    %get3A_2013 = vector.shape_cast %get3A_2012 : vector<16xf32> to vector<16xf32>
    %slice3A_2014 = vector.extract_strided_slice %get3A_77 {offsets = [3], sizes = [1], strides = [1]} : vector<16xf32> to vector<1xf32>
    %squeeze3A_2015 = vector.extract %slice3A_2014[0] : f32 from vector<1xf32>
    %sub3A_2016 = vector.broadcast %squeeze3A_2015 : f32 to vector<16xf32>
    %sub3A_2017 = arith.subf %get3A_2013, %sub3A_2016 : vector<16xf32>
    %slice3A_2018 = vector.extract_strided_slice %get3A_74 {offsets = [3], sizes = [1], strides = [1]} : vector<16xf32> to vector<1xf32>
    %squeeze3A_2019 = vector.extract %slice3A_2018[0] : f32 from vector<1xf32>
    %div3A_2020 = vector.broadcast %squeeze3A_2019 : f32 to vector<16xf32>
    %div3A_2021 = arith.divf %sub3A_2017, %div3A_2020 : vector<16xf32>
    %convert_element_type3A_2022 = arith.fptosi %div3A_2021 : vector<16xf32> to vector<16xi32>
    %mul3A_2023 = arith.constant 1 : i32
    %mul3A_2024 = vector.broadcast %mul3A_2023 : i32 to vector<16xi32>
    %mul3A_2025 = arith.muli %convert_element_type3A_2022, %mul3A_2024 : vector<16xi32>
    %add3A_2026 = arith.addi %add3A_2010, %mul3A_2025 : vector<16xi32>
    %swap3A_2027 = arith.constant 432 : index
    %swap3A_2028 = tpu.vector_load %arg9[%swap3A_2027] {strides = array<i32>} : memref<512xi32, #tpu.memory_space<vmem>>, vector<16xi32>,
    %swap3A_2029 = vector.shape_cast %swap3A_2028 : vector<16xi32> to vector<16xi32>
    %swap3A_2030 = vector.shape_cast %add3A_2026 : vector<16xi32> to vector<16xi32>
    tpu.vector_store %arg9[%swap3A_2027], %swap3A_2030 {strides = array<i32>} : memref<512xi32, #tpu.memory_space<vmem>>, vector<16xi32>,
    %broadcast_in_dim3A_2031 = arith.constant 0 : i32
    %broadcast_in_dim3A_2032 = vector.broadcast %broadcast_in_dim3A_2031 : i32 to vector<16xi32>
    %get3A_2033 = arith.constant 448 : index
    %get3A_2034 = tpu.vector_load %arg6[%get3A_2033] {strides = array<i32>} : memref<2048xf32, #tpu.memory_space<vmem>>, vector<16xf32>,
    %get3A_2035 = vector.shape_cast %get3A_2034 : vector<16xf32> to vector<16xf32>
    %slice3A_2036 = vector.extract_strided_slice %get3A_77 {offsets = [0], sizes = [1], strides = [1]} : vector<16xf32> to vector<1xf32>
    %squeeze3A_2037 = vector.extract %slice3A_2036[0] : f32 from vector<1xf32>
    %sub3A_2038 = vector.broadcast %squeeze3A_2037 : f32 to vector<16xf32>
    %sub3A_2039 = arith.subf %get3A_2035, %sub3A_2038 : vector<16xf32>
    %slice3A_2040 = vector.extract_strided_slice %get3A_74 {offsets = [0], sizes = [1], strides = [1]} : vector<16xf32> to vector<1xf32>
    %squeeze3A_2041 = vector.extract %slice3A_2040[0] : f32 from vector<1xf32>
    %div3A_2042 = vector.broadcast %squeeze3A_2041 : f32 to vector<16xf32>
    %div3A_2043 = arith.divf %sub3A_2039, %div3A_2042 : vector<16xf32>
    %convert_element_type3A_2044 = arith.fptosi %div3A_2043 : vector<16xf32> to vector<16xi32>
    %mul3A_2045 = arith.constant 148877 : i32
    %mul3A_2046 = vector.broadcast %mul3A_2045 : i32 to vector<16xi32>
    %mul3A_2047 = arith.muli %convert_element_type3A_2044, %mul3A_2046 : vector<16xi32>
    %add3A_2048 = arith.addi %broadcast_in_dim3A_2032, %mul3A_2047 : vector<16xi32>
    %get3A_2049 = arith.constant 960 : index
    %get3A_2050 = tpu.vector_load %arg6[%get3A_2049] {strides = array<i32>} : memref<2048xf32, #tpu.memory_space<vmem>>, vector<16xf32>,
    %get3A_2051 = vector.shape_cast %get3A_2050 : vector<16xf32> to vector<16xf32>
    %slice3A_2052 = vector.extract_strided_slice %get3A_77 {offsets = [1], sizes = [1], strides = [1]} : vector<16xf32> to vector<1xf32>
    %squeeze3A_2053 = vector.extract %slice3A_2052[0] : f32 from vector<1xf32>
    %sub3A_2054 = vector.broadcast %squeeze3A_2053 : f32 to vector<16xf32>
    %sub3A_2055 = arith.subf %get3A_2051, %sub3A_2054 : vector<16xf32>
    %slice3A_2056 = vector.extract_strided_slice %get3A_74 {offsets = [1], sizes = [1], strides = [1]} : vector<16xf32> to vector<1xf32>
    %squeeze3A_2057 = vector.extract %slice3A_2056[0] : f32 from vector<1xf32>
    %div3A_2058 = vector.broadcast %squeeze3A_2057 : f32 to vector<16xf32>
    %div3A_2059 = arith.divf %sub3A_2055, %div3A_2058 : vector<16xf32>
    %convert_element_type3A_2060 = arith.fptosi %div3A_2059 : vector<16xf32> to vector<16xi32>
    %mul3A_2061 = arith.constant 2809 : i32
    %mul3A_2062 = vector.broadcast %mul3A_2061 : i32 to vector<16xi32>
    %mul3A_2063 = arith.muli %convert_element_type3A_2060, %mul3A_2062 : vector<16xi32>
    %add3A_2064 = arith.addi %add3A_2048, %mul3A_2063 : vector<16xi32>
    %get3A_2065 = arith.constant 1472 : index
    %get3A_2066 = tpu.vector_load %arg6[%get3A_2065] {strides = array<i32>} : memref<2048xf32, #tpu.memory_space<vmem>>, vector<16xf32>,
    %get3A_2067 = vector.shape_cast %get3A_2066 : vector<16xf32> to vector<16xf32>
    %slice3A_2068 = vector.extract_strided_slice %get3A_77 {offsets = [2], sizes = [1], strides = [1]} : vector<16xf32> to vector<1xf32>
    %squeeze3A_2069 = vector.extract %slice3A_2068[0] : f32 from vector<1xf32>
    %sub3A_2070 = vector.broadcast %squeeze3A_2069 : f32 to vector<16xf32>
    %sub3A_2071 = arith.subf %get3A_2067, %sub3A_2070 : vector<16xf32>
    %slice3A_2072 = vector.extract_strided_slice %get3A_74 {offsets = [2], sizes = [1], strides = [1]} : vector<16xf32> to vector<1xf32>
    %squeeze3A_2073 = vector.extract %slice3A_2072[0] : f32 from vector<1xf32>
    %div3A_2074 = vector.broadcast %squeeze3A_2073 : f32 to vector<16xf32>
    %div3A_2075 = arith.divf %sub3A_2071, %div3A_2074 : vector<16xf32>
    %convert_element_type3A_2076 = arith.fptosi %div3A_2075 : vector<16xf32> to vector<16xi32>
    %mul3A_2077 = arith.constant 53 : i32
    %mul3A_2078 = vector.broadcast %mul3A_2077 : i32 to vector<16xi32>
    %mul3A_2079 = arith.muli %convert_element_type3A_2076, %mul3A_2078 : vector<16xi32>
    %add3A_2080 = arith.addi %add3A_2064, %mul3A_2079 : vector<16xi32>
    %get3A_2081 = arith.constant 1984 : index
    %get3A_2082 = tpu.vector_load %arg6[%get3A_2081] {strides = array<i32>} : memref<2048xf32, #tpu.memory_space<vmem>>, vector<16xf32>,
    %get3A_2083 = vector.shape_cast %get3A_2082 : vector<16xf32> to vector<16xf32>
    %slice3A_2084 = vector.extract_strided_slice %get3A_77 {offsets = [3], sizes = [1], strides = [1]} : vector<16xf32> to vector<1xf32>
    %squeeze3A_2085 = vector.extract %slice3A_2084[0] : f32 from vector<1xf32>
    %sub3A_2086 = vector.broadcast %squeeze3A_2085 : f32 to vector<16xf32>
    %sub3A_2087 = arith.subf %get3A_2083, %sub3A_2086 : vector<16xf32>
    %slice3A_2088 = vector.extract_strided_slice %get3A_74 {offsets = [3], sizes = [1], strides = [1]} : vector<16xf32> to vector<1xf32>
    %squeeze3A_2089 = vector.extract %slice3A_2088[0] : f32 from vector<1xf32>
    %div3A_2090 = vector.broadcast %squeeze3A_2089 : f32 to vector<16xf32>
    %div3A_2091 = arith.divf %sub3A_2087, %div3A_2090 : vector<16xf32>
    %convert_element_type3A_2092 = arith.fptosi %div3A_2091 : vector<16xf32> to vector<16xi32>
    %mul3A_2093 = arith.constant 1 : i32
    %mul3A_2094 = vector.broadcast %mul3A_2093 : i32 to vector<16xi32>
    %mul3A_2095 = arith.muli %convert_element_type3A_2092, %mul3A_2094 : vector<16xi32>
    %add3A_2096 = arith.addi %add3A_2080, %mul3A_2095 : vector<16xi32>
    %swap3A_2097 = arith.constant 448 : index
    %swap3A_2098 = tpu.vector_load %arg9[%swap3A_2097] {strides = array<i32>} : memref<512xi32, #tpu.memory_space<vmem>>, vector<16xi32>,
    %swap3A_2099 = vector.shape_cast %swap3A_2098 : vector<16xi32> to vector<16xi32>
    %swap3A_2100 = vector.shape_cast %add3A_2096 : vector<16xi32> to vector<16xi32>
    tpu.vector_store %arg9[%swap3A_2097], %swap3A_2100 {strides = array<i32>} : memref<512xi32, #tpu.memory_space<vmem>>, vector<16xi32>,
    %broadcast_in_dim3A_2101 = arith.constant 0 : i32
    %broadcast_in_dim3A_2102 = vector.broadcast %broadcast_in_dim3A_2101 : i32 to vector<16xi32>
    %get3A_2103 = arith.constant 464 : index
    %get3A_2104 = tpu.vector_load %arg6[%get3A_2103] {strides = array<i32>} : memref<2048xf32, #tpu.memory_space<vmem>>, vector<16xf32>,
    %get3A_2105 = vector.shape_cast %get3A_2104 : vector<16xf32> to vector<16xf32>
    %slice3A_2106 = vector.extract_strided_slice %get3A_77 {offsets = [0], sizes = [1], strides = [1]} : vector<16xf32> to vector<1xf32>
    %squeeze3A_2107 = vector.extract %slice3A_2106[0] : f32 from vector<1xf32>
    %sub3A_2108 = vector.broadcast %squeeze3A_2107 : f32 to vector<16xf32>
    %sub3A_2109 = arith.subf %get3A_2105, %sub3A_2108 : vector<16xf32>
    %slice3A_2110 = vector.extract_strided_slice %get3A_74 {offsets = [0], sizes = [1], strides = [1]} : vector<16xf32> to vector<1xf32>
    %squeeze3A_2111 = vector.extract %slice3A_2110[0] : f32 from vector<1xf32>
    %div3A_2112 = vector.broadcast %squeeze3A_2111 : f32 to vector<16xf32>
    %div3A_2113 = arith.divf %sub3A_2109, %div3A_2112 : vector<16xf32>
    %convert_element_type3A_2114 = arith.fptosi %div3A_2113 : vector<16xf32> to vector<16xi32>
    %mul3A_2115 = arith.constant 148877 : i32
    %mul3A_2116 = vector.broadcast %mul3A_2115 : i32 to vector<16xi32>
    %mul3A_2117 = arith.muli %convert_element_type3A_2114, %mul3A_2116 : vector<16xi32>
    %add3A_2118 = arith.addi %broadcast_in_dim3A_2102, %mul3A_2117 : vector<16xi32>
    %get3A_2119 = arith.constant 976 : index
    %get3A_2120 = tpu.vector_load %arg6[%get3A_2119] {strides = array<i32>} : memref<2048xf32, #tpu.memory_space<vmem>>, vector<16xf32>,
    %get3A_2121 = vector.shape_cast %get3A_2120 : vector<16xf32> to vector<16xf32>
    %slice3A_2122 = vector.extract_strided_slice %get3A_77 {offsets = [1], sizes = [1], strides = [1]} : vector<16xf32> to vector<1xf32>
    %squeeze3A_2123 = vector.extract %slice3A_2122[0] : f32 from vector<1xf32>
    %sub3A_2124 = vector.broadcast %squeeze3A_2123 : f32 to vector<16xf32>
    %sub3A_2125 = arith.subf %get3A_2121, %sub3A_2124 : vector<16xf32>
    %slice3A_2126 = vector.extract_strided_slice %get3A_74 {offsets = [1], sizes = [1], strides = [1]} : vector<16xf32> to vector<1xf32>
    %squeeze3A_2127 = vector.extract %slice3A_2126[0] : f32 from vector<1xf32>
    %div3A_2128 = vector.broadcast %squeeze3A_2127 : f32 to vector<16xf32>
    %div3A_2129 = arith.divf %sub3A_2125, %div3A_2128 : vector<16xf32>
    %convert_element_type3A_2130 = arith.fptosi %div3A_2129 : vector<16xf32> to vector<16xi32>
    %mul3A_2131 = arith.constant 2809 : i32
    %mul3A_2132 = vector.broadcast %mul3A_2131 : i32 to vector<16xi32>
    %mul3A_2133 = arith.muli %convert_element_type3A_2130, %mul3A_2132 : vector<16xi32>
    %add3A_2134 = arith.addi %add3A_2118, %mul3A_2133 : vector<16xi32>
    %get3A_2135 = arith.constant 1488 : index
    %get3A_2136 = tpu.vector_load %arg6[%get3A_2135] {strides = array<i32>} : memref<2048xf32, #tpu.memory_space<vmem>>, vector<16xf32>,
    %get3A_2137 = vector.shape_cast %get3A_2136 : vector<16xf32> to vector<16xf32>
    %slice3A_2138 = vector.extract_strided_slice %get3A_77 {offsets = [2], sizes = [1], strides = [1]} : vector<16xf32> to vector<1xf32>
    %squeeze3A_2139 = vector.extract %slice3A_2138[0] : f32 from vector<1xf32>
    %sub3A_2140 = vector.broadcast %squeeze3A_2139 : f32 to vector<16xf32>
    %sub3A_2141 = arith.subf %get3A_2137, %sub3A_2140 : vector<16xf32>
    %slice3A_2142 = vector.extract_strided_slice %get3A_74 {offsets = [2], sizes = [1], strides = [1]} : vector<16xf32> to vector<1xf32>
    %squeeze3A_2143 = vector.extract %slice3A_2142[0] : f32 from vector<1xf32>
    %div3A_2144 = vector.broadcast %squeeze3A_2143 : f32 to vector<16xf32>
    %div3A_2145 = arith.divf %sub3A_2141, %div3A_2144 : vector<16xf32>
    %convert_element_type3A_2146 = arith.fptosi %div3A_2145 : vector<16xf32> to vector<16xi32>
    %mul3A_2147 = arith.constant 53 : i32
    %mul3A_2148 = vector.broadcast %mul3A_2147 : i32 to vector<16xi32>
    %mul3A_2149 = arith.muli %convert_element_type3A_2146, %mul3A_2148 : vector<16xi32>
    %add3A_2150 = arith.addi %add3A_2134, %mul3A_2149 : vector<16xi32>
    %get3A_2151 = arith.constant 2000 : index
    %get3A_2152 = tpu.vector_load %arg6[%get3A_2151] {strides = array<i32>} : memref<2048xf32, #tpu.memory_space<vmem>>, vector<16xf32>,
    %get3A_2153 = vector.shape_cast %get3A_2152 : vector<16xf32> to vector<16xf32>
    %slice3A_2154 = vector.extract_strided_slice %get3A_77 {offsets = [3], sizes = [1], strides = [1]} : vector<16xf32> to vector<1xf32>
    %squeeze3A_2155 = vector.extract %slice3A_2154[0] : f32 from vector<1xf32>
    %sub3A_2156 = vector.broadcast %squeeze3A_2155 : f32 to vector<16xf32>
    %sub3A_2157 = arith.subf %get3A_2153, %sub3A_2156 : vector<16xf32>
    %slice3A_2158 = vector.extract_strided_slice %get3A_74 {offsets = [3], sizes = [1], strides = [1]} : vector<16xf32> to vector<1xf32>
    %squeeze3A_2159 = vector.extract %slice3A_2158[0] : f32 from vector<1xf32>
    %div3A_2160 = vector.broadcast %squeeze3A_2159 : f32 to vector<16xf32>
    %div3A_2161 = arith.divf %sub3A_2157, %div3A_2160 : vector<16xf32>
    %convert_element_type3A_2162 = arith.fptosi %div3A_2161 : vector<16xf32> to vector<16xi32>
    %mul3A_2163 = arith.constant 1 : i32
    %mul3A_2164 = vector.broadcast %mul3A_2163 : i32 to vector<16xi32>
    %mul3A_2165 = arith.muli %convert_element_type3A_2162, %mul3A_2164 : vector<16xi32>
    %add3A_2166 = arith.addi %add3A_2150, %mul3A_2165 : vector<16xi32>
    %swap3A_2167 = arith.constant 464 : index
    %swap3A_2168 = tpu.vector_load %arg9[%swap3A_2167] {strides = array<i32>} : memref<512xi32, #tpu.memory_space<vmem>>, vector<16xi32>,
    %swap3A_2169 = vector.shape_cast %swap3A_2168 : vector<16xi32> to vector<16xi32>
    %swap3A_2170 = vector.shape_cast %add3A_2166 : vector<16xi32> to vector<16xi32>
    tpu.vector_store %arg9[%swap3A_2167], %swap3A_2170 {strides = array<i32>} : memref<512xi32, #tpu.memory_space<vmem>>, vector<16xi32>,
    %broadcast_in_dim3A_2171 = arith.constant 0 : i32
    %broadcast_in_dim3A_2172 = vector.broadcast %broadcast_in_dim3A_2171 : i32 to vector<16xi32>
    %get3A_2173 = arith.constant 480 : index
    %get3A_2174 = tpu.vector_load %arg6[%get3A_2173] {strides = array<i32>} : memref<2048xf32, #tpu.memory_space<vmem>>, vector<16xf32>,
    %get3A_2175 = vector.shape_cast %get3A_2174 : vector<16xf32> to vector<16xf32>
    %slice3A_2176 = vector.extract_strided_slice %get3A_77 {offsets = [0], sizes = [1], strides = [1]} : vector<16xf32> to vector<1xf32>
    %squeeze3A_2177 = vector.extract %slice3A_2176[0] : f32 from vector<1xf32>
    %sub3A_2178 = vector.broadcast %squeeze3A_2177 : f32 to vector<16xf32>
    %sub3A_2179 = arith.subf %get3A_2175, %sub3A_2178 : vector<16xf32>
    %slice3A_2180 = vector.extract_strided_slice %get3A_74 {offsets = [0], sizes = [1], strides = [1]} : vector<16xf32> to vector<1xf32>
    %squeeze3A_2181 = vector.extract %slice3A_2180[0] : f32 from vector<1xf32>
    %div3A_2182 = vector.broadcast %squeeze3A_2181 : f32 to vector<16xf32>
    %div3A_2183 = arith.divf %sub3A_2179, %div3A_2182 : vector<16xf32>
    %convert_element_type3A_2184 = arith.fptosi %div3A_2183 : vector<16xf32> to vector<16xi32>
    %mul3A_2185 = arith.constant 148877 : i32
    %mul3A_2186 = vector.broadcast %mul3A_2185 : i32 to vector<16xi32>
    %mul3A_2187 = arith.muli %convert_element_type3A_2184, %mul3A_2186 : vector<16xi32>
    %add3A_2188 = arith.addi %broadcast_in_dim3A_2172, %mul3A_2187 : vector<16xi32>
    %get3A_2189 = arith.constant 992 : index
    %get3A_2190 = tpu.vector_load %arg6[%get3A_2189] {strides = array<i32>} : memref<2048xf32, #tpu.memory_space<vmem>>, vector<16xf32>,
    %get3A_2191 = vector.shape_cast %get3A_2190 : vector<16xf32> to vector<16xf32>
    %slice3A_2192 = vector.extract_strided_slice %get3A_77 {offsets = [1], sizes = [1], strides = [1]} : vector<16xf32> to vector<1xf32>
    %squeeze3A_2193 = vector.extract %slice3A_2192[0] : f32 from vector<1xf32>
    %sub3A_2194 = vector.broadcast %squeeze3A_2193 : f32 to vector<16xf32>
    %sub3A_2195 = arith.subf %get3A_2191, %sub3A_2194 : vector<16xf32>
    %slice3A_2196 = vector.extract_strided_slice %get3A_74 {offsets = [1], sizes = [1], strides = [1]} : vector<16xf32> to vector<1xf32>
    %squeeze3A_2197 = vector.extract %slice3A_2196[0] : f32 from vector<1xf32>
    %div3A_2198 = vector.broadcast %squeeze3A_2197 : f32 to vector<16xf32>
    %div3A_2199 = arith.divf %sub3A_2195, %div3A_2198 : vector<16xf32>
    %convert_element_type3A_2200 = arith.fptosi %div3A_2199 : vector<16xf32> to vector<16xi32>
    %mul3A_2201 = arith.constant 2809 : i32
    %mul3A_2202 = vector.broadcast %mul3A_2201 : i32 to vector<16xi32>
    %mul3A_2203 = arith.muli %convert_element_type3A_2200, %mul3A_2202 : vector<16xi32>
    %add3A_2204 = arith.addi %add3A_2188, %mul3A_2203 : vector<16xi32>
    %get3A_2205 = arith.constant 1504 : index
    %get3A_2206 = tpu.vector_load %arg6[%get3A_2205] {strides = array<i32>} : memref<2048xf32, #tpu.memory_space<vmem>>, vector<16xf32>,
    %get3A_2207 = vector.shape_cast %get3A_2206 : vector<16xf32> to vector<16xf32>
    %slice3A_2208 = vector.extract_strided_slice %get3A_77 {offsets = [2], sizes = [1], strides = [1]} : vector<16xf32> to vector<1xf32>
    %squeeze3A_2209 = vector.extract %slice3A_2208[0] : f32 from vector<1xf32>
    %sub3A_2210 = vector.broadcast %squeeze3A_2209 : f32 to vector<16xf32>
    %sub3A_2211 = arith.subf %get3A_2207, %sub3A_2210 : vector<16xf32>
    %slice3A_2212 = vector.extract_strided_slice %get3A_74 {offsets = [2], sizes = [1], strides = [1]} : vector<16xf32> to vector<1xf32>
    %squeeze3A_2213 = vector.extract %slice3A_2212[0] : f32 from vector<1xf32>
    %div3A_2214 = vector.broadcast %squeeze3A_2213 : f32 to vector<16xf32>
    %div3A_2215 = arith.divf %sub3A_2211, %div3A_2214 : vector<16xf32>
    %convert_element_type3A_2216 = arith.fptosi %div3A_2215 : vector<16xf32> to vector<16xi32>
    %mul3A_2217 = arith.constant 53 : i32
    %mul3A_2218 = vector.broadcast %mul3A_2217 : i32 to vector<16xi32>
    %mul3A_2219 = arith.muli %convert_element_type3A_2216, %mul3A_2218 : vector<16xi32>
    %add3A_2220 = arith.addi %add3A_2204, %mul3A_2219 : vector<16xi32>
    %get3A_2221 = arith.constant 2016 : index
    %get3A_2222 = tpu.vector_load %arg6[%get3A_2221] {strides = array<i32>} : memref<2048xf32, #tpu.memory_space<vmem>>, vector<16xf32>,
    %get3A_2223 = vector.shape_cast %get3A_2222 : vector<16xf32> to vector<16xf32>
    %slice3A_2224 = vector.extract_strided_slice %get3A_77 {offsets = [3], sizes = [1], strides = [1]} : vector<16xf32> to vector<1xf32>
    %squeeze3A_2225 = vector.extract %slice3A_2224[0] : f32 from vector<1xf32>
    %sub3A_2226 = vector.broadcast %squeeze3A_2225 : f32 to vector<16xf32>
    %sub3A_2227 = arith.subf %get3A_2223, %sub3A_2226 : vector<16xf32>
    %slice3A_2228 = vector.extract_strided_slice %get3A_74 {offsets = [3], sizes = [1], strides = [1]} : vector<16xf32> to vector<1xf32>
    %squeeze3A_2229 = vector.extract %slice3A_2228[0] : f32 from vector<1xf32>
    %div3A_2230 = vector.broadcast %squeeze3A_2229 : f32 to vector<16xf32>
    %div3A_2231 = arith.divf %sub3A_2227, %div3A_2230 : vector<16xf32>
    %convert_element_type3A_2232 = arith.fptosi %div3A_2231 : vector<16xf32> to vector<16xi32>
    %mul3A_2233 = arith.constant 1 : i32
    %mul3A_2234 = vector.broadcast %mul3A_2233 : i32 to vector<16xi32>
    %mul3A_2235 = arith.muli %convert_element_type3A_2232, %mul3A_2234 : vector<16xi32>
    %add3A_2236 = arith.addi %add3A_2220, %mul3A_2235 : vector<16xi32>
    %swap3A_2237 = arith.constant 480 : index
    %swap3A_2238 = tpu.vector_load %arg9[%swap3A_2237] {strides = array<i32>} : memref<512xi32, #tpu.memory_space<vmem>>, vector<16xi32>,
    %swap3A_2239 = vector.shape_cast %swap3A_2238 : vector<16xi32> to vector<16xi32>
    %swap3A_2240 = vector.shape_cast %add3A_2236 : vector<16xi32> to vector<16xi32>
    tpu.vector_store %arg9[%swap3A_2237], %swap3A_2240 {strides = array<i32>} : memref<512xi32, #tpu.memory_space<vmem>>, vector<16xi32>,
    %broadcast_in_dim3A_2241 = arith.constant 0 : i32
    %broadcast_in_dim3A_2242 = vector.broadcast %broadcast_in_dim3A_2241 : i32 to vector<16xi32>
    %get3A_2243 = arith.constant 496 : index
    %get3A_2244 = tpu.vector_load %arg6[%get3A_2243] {strides = array<i32>} : memref<2048xf32, #tpu.memory_space<vmem>>, vector<16xf32>,
    %get3A_2245 = vector.shape_cast %get3A_2244 : vector<16xf32> to vector<16xf32>
    %slice3A_2246 = vector.extract_strided_slice %get3A_77 {offsets = [0], sizes = [1], strides = [1]} : vector<16xf32> to vector<1xf32>
    %squeeze3A_2247 = vector.extract %slice3A_2246[0] : f32 from vector<1xf32>
    %sub3A_2248 = vector.broadcast %squeeze3A_2247 : f32 to vector<16xf32>
    %sub3A_2249 = arith.subf %get3A_2245, %sub3A_2248 : vector<16xf32>
    %slice3A_2250 = vector.extract_strided_slice %get3A_74 {offsets = [0], sizes = [1], strides = [1]} : vector<16xf32> to vector<1xf32>
    %squeeze3A_2251 = vector.extract %slice3A_2250[0] : f32 from vector<1xf32>
    %div3A_2252 = vector.broadcast %squeeze3A_2251 : f32 to vector<16xf32>
    %div3A_2253 = arith.divf %sub3A_2249, %div3A_2252 : vector<16xf32>
    %convert_element_type3A_2254 = arith.fptosi %div3A_2253 : vector<16xf32> to vector<16xi32>
    %mul3A_2255 = arith.constant 148877 : i32
    %mul3A_2256 = vector.broadcast %mul3A_2255 : i32 to vector<16xi32>
    %mul3A_2257 = arith.muli %convert_element_type3A_2254, %mul3A_2256 : vector<16xi32>
    %add3A_2258 = arith.addi %broadcast_in_dim3A_2242, %mul3A_2257 : vector<16xi32>
    %get3A_2259 = arith.constant 1008 : index
    %get3A_2260 = tpu.vector_load %arg6[%get3A_2259] {strides = array<i32>} : memref<2048xf32, #tpu.memory_space<vmem>>, vector<16xf32>,
    %get3A_2261 = vector.shape_cast %get3A_2260 : vector<16xf32> to vector<16xf32>
    %slice3A_2262 = vector.extract_strided_slice %get3A_77 {offsets = [1], sizes = [1], strides = [1]} : vector<16xf32> to vector<1xf32>
    %squeeze3A_2263 = vector.extract %slice3A_2262[0] : f32 from vector<1xf32>
    %sub3A_2264 = vector.broadcast %squeeze3A_2263 : f32 to vector<16xf32>
    %sub3A_2265 = arith.subf %get3A_2261, %sub3A_2264 : vector<16xf32>
    %slice3A_2266 = vector.extract_strided_slice %get3A_74 {offsets = [1], sizes = [1], strides = [1]} : vector<16xf32> to vector<1xf32>
    %squeeze3A_2267 = vector.extract %slice3A_2266[0] : f32 from vector<1xf32>
    %div3A_2268 = vector.broadcast %squeeze3A_2267 : f32 to vector<16xf32>
    %div3A_2269 = arith.divf %sub3A_2265, %div3A_2268 : vector<16xf32>
    %convert_element_type3A_2270 = arith.fptosi %div3A_2269 : vector<16xf32> to vector<16xi32>
    %mul3A_2271 = arith.constant 2809 : i32
    %mul3A_2272 = vector.broadcast %mul3A_2271 : i32 to vector<16xi32>
    %mul3A_2273 = arith.muli %convert_element_type3A_2270, %mul3A_2272 : vector<16xi32>
    %add3A_2274 = arith.addi %add3A_2258, %mul3A_2273 : vector<16xi32>
    %get3A_2275 = arith.constant 1520 : index
    %get3A_2276 = tpu.vector_load %arg6[%get3A_2275] {strides = array<i32>} : memref<2048xf32, #tpu.memory_space<vmem>>, vector<16xf32>,
    %get3A_2277 = vector.shape_cast %get3A_2276 : vector<16xf32> to vector<16xf32>
    %slice3A_2278 = vector.extract_strided_slice %get3A_77 {offsets = [2], sizes = [1], strides = [1]} : vector<16xf32> to vector<1xf32>
    %squeeze3A_2279 = vector.extract %slice3A_2278[0] : f32 from vector<1xf32>
    %sub3A_2280 = vector.broadcast %squeeze3A_2279 : f32 to vector<16xf32>
    %sub3A_2281 = arith.subf %get3A_2277, %sub3A_2280 : vector<16xf32>
    %slice3A_2282 = vector.extract_strided_slice %get3A_74 {offsets = [2], sizes = [1], strides = [1]} : vector<16xf32> to vector<1xf32>
    %squeeze3A_2283 = vector.extract %slice3A_2282[0] : f32 from vector<1xf32>
    %div3A_2284 = vector.broadcast %squeeze3A_2283 : f32 to vector<16xf32>
    %div3A_2285 = arith.divf %sub3A_2281, %div3A_2284 : vector<16xf32>
    %convert_element_type3A_2286 = arith.fptosi %div3A_2285 : vector<16xf32> to vector<16xi32>
    %mul3A_2287 = arith.constant 53 : i32
    %mul3A_2288 = vector.broadcast %mul3A_2287 : i32 to vector<16xi32>
    %mul3A_2289 = arith.muli %convert_element_type3A_2286, %mul3A_2288 : vector<16xi32>
    %add3A_2290 = arith.addi %add3A_2274, %mul3A_2289 : vector<16xi32>
    %get3A_2291 = arith.constant 2032 : index
    %get3A_2292 = tpu.vector_load %arg6[%get3A_2291] {strides = array<i32>} : memref<2048xf32, #tpu.memory_space<vmem>>, vector<16xf32>,
    %get3A_2293 = vector.shape_cast %get3A_2292 : vector<16xf32> to vector<16xf32>
    %slice3A_2294 = vector.extract_strided_slice %get3A_77 {offsets = [3], sizes = [1], strides = [1]} : vector<16xf32> to vector<1xf32>
    %squeeze3A_2295 = vector.extract %slice3A_2294[0] : f32 from vector<1xf32>
    %sub3A_2296 = vector.broadcast %squeeze3A_2295 : f32 to vector<16xf32>
    %sub3A_2297 = arith.subf %get3A_2293, %sub3A_2296 : vector<16xf32>
    %slice3A_2298 = vector.extract_strided_slice %get3A_74 {offsets = [3], sizes = [1], strides = [1]} : vector<16xf32> to vector<1xf32>
    %squeeze3A_2299 = vector.extract %slice3A_2298[0] : f32 from vector<1xf32>
    %div3A_2300 = vector.broadcast %squeeze3A_2299 : f32 to vector<16xf32>
    %div3A_2301 = arith.divf %sub3A_2297, %div3A_2300 : vector<16xf32>
    %convert_element_type3A_2302 = arith.fptosi %div3A_2301 : vector<16xf32> to vector<16xi32>
    %mul3A_2303 = arith.constant 1 : i32
    %mul3A_2304 = vector.broadcast %mul3A_2303 : i32 to vector<16xi32>
    %mul3A_2305 = arith.muli %convert_element_type3A_2302, %mul3A_2304 : vector<16xi32>
    %add3A_2306 = arith.addi %add3A_2290, %mul3A_2305 : vector<16xi32>
    %swap3A_2307 = arith.constant 496 : index
    %swap3A_2308 = tpu.vector_load %arg9[%swap3A_2307] {strides = array<i32>} : memref<512xi32, #tpu.memory_space<vmem>>, vector<16xi32>,
    %swap3A_2309 = vector.shape_cast %swap3A_2308 : vector<16xi32> to vector<16xi32>
    %swap3A_2310 = vector.shape_cast %add3A_2306 : vector<16xi32> to vector<16xi32>
    tpu.vector_store %arg9[%swap3A_2307], %swap3A_2310 {strides = array<i32>} : memref<512xi32, #tpu.memory_space<vmem>>, vector<16xi32>,
    "tpu.region"() ({
      %run_scoped3A = tpu.sem_alloc : memref<!tpu.dma_semaphore, #tpu.memory_space<semaphore_mem>>
      %dma_start3A_2311 = tpu.memref_slice %arg5[%mul3A_2] : memref<16384xi32, #tpu.memory_space<hbm>> -> memref<512xi32, #tpu.memory_space<hbm>>
      %dma_start3A_2312 = tpu.memref_slice %arg5[%mul3A_2] : memref<16384xi32, #tpu.memory_space<hbm>> -> memref<512xi32, #tpu.memory_space<hbm>>
      tpu.enqueue_dma source(%arg9 : memref<512xi32, #tpu.memory_space<vmem>>) target(%dma_start3A_2312 : memref<512xi32, #tpu.memory_space<hbm>>) target_semaphore(%run_scoped3A : memref<!tpu.dma_semaphore, #tpu.memory_space<semaphore_mem>>)
      %dma_wait3A_2313 = tpu.memref_slice %arg5[%mul3A_2] : memref<16384xi32, #tpu.memory_space<hbm>> -> memref<512xi32, #tpu.memory_space<hbm>>
      %dma_wait3A_2314 = tpu.memref_slice %arg5[%mul3A_2] : memref<16384xi32, #tpu.memory_space<hbm>> -> memref<512xi32, #tpu.memory_space<hbm>>
      tpu.wait_dma2 semaphore(%run_scoped3A : memref<!tpu.dma_semaphore, #tpu.memory_space<semaphore_mem>>) src(%arg9 : memref<512xi32, #tpu.memory_space<vmem>>) dst(%dma_wait3A_2314 : memref<512xi32, #tpu.memory_space<hbm>>)
      tpu.yield
    }) : () -> ()
    return
  }
}

#map = affine_map<(d0, d1) -> (0)>
module attributes {stable_mosaic.version = 14 : i64} {
  func.func @body(%arg0: i32, %arg1: i32, %arg2: memref<16384xi32, #tpu.memory_space<hbm>>, %arg3: memref<8388608xf32, #tpu.memory_space<hbm>>, %arg4: memref<16384xf32, #tpu.memory_space<hbm>>, %arg5: memref<512xi32, #tpu.memory_space<vmem>>, %arg6: memref<512xf32, #tpu.memory_space<vmem>>, %arg7: memref<!tpu.dma_semaphore, #tpu.memory_space<semaphore_mem>>) attributes {dimension_semantics = [#tpu.dimension_semantics<core_parallel>, #tpu.dimension_semantics<subcore_parallel>], iteration_bounds = array<i64: 2, 16>, scalar_prefetch = 0 : i64, scratch_operands = 3 : i64, tpu.core_type = #tpu.core_type<sc_vector_subcore>, window_params = [{transform_indices = #map}, {transform_indices = #map}, {transform_indices = #map}]} {
    %mul3A = arith.constant 2 : i32
    %mul3A_0 = arith.muli %arg1, %mul3A : i32
    %add3A = arith.addi %mul3A_0, %arg0 : i32
    %mul3A_1 = arith.constant 512 : i32
    %mul3A_2 = arith.muli %add3A, %mul3A_1 : i32
    "tpu.region"() ({
      %run_scoped3A = tpu.sem_alloc : memref<!tpu.dma_semaphore, #tpu.memory_space<semaphore_mem>>
      %dma_start3A_49 = tpu.memref_slice %arg2[%mul3A_2] : memref<16384xi32, #tpu.memory_space<hbm>> -> memref<512xi32, #tpu.memory_space<hbm>>
      %dma_start3A_50 = tpu.memref_slice %arg2[%mul3A_2] : memref<16384xi32, #tpu.memory_space<hbm>> -> memref<512xi32, #tpu.memory_space<hbm>>
      tpu.enqueue_dma source(%dma_start3A_50 : memref<512xi32, #tpu.memory_space<hbm>>) target(%arg5 : memref<512xi32, #tpu.memory_space<vmem>>) target_semaphore(%run_scoped3A : memref<!tpu.dma_semaphore, #tpu.memory_space<semaphore_mem>>)
      %dma_wait3A_51 = tpu.memref_slice %arg2[%mul3A_2] : memref<16384xi32, #tpu.memory_space<hbm>> -> memref<512xi32, #tpu.memory_space<hbm>>
      %dma_wait3A_52 = tpu.memref_slice %arg2[%mul3A_2] : memref<16384xi32, #tpu.memory_space<hbm>> -> memref<512xi32, #tpu.memory_space<hbm>>
      tpu.wait_dma2 semaphore(%run_scoped3A : memref<!tpu.dma_semaphore, #tpu.memory_space<semaphore_mem>>) src(%dma_wait3A_52 : memref<512xi32, #tpu.memory_space<hbm>>) dst(%arg5 : memref<512xi32, #tpu.memory_space<vmem>>)
      tpu.yield
    }) : () -> ()
    %dma_start3A = arith.constant 0 : i32
    %dma_start3A_3 = tpu.memref_slice %arg6[%dma_start3A] : memref<512xf32, #tpu.memory_space<vmem>> -> memref<128xf32, #tpu.memory_space<vmem>>
    %dma_start3A_4 = arith.constant 0 : i32
    %dma_start3A_5 = tpu.memref_slice %arg5[%dma_start3A_4] : memref<512xi32, #tpu.memory_space<vmem>> -> memref<128xi32, #tpu.memory_space<vmem>>
    %dma_start3A_6 = arith.constant 0 : i32
    %dma_start3A_7 = tpu.memref_slice %arg3[%dma_start3A_6] : memref<8388608xf32, #tpu.memory_space<hbm>> -> memref<8388608xf32, #tpu.memory_space<hbm>>
    tpu.enqueue_indirect_dma source(%dma_start3A_7 : memref<8388608xf32, #tpu.memory_space<hbm>>) target(%dma_start3A_3 : memref<128xf32, #tpu.memory_space<vmem>>) offsets(%dma_start3A_5 : memref<128xi32, #tpu.memory_space<vmem>>) semaphore(%arg7 : memref<!tpu.dma_semaphore, #tpu.memory_space<semaphore_mem>>)
    %dma_start3A_8 = arith.constant 128 : i32
    %dma_start3A_9 = tpu.memref_slice %arg6[%dma_start3A_8] : memref<512xf32, #tpu.memory_space<vmem>> -> memref<128xf32, #tpu.memory_space<vmem>>
    %dma_start3A_10 = arith.constant 128 : i32
    %dma_start3A_11 = tpu.memref_slice %arg5[%dma_start3A_10] : memref<512xi32, #tpu.memory_space<vmem>> -> memref<128xi32, #tpu.memory_space<vmem>>
    %dma_start3A_12 = arith.constant 0 : i32
    %dma_start3A_13 = tpu.memref_slice %arg3[%dma_start3A_12] : memref<8388608xf32, #tpu.memory_space<hbm>> -> memref<8388608xf32, #tpu.memory_space<hbm>>
    tpu.enqueue_indirect_dma source(%dma_start3A_13 : memref<8388608xf32, #tpu.memory_space<hbm>>) target(%dma_start3A_9 : memref<128xf32, #tpu.memory_space<vmem>>) offsets(%dma_start3A_11 : memref<128xi32, #tpu.memory_space<vmem>>) semaphore(%arg7 : memref<!tpu.dma_semaphore, #tpu.memory_space<semaphore_mem>>)
    %dma_start3A_14 = arith.constant 256 : i32
    %dma_start3A_15 = tpu.memref_slice %arg6[%dma_start3A_14] : memref<512xf32, #tpu.memory_space<vmem>> -> memref<128xf32, #tpu.memory_space<vmem>>
    %dma_start3A_16 = arith.constant 256 : i32
    %dma_start3A_17 = tpu.memref_slice %arg5[%dma_start3A_16] : memref<512xi32, #tpu.memory_space<vmem>> -> memref<128xi32, #tpu.memory_space<vmem>>
    %dma_start3A_18 = arith.constant 0 : i32
    %dma_start3A_19 = tpu.memref_slice %arg3[%dma_start3A_18] : memref<8388608xf32, #tpu.memory_space<hbm>> -> memref<8388608xf32, #tpu.memory_space<hbm>>
    tpu.enqueue_indirect_dma source(%dma_start3A_19 : memref<8388608xf32, #tpu.memory_space<hbm>>) target(%dma_start3A_15 : memref<128xf32, #tpu.memory_space<vmem>>) offsets(%dma_start3A_17 : memref<128xi32, #tpu.memory_space<vmem>>) semaphore(%arg7 : memref<!tpu.dma_semaphore, #tpu.memory_space<semaphore_mem>>)
    %dma_start3A_20 = arith.constant 384 : i32
    %dma_start3A_21 = tpu.memref_slice %arg6[%dma_start3A_20] : memref<512xf32, #tpu.memory_space<vmem>> -> memref<128xf32, #tpu.memory_space<vmem>>
    %dma_start3A_22 = arith.constant 384 : i32
    %dma_start3A_23 = tpu.memref_slice %arg5[%dma_start3A_22] : memref<512xi32, #tpu.memory_space<vmem>> -> memref<128xi32, #tpu.memory_space<vmem>>
    %dma_start3A_24 = arith.constant 0 : i32
    %dma_start3A_25 = tpu.memref_slice %arg3[%dma_start3A_24] : memref<8388608xf32, #tpu.memory_space<hbm>> -> memref<8388608xf32, #tpu.memory_space<hbm>>
    tpu.enqueue_indirect_dma source(%dma_start3A_25 : memref<8388608xf32, #tpu.memory_space<hbm>>) target(%dma_start3A_21 : memref<128xf32, #tpu.memory_space<vmem>>) offsets(%dma_start3A_23 : memref<128xi32, #tpu.memory_space<vmem>>) semaphore(%arg7 : memref<!tpu.dma_semaphore, #tpu.memory_space<semaphore_mem>>)
    %dma_wait3A = arith.constant 0 : i32
    %dma_wait3A_26 = tpu.memref_slice %arg6[%dma_wait3A] : memref<512xf32, #tpu.memory_space<vmem>> -> memref<128xf32, #tpu.memory_space<vmem>>
    %dma_wait3A_27 = arith.constant 0 : i32
    %dma_wait3A_28 = tpu.memref_slice %arg5[%dma_wait3A_27] : memref<512xi32, #tpu.memory_space<vmem>> -> memref<128xi32, #tpu.memory_space<vmem>>
    %dma_wait3A_29 = arith.constant 0 : i32
    %dma_wait3A_30 = tpu.memref_slice %arg3[%dma_wait3A_29] : memref<8388608xf32, #tpu.memory_space<hbm>> -> memref<8388608xf32, #tpu.memory_space<hbm>>
    tpu.wait_indirect_dma semaphore(%arg7 : memref<!tpu.dma_semaphore, #tpu.memory_space<semaphore_mem>>) src(%dma_wait3A_30 : memref<8388608xf32, #tpu.memory_space<hbm>>) dst(%dma_wait3A_26 : memref<128xf32, #tpu.memory_space<vmem>>)
    %dma_wait3A_31 = arith.constant 128 : i32
    %dma_wait3A_32 = tpu.memref_slice %arg6[%dma_wait3A_31] : memref<512xf32, #tpu.memory_space<vmem>> -> memref<128xf32, #tpu.memory_space<vmem>>
    %dma_wait3A_33 = arith.constant 128 : i32
    %dma_wait3A_34 = tpu.memref_slice %arg5[%dma_wait3A_33] : memref<512xi32, #tpu.memory_space<vmem>> -> memref<128xi32, #tpu.memory_space<vmem>>
    %dma_wait3A_35 = arith.constant 0 : i32
    %dma_wait3A_36 = tpu.memref_slice %arg3[%dma_wait3A_35] : memref<8388608xf32, #tpu.memory_space<hbm>> -> memref<8388608xf32, #tpu.memory_space<hbm>>
    tpu.wait_indirect_dma semaphore(%arg7 : memref<!tpu.dma_semaphore, #tpu.memory_space<semaphore_mem>>) src(%dma_wait3A_36 : memref<8388608xf32, #tpu.memory_space<hbm>>) dst(%dma_wait3A_32 : memref<128xf32, #tpu.memory_space<vmem>>)
    %dma_wait3A_37 = arith.constant 256 : i32
    %dma_wait3A_38 = tpu.memref_slice %arg6[%dma_wait3A_37] : memref<512xf32, #tpu.memory_space<vmem>> -> memref<128xf32, #tpu.memory_space<vmem>>
    %dma_wait3A_39 = arith.constant 256 : i32
    %dma_wait3A_40 = tpu.memref_slice %arg5[%dma_wait3A_39] : memref<512xi32, #tpu.memory_space<vmem>> -> memref<128xi32, #tpu.memory_space<vmem>>
    %dma_wait3A_41 = arith.constant 0 : i32
    %dma_wait3A_42 = tpu.memref_slice %arg3[%dma_wait3A_41] : memref<8388608xf32, #tpu.memory_space<hbm>> -> memref<8388608xf32, #tpu.memory_space<hbm>>
    tpu.wait_indirect_dma semaphore(%arg7 : memref<!tpu.dma_semaphore, #tpu.memory_space<semaphore_mem>>) src(%dma_wait3A_42 : memref<8388608xf32, #tpu.memory_space<hbm>>) dst(%dma_wait3A_38 : memref<128xf32, #tpu.memory_space<vmem>>)
    %dma_wait3A_43 = arith.constant 384 : i32
    %dma_wait3A_44 = tpu.memref_slice %arg6[%dma_wait3A_43] : memref<512xf32, #tpu.memory_space<vmem>> -> memref<128xf32, #tpu.memory_space<vmem>>
    %dma_wait3A_45 = arith.constant 384 : i32
    %dma_wait3A_46 = tpu.memref_slice %arg5[%dma_wait3A_45] : memref<512xi32, #tpu.memory_space<vmem>> -> memref<128xi32, #tpu.memory_space<vmem>>
    %dma_wait3A_47 = arith.constant 0 : i32
    %dma_wait3A_48 = tpu.memref_slice %arg3[%dma_wait3A_47] : memref<8388608xf32, #tpu.memory_space<hbm>> -> memref<8388608xf32, #tpu.memory_space<hbm>>
    tpu.wait_indirect_dma semaphore(%arg7 : memref<!tpu.dma_semaphore, #tpu.memory_space<semaphore_mem>>) src(%dma_wait3A_48 : memref<8388608xf32, #tpu.memory_space<hbm>>) dst(%dma_wait3A_44 : memref<128xf32, #tpu.memory_space<vmem>>)
    "tpu.region"() ({
      %run_scoped3A = tpu.sem_alloc : memref<!tpu.dma_semaphore, #tpu.memory_space<semaphore_mem>>
      %dma_start3A_49 = tpu.memref_slice %arg4[%mul3A_2] : memref<16384xf32, #tpu.memory_space<hbm>> -> memref<512xf32, #tpu.memory_space<hbm>>
      %dma_start3A_50 = tpu.memref_slice %arg4[%mul3A_2] : memref<16384xf32, #tpu.memory_space<hbm>> -> memref<512xf32, #tpu.memory_space<hbm>>
      tpu.enqueue_dma source(%arg6 : memref<512xf32, #tpu.memory_space<vmem>>) target(%dma_start3A_50 : memref<512xf32, #tpu.memory_space<hbm>>) target_semaphore(%run_scoped3A : memref<!tpu.dma_semaphore, #tpu.memory_space<semaphore_mem>>)
      %dma_wait3A_51 = tpu.memref_slice %arg4[%mul3A_2] : memref<16384xf32, #tpu.memory_space<hbm>> -> memref<512xf32, #tpu.memory_space<hbm>>
      %dma_wait3A_52 = tpu.memref_slice %arg4[%mul3A_2] : memref<16384xf32, #tpu.memory_space<hbm>> -> memref<512xf32, #tpu.memory_space<hbm>>
      tpu.wait_dma2 semaphore(%run_scoped3A : memref<!tpu.dma_semaphore, #tpu.memory_space<semaphore_mem>>) src(%arg6 : memref<512xf32, #tpu.memory_space<vmem>>) dst(%dma_wait3A_52 : memref<512xf32, #tpu.memory_space<hbm>>)
      tpu.yield
    }) : () -> ()
    return
  }
}

module attributes {stable_mosaic.version = 14 : i64} {
  func.func @_fused_box(%arg0: i32, %arg1: memref<4096x128xf32, #tpu.memory_space<vmem>>, %arg2: memref<4096x128xf32, #tpu.memory_space<vmem>>, %arg3: memref<4096x128xf32, #tpu.memory_space<vmem>>) attributes {dimension_semantics = [#tpu.dimension_semantics<arbitrary>], iteration_bounds = array<i64: 15>, scalar_prefetch = 0 : i64, scratch_operands = 0 : i64, tpu.core_type = #tpu.core_type<tc>, window_params = [{transform_indices = @transform_0, window_bounds = array<i64: 4096, 128>}, {transform_indices = @transform_1, window_bounds = array<i64: 4096, 128>}, {transform_indices = @transform_2, window_bounds = array<i64: 4096, 128>}]} {
    %get3A = arith.constant 0 : index
    %get3A_0 = arith.constant 0 : index
    %get3A_1 = vector.load %arg1[%get3A, %get3A_0] : memref<4096x128xf32, #tpu.memory_space<vmem>>, vector<4096x128xf32>
    %get3A_2 = arith.constant 0 : index
    %get3A_3 = arith.constant 0 : index
    %get3A_4 = vector.load %arg2[%get3A_2, %get3A_3] : memref<4096x128xf32, #tpu.memory_space<vmem>>, vector<4096x128xf32>
    %concatenate3A = tpu.concatenate %get3A_1, %get3A_4 in 0 : vector<4096x128xf32>, vector<4096x128xf32> -> vector<8192x128xf32>
    %slice3A = vector.extract_strided_slice %concatenate3A {offsets = [0, 0], sizes = [6496, 128], strides = [1, 1]} : vector<8192x128xf32> to vector<6496x128xf32>
    %roll3A = arith.constant 115 : i32
    %roll3A_5 = tpu.dynamic_rotate %concatenate3A by %roll3A dim 1 : vector<8192x128xf32>, i32 -> vector<8192x128xf32>
    %slice3A_6 = vector.extract_strided_slice %roll3A_5 {offsets = [1163, 0], sizes = [6496, 128], strides = [1, 1]} : vector<8192x128xf32> to vector<6496x128xf32>
    %slice3A_7 = vector.extract_strided_slice %roll3A_5 {offsets = [1164, 0], sizes = [6496, 128], strides = [1, 1]} : vector<8192x128xf32> to vector<6496x128xf32>
    %iota3A = tpu.iota {dimensions = array<i32: 1>} : vector<6496x128xi32>
    %lt3A = arith.constant 115 : i32
    %lt3A_8 = vector.broadcast %lt3A : i32 to vector<6496x128xi32>
    %lt3A_9 = arith.cmpi slt, %iota3A, %lt3A_8 : vector<6496x128xi32>
    %select_n3A = arith.select %lt3A_9, %slice3A_6, %slice3A_7 : vector<6496x128xi1>, vector<6496x128xf32>
    %add3A = arith.addf %slice3A, %select_n3A : vector<6496x128xf32>
    %slice3A_10 = vector.extract_strided_slice %add3A {offsets = [0, 0], sizes = [4169, 128], strides = [1, 1]} : vector<6496x128xf32> to vector<4169x128xf32>
    %roll3A_11 = arith.constant 102 : i32
    %roll3A_12 = tpu.dynamic_rotate %add3A by %roll3A_11 dim 1 : vector<6496x128xf32>, i32 -> vector<6496x128xf32>
    %slice3A_13 = vector.extract_strided_slice %roll3A_12 {offsets = [2326, 0], sizes = [4169, 128], strides = [1, 1]} : vector<6496x128xf32> to vector<4169x128xf32>
    %slice3A_14 = vector.extract_strided_slice %roll3A_12 {offsets = [2327, 0], sizes = [4169, 128], strides = [1, 1]} : vector<6496x128xf32> to vector<4169x128xf32>
    %iota3A_15 = tpu.iota {dimensions = array<i32: 1>} : vector<4169x128xi32>
    %lt3A_16 = arith.constant 102 : i32
    %lt3A_17 = vector.broadcast %lt3A_16 : i32 to vector<4169x128xi32>
    %lt3A_18 = arith.cmpi slt, %iota3A_15, %lt3A_17 : vector<4169x128xi32>
    %select_n3A_19 = arith.select %lt3A_18, %slice3A_13, %slice3A_14 : vector<4169x128xi1>, vector<4169x128xf32>
    %add3A_20 = arith.addf %slice3A_10, %select_n3A_19 : vector<4169x128xf32>
    %slice3A_21 = vector.extract_strided_slice %add3A_20 {offsets = [0, 0], sizes = [4146, 128], strides = [1, 1]} : vector<4169x128xf32> to vector<4146x128xf32>
    %roll3A_22 = arith.constant 7 : i32
    %roll3A_23 = tpu.dynamic_rotate %add3A_20 by %roll3A_22 dim 1 : vector<4169x128xf32>, i32 -> vector<4169x128xf32>
    %slice3A_24 = vector.extract_strided_slice %roll3A_23 {offsets = [21, 0], sizes = [4146, 128], strides = [1, 1]} : vector<4169x128xf32> to vector<4146x128xf32>
    %slice3A_25 = vector.extract_strided_slice %roll3A_23 {offsets = [22, 0], sizes = [4146, 128], strides = [1, 1]} : vector<4169x128xf32> to vector<4146x128xf32>
    %iota3A_26 = tpu.iota {dimensions = array<i32: 1>} : vector<4146x128xi32>
    %lt3A_27 = arith.constant 7 : i32
    %lt3A_28 = vector.broadcast %lt3A_27 : i32 to vector<4146x128xi32>
    %lt3A_29 = arith.cmpi slt, %iota3A_26, %lt3A_28 : vector<4146x128xi32>
    %select_n3A_30 = arith.select %lt3A_29, %slice3A_24, %slice3A_25 : vector<4146x128xi1>, vector<4146x128xf32>
    %add3A_31 = arith.addf %slice3A_21, %select_n3A_30 : vector<4146x128xf32>
    %slice3A_32 = vector.extract_strided_slice %add3A_31 {offsets = [0, 0], sizes = [4102, 128], strides = [1, 1]} : vector<4146x128xf32> to vector<4102x128xf32>
    %roll3A_33 = arith.constant 14 : i32
    %roll3A_34 = tpu.dynamic_rotate %add3A_31 by %roll3A_33 dim 1 : vector<4146x128xf32>, i32 -> vector<4146x128xf32>
    %slice3A_35 = vector.extract_strided_slice %roll3A_34 {offsets = [43, 0], sizes = [4102, 128], strides = [1, 1]} : vector<4146x128xf32> to vector<4102x128xf32>
    %slice3A_36 = vector.extract_strided_slice %roll3A_34 {offsets = [44, 0], sizes = [4102, 128], strides = [1, 1]} : vector<4146x128xf32> to vector<4102x128xf32>
    %iota3A_37 = tpu.iota {dimensions = array<i32: 1>} : vector<4102x128xi32>
    %lt3A_38 = arith.constant 14 : i32
    %lt3A_39 = vector.broadcast %lt3A_38 : i32 to vector<4102x128xi32>
    %lt3A_40 = arith.cmpi slt, %iota3A_37, %lt3A_39 : vector<4102x128xi32>
    %select_n3A_41 = arith.select %lt3A_40, %slice3A_35, %slice3A_36 : vector<4102x128xi1>, vector<4102x128xf32>
    %add3A_42 = arith.addf %slice3A_32, %select_n3A_41 : vector<4102x128xf32>
    %slice3A_43 = vector.extract_strided_slice %add3A_42 {offsets = [0, 0], sizes = [4100, 128], strides = [1, 1]} : vector<4102x128xf32> to vector<4100x128xf32>
    %roll3A_44 = arith.constant 75 : i32
    %roll3A_45 = tpu.dynamic_rotate %add3A_42 by %roll3A_44 dim 1 : vector<4102x128xf32>, i32 -> vector<4102x128xf32>
    %slice3A_46 = vector.extract_strided_slice %roll3A_45 {offsets = [0, 0], sizes = [4100, 128], strides = [1, 1]} : vector<4102x128xf32> to vector<4100x128xf32>
    %slice3A_47 = vector.extract_strided_slice %roll3A_45 {offsets = [1, 0], sizes = [4100, 128], strides = [1, 1]} : vector<4102x128xf32> to vector<4100x128xf32>
    %iota3A_48 = tpu.iota {dimensions = array<i32: 1>} : vector<4100x128xi32>
    %lt3A_49 = arith.constant 75 : i32
    %lt3A_50 = vector.broadcast %lt3A_49 : i32 to vector<4100x128xi32>
    %lt3A_51 = arith.cmpi slt, %iota3A_48, %lt3A_50 : vector<4100x128xi32>
    %select_n3A_52 = arith.select %lt3A_51, %slice3A_46, %slice3A_47 : vector<4100x128xi1>, vector<4100x128xf32>
    %add3A_53 = arith.addf %slice3A_43, %select_n3A_52 : vector<4100x128xf32>
    %slice3A_54 = vector.extract_strided_slice %add3A_53 {offsets = [0, 0], sizes = [4099, 128], strides = [1, 1]} : vector<4100x128xf32> to vector<4099x128xf32>
    %roll3A_55 = arith.constant 22 : i32
    %roll3A_56 = tpu.dynamic_rotate %add3A_53 by %roll3A_55 dim 1 : vector<4100x128xf32>, i32 -> vector<4100x128xf32>
    %slice3A_57 = vector.extract_strided_slice %roll3A_56 {offsets = [0, 0], sizes = [4099, 128], strides = [1, 1]} : vector<4100x128xf32> to vector<4099x128xf32>
    %slice3A_58 = vector.extract_strided_slice %roll3A_56 {offsets = [1, 0], sizes = [4099, 128], strides = [1, 1]} : vector<4100x128xf32> to vector<4099x128xf32>
    %iota3A_59 = tpu.iota {dimensions = array<i32: 1>} : vector<4099x128xi32>
    %lt3A_60 = arith.constant 22 : i32
    %lt3A_61 = vector.broadcast %lt3A_60 : i32 to vector<4099x128xi32>
    %lt3A_62 = arith.cmpi slt, %iota3A_59, %lt3A_61 : vector<4099x128xi32>
    %select_n3A_63 = arith.select %lt3A_62, %slice3A_57, %slice3A_58 : vector<4099x128xi1>, vector<4099x128xf32>
    %add3A_64 = arith.addf %slice3A_54, %select_n3A_63 : vector<4099x128xf32>
    %slice3A_65 = vector.extract_strided_slice %add3A_64 {offsets = [0, 0], sizes = [4097, 128], strides = [1, 1]} : vector<4099x128xf32> to vector<4097x128xf32>
    %roll3A_66 = arith.constant 127 : i32
    %roll3A_67 = tpu.dynamic_rotate %add3A_64 by %roll3A_66 dim 1 : vector<4099x128xf32>, i32 -> vector<4099x128xf32>
    %slice3A_68 = vector.extract_strided_slice %roll3A_67 {offsets = [0, 0], sizes = [4097, 128], strides = [1, 1]} : vector<4099x128xf32> to vector<4097x128xf32>
    %slice3A_69 = vector.extract_strided_slice %roll3A_67 {offsets = [1, 0], sizes = [4097, 128], strides = [1, 1]} : vector<4099x128xf32> to vector<4097x128xf32>
    %iota3A_70 = tpu.iota {dimensions = array<i32: 1>} : vector<4097x128xi32>
    %lt3A_71 = arith.constant 127 : i32
    %lt3A_72 = vector.broadcast %lt3A_71 : i32 to vector<4097x128xi32>
    %lt3A_73 = arith.cmpi slt, %iota3A_70, %lt3A_72 : vector<4097x128xi32>
    %select_n3A_74 = arith.select %lt3A_73, %slice3A_68, %slice3A_69 : vector<4097x128xi1>, vector<4097x128xf32>
    %add3A_75 = arith.addf %slice3A_65, %select_n3A_74 : vector<4097x128xf32>
    %slice3A_76 = vector.extract_strided_slice %add3A_75 {offsets = [0, 0], sizes = [4096, 128], strides = [1, 1]} : vector<4097x128xf32> to vector<4096x128xf32>
    %roll3A_77 = arith.constant 126 : i32
    %roll3A_78 = tpu.dynamic_rotate %add3A_75 by %roll3A_77 dim 1 : vector<4097x128xf32>, i32 -> vector<4097x128xf32>
    %slice3A_79 = vector.extract_strided_slice %roll3A_78 {offsets = [0, 0], sizes = [4096, 128], strides = [1, 1]} : vector<4097x128xf32> to vector<4096x128xf32>
    %slice3A_80 = vector.extract_strided_slice %roll3A_78 {offsets = [1, 0], sizes = [4096, 128], strides = [1, 1]} : vector<4097x128xf32> to vector<4096x128xf32>
    %iota3A_81 = tpu.iota {dimensions = array<i32: 1>} : vector<4096x128xi32>
    %lt3A_82 = arith.constant 126 : i32
    %lt3A_83 = vector.broadcast %lt3A_82 : i32 to vector<4096x128xi32>
    %lt3A_84 = arith.cmpi slt, %iota3A_81, %lt3A_83 : vector<4096x128xi32>
    %select_n3A_85 = arith.select %lt3A_84, %slice3A_79, %slice3A_80 : vector<4096x128xi1>, vector<4096x128xf32>
    %add3A_86 = arith.addf %slice3A_76, %select_n3A_85 : vector<4096x128xf32>
    %swap3A = arith.constant 0 : index
    %swap3A_87 = arith.constant 0 : index
    %swap3A_88 = vector.load %arg3[%swap3A, %swap3A_87] : memref<4096x128xf32, #tpu.memory_space<vmem>>, vector<4096x128xf32>
    tpu.vector_store %arg3[%swap3A, %swap3A_87], %add3A_86 {strides = array<i32>} : memref<4096x128xf32, #tpu.memory_space<vmem>>, vector<4096x128xf32>,
    return
  }
  func.func @transform_0(%arg0: i32) -> (i32, i32) {
    %c0_i32 = arith.constant 0 : i32
    %c0_i32_0 = arith.constant 0 : i32
    return %arg0, %c0_i32 : i32, i32
  }
  func.func @transform_1(%arg0: i32) -> (i32, i32) {
    %add3A = arith.constant 1 : i32
    %add3A_0 = arith.addi %arg0, %add3A : i32
    %c0_i32 = arith.constant 0 : i32
    %c0_i32_1 = arith.constant 0 : i32
    return %add3A_0, %c0_i32 : i32, i32
  }
  func.func @transform_2(%arg0: i32) -> (i32, i32) {
    %c0_i32 = arith.constant 0 : i32
    %c0_i32_0 = arith.constant 0 : i32
    return %arg0, %c0_i32 : i32, i32
  }
}

</mosaic_0001>

<sc_bundles>
// kernel: kernel.5.cloned.1.call-start
scs
__scs_entry_jumppad:
0x0: {  	(pc) =	sbr.rel $0x88, $3  }
0x1: {  	(tag) =	ssettag $0x0;
	lr =	simm.s32 $0x1  }
0x2: {  	[smem:$0x3F9D] =	sst lr;
	_ =	strace $0xD0000000  }
0x3: {  	_ = 	snop  }
0x4: {  	_ = 	snop  }
0x5: {  	_ = 	snop  }
0x6: {  	_ = 	snop  }
0x7: {  	_ = 	snop  }
__scs_overlays_trampoline_lowered:
0x8: {  	[smem:$0x3FAC] =	sst s0  }
0x9: {  	[smem:$0x3FAD] =	sst s1  }
0xa: {  	[smem:$0x3FAE] =	sst s2  }
0xb: {  	[smem:$0x3FAF] =	sst s3  }
0xc: {  	[smem:$0x3FB0] =	sst s4  }
0xd: {  	[smem:$0x3FB1] =	sst s5  }
0xe: {  	[smem:$0x3FB2] =	sst s6  }
0xf: {  	[smem:$0x3FB3] =	sst s7  }
0x10: {  	[smem:$0x3FB4] =	sst s8  }
0x11: {  	[smem:$0x3FB5] =	sst s9;
	s0 =	simm.s32 @!p0 $0x0  }
0x12: {  	s1 =	sld [smem:$0x3F9B];
	s0 =	simm.s32 @p0 $0x1  }
0x13: {  	[smem:$0x3FB6] =	sst s0;
	s0 =	simm.s32 @!p1 $0x0  }
0x14: {  	s2 =	sld [smem:$0x3F9A];
	s0 =	simm.s32 @p1 $0x1  }
0x15: {  	[smem:$0x3FB7] =	sst s0;
	s0 =	simm.s32 @!p2 $0x0  }
0x16: {  	s3 =	sld [smem:$0x3FDB];
	s0 =	simm.s32 @p2 $0x1  }
0x17: {  	s4 =	simm.s32 $0x1BF5;
	[smem:$0x3FB9] =	sst s0  }
0x18: {  	s0 =	sld [smem:$0x3F9C];
	_ =	swait.ge [sflag:s4], $0x0  }
0x19: {  	s7 =	sld [smem:$0x3F9D]  }
0x1a: {  	s8 =	sadd.s32 $0xFFFFE003, lr  }
0x1b: {  	s9 =	sadd.s32 $0xFFFFFEF7, lr;
	s5 =	simm.s32 $0xFFFFFFFF;
	p2 =	slt.u32 s8, $0xFFFFF086  }
0x1c: {  	p1 =	slt.u32 s9, $0xF7A;
	s5 =	simm.s32 @!p2 $0x0  }
0x1d: {  	s5 =	simm.s32 @p1 $0x1;
	p0 =	seq.s32 s7, s2  }
0x1e: {  	s7 =	smul.u32 @!p0 $0xF7A, s2;
	p2 =	seq.s32 @!p0 s5, $0x0  }
0x1f: {  	s9 =	smul.u32 $0xF7A, s1;
	s8 =	simm.s32 @!p0 $0x1BF5;
	p2 =	por !p2, p0  }
0x20: {  	[sflag:s8] =	ssyncset.s32 @!p0 $0xFFFFF086;
	s6 =	sadd.s32 @!p0 s3, s7;
	s7 =	simm.s32 @!p0 $0x108  }
0x21: {  	s3 =	sadd.s32 s3, s9;
	s6 =	sadd.s32 @!p0 $0x88, s6;
	s7 =	simm.s32 @p2 $0x1082  }
0x22: {  	[simem:s7], [sflag:s8] =	dma.local @!p0 [hbm:s6], $0xF7A  }
0x23: {  	s9 =	sor.u32 $0xD0000000, s2;
	s6 =	simm.s32 $0x108;
	_ =	swait.ge @!p0 [sflag:s8], $0x0  }
0x24: {  	s3 =	sadd.s32 $0x88, s3;
	s6 =	simm.s32 @!p1 $0x1082;
	[sflag:s4] =	ssyncset.s32 $0xFFFFF086  }
0x25: {  	[simem:s6], [sflag:s4] =	dma.local [hbm:s3], $0xF7A  }
0x26: {  	[smem:$0x3F9D] =	sst s1;
	(tag) =	ssettag s2;
	_ =	strace s9  }
0x27: {  	s1 =	sld [smem:$0x3FAD]  }
0x28: {  	s2 =	sld [smem:$0x3FAE]  }
0x29: {  	s4 =	sld [smem:$0x3FB0]  }
0x2a: {  	p0 =	seq.s32 s5, $0x0;
	s5 =	sld [smem:$0x3FB1]  }
0x2b: {  	s6 =	sld [smem:$0x3FB2]  }
0x2c: {  	s7 =	sld [smem:$0x3FB3]  }
0x2d: {  	s3 =	simm.s32 $0x108;
	s8 =	sld [smem:$0x3FB4]  }
0x2e: {  	s3 =	simm.s32 @!p0 $0x1082;
	s9 =	sld [smem:$0x3FB5]  }
0x2f: {  	lr =	sadd.s32 s0, s3;
	s0 =	sld [smem:$0x3FAC]  }
0x30: {  	s3 =	sld [smem:$0x3FAF]  }
0x31: {  	[smem:$0x3FB8] =	sst s10  }
0x32: {  	s10 =	sld [smem:$0x3FB6];
	_ =	sdelay $0x3  }
0x33: {  	p0 =	seq.s32 s10, $0x1;
	s10 =	sld [smem:$0x3FB8];
	_ =	sdelay $0x3  }
0x34: {  	[smem:$0x3FB8] =	sst s10  }
0x35: {  	s10 =	sld [smem:$0x3FB7];
	_ =	sdelay $0x3  }
0x36: {  	p1 =	seq.s32 s10, $0x1;
	s10 =	sld [smem:$0x3FB8];
	_ =	sdelay $0x3  }
0x37: {  	[smem:$0x3FB8] =	sst s10  }
0x38: {  	s10 =	sld [smem:$0x3FB9]  }
0x39: {  	_ = 	snop;
	(pc) =	sbr.ind lr, $3  }
0x3a: {  	_ = 	snop  }
0x3b: {  	_ = 	snop  }
0x3c: {  	p2 =	seq.s32 s10, $0x1;
	s10 =	sld [smem:$0x3FB8]  }
0x3d: {  	_ =	shalt  }
0x3e: {  	_ =	shalt  }
0x3f: {  	_ =	shalt  }
0x40: {  	_ =	shalt  }
0x41: {  	_ =	shalt  }
0x42: {  	_ =	shalt  }
0x43: {  	_ =	shalt  }
0x44: {  	_ =	shalt  }
0x45: {  	_ =	shalt  }
0x46: {  	_ =	shalt  }
0x47: {  	_ =	shalt  }
0x48: {  	_ =	shalt  }
0x49: {  	_ =	shalt  }
0x4a: {  	_ =	shalt  }
0x4b: {  	_ =	shalt  }
0x4c: {  	_ =	shalt  }
0x4d: {  	_ =	shalt  }
0x4e: {  	_ =	shalt  }
0x4f: {  	_ =	shalt  }
0x50: {  	_ =	shalt  }
0x51: {  	_ =	shalt  }
0x52: {  	_ =	shalt  }
0x53: {  	_ =	shalt  }
0x54: {  	_ =	shalt  }
0x55: {  	_ =	shalt  }
0x56: {  	_ =	shalt  }
0x57: {  	_ =	shalt  }
0x58: {  	_ =	shalt  }
0x59: {  	_ =	shalt  }
0x5a: {  	_ =	shalt  }
0x5b: {  	_ =	shalt  }
0x5c: {  	_ =	shalt  }
0x5d: {  	_ =	shalt  }
0x5e: {  	_ =	shalt  }
0x5f: {  	_ =	shalt  }
0x60: {  	_ =	shalt  }
0x61: {  	_ =	shalt  }
0x62: {  	_ =	shalt  }
0x63: {  	_ =	shalt  }
0x64: {  	_ =	shalt  }
0x65: {  	_ =	shalt  }
0x66: {  	_ =	shalt  }
0x67: {  	_ =	shalt  }
0x68: {  	_ =	shalt  }
0x69: {  	_ =	shalt  }
0x6a: {  	_ =	shalt  }
0x6b: {  	_ =	shalt  }
0x6c: {  	_ =	shalt  }
0x6d: {  	_ =	shalt  }
0x6e: {  	_ =	shalt  }
0x6f: {  	_ =	shalt  }
0x70: {  	_ =	shalt  }
0x71: {  	_ =	shalt  }
0x72: {  	_ =	shalt  }
0x73: {  	_ =	shalt  }
0x74: {  	_ =	shalt  }
0x75: {  	_ =	shalt  }
0x76: {  	_ =	shalt  }
0x77: {  	_ =	shalt  }
0x78: {  	_ =	shalt  }
0x79: {  	_ =	shalt  }
0x7a: {  	_ =	shalt  }
0x7b: {  	_ =	shalt  }
0x7c: {  	_ =	shalt  }
0x7d: {  	_ =	shalt  }
0x7e: {  	_ =	shalt  }
0x7f: {  	_ =	shalt  }
0x80: {  	_ =	shalt  }
0x81: {  	_ =	shalt  }
0x82: {  	_ =	shalt  }
0x83: {  	_ =	shalt  }
0x84: {  	_ =	shalt  }
0x85: {  	_ =	shalt  }
0x86: {  	_ =	shalt  }
0x87: {  	_ =	shalt  }
.Lfunc_end0:
.L_simem_size_0:
called_computation_lowered:
.L_overlay_start_0:
0x88: {  	s2 =	sld [smem:$0x3FD9]  }
0x89: {  	s3 =	sld [smem:$0x3FFE];
	_ =	sdelay $0x1  }
0x8a: {  	s1 =	srdreg.scid  }
0x8b: {  	s0 =	sand.u32 $0x1, s1  }
0x8c: {  	s17 =	sshll.u32 s0, $0xA;
	s2 =	sadd.s32 s3, s2  }
0x8d: {  	s2 =	sadd.s32 s2, s17  }
0x8e: {  	[smem:$0x3FC4] =	sst s2  }
0x8f: {  	_ = 	snop  }
0x90: {  	s2 =	sld [smem:$0x3FC7]  }
0x91: {  	s18 =	sld [smem:$0x3FC6];
	(tm) =	ssettm $0x1  }
0x92: {  	s4 =	sld [smem:$0x3FFB];
	_ =	sdelay $0x3  }
0x93: {  	_ =	strace s4  }
0x94: {  	s4 =	sld [smem:$0x3FFC];
	_ =	sdelay $0x3  }
0x95: {  	_ =	strace s4  }
0x96: {  	s4 =	sld [smem:$0x3FFD];
	_ =	sdelay $0x3  }
0x97: {  	_ =	strace s4  }
0x98: {  	_ =	strace $0x8FFFFFFF  }
0x99: {  	s19 =	sld [smem:$0x3FDB];
	_ =	sdelay $0x1  }
0x9a: {  	s5 =	simm.s32 $_scs_section_size  }
0x9b: {  	s6 =	simm.s32 $_size__tile_overlayer_lowered;
	s7 =	simm.s32 $_tile_overlayer_lowered  }
0x9c: {  	s22 =	simm.s32 $0x1BFF;
	s21 =	sshll.u32 s7, $0x1;
	s4 =	sadd.s32 s5, s19  }
0x9d: {  	s8 =	simm.s32 $0x0;
	s20 =	sshll.u32 s6, $0x1;
	s6 =	sadd.s32 s21, s4  }
0x9e: {  	[timem:s8], [sflag:s22] =	dma.local [hbm:s6], s20  }
0x9f: {  	_ =	swait.ge [sflag:s22], s20  }
0xa0: {  	s5 =	ssub.s32 $0x0, s20;
	[sflag:s22] =	ssyncset.done $0x0  }
0xa1: {  	[sflag:s22] =	ssyncadd.s32 s5;
	_ =	sdelay $0x1  }
0xa2: {  	s23 =	simm.s32 $0x1B8B  }
0xa3: {  	_ =	swait.ge [sflag:s23], $0x1  }
0xa4: {  	[sflag:s23] =	ssyncset.done $0x0  }
0xa5: {  	s25 =	simm.s32 $0x1B8E;
	s24 =	sld [smem:$0x3FFE];
	[sflag:s23] =	ssyncadd.s32 $0xFFFFFFFF  }
0xa6: {  	s26 =	simm.s32 $execute0_lowered;
	[smem:$0x3FD2] =	sst s25  }
0xa7: {  	s6 =	sshll.u32 s26, $0x1;
	_ =	strace $0x80000046;
	[dreg:$0x1] =	wrdreg $0xFFFFFFFF  }
0xa8: {  	s28 =	simm.s32 $_size_execute0_lowered;
	s4 =	sadd.s32 s4, s6;
	[dreg:$0x0] =	wrdreg $0x0  }
0xa9: {  	s6 =	sshll.u32 s28, $0x1;
	[dreg:$0x2] =	wrdreg s4  }
0xaa: {  	[dreg:$0x3] =	wrdreg s6  }
0xab: {  	[dreg:$0x4] =	wrdreg $0xC0  }
0xac: {  	_ =	task [dreg:s8], $0x5FFFF  }
0xad: {  	[dreg:$0x1] =	wrdreg $0xFFFFFFFF  }
0xae: {  	[dreg:$0x0] =	wrdreg $0x60  }
0xaf: {  	[dreg:$0x2] =	wrdreg s24  }
0xb0: {  	[dreg:$0x3] =	wrdreg s2  }
0xb1: {  	[dreg:$0x4] =	wrdreg s18  }
0xb2: {  	[dreg:$0x5] =	wrdreg $0x9  }
0xb3: {  	_ =	task.clear_ibuf [dreg:s8], $0x6FFFF;
	_ =	strace $0x90000046  }
0xb4: {  	s29 =	simm.s32 $0x9;
	_ =	strace $0x80000048  }
0xb5: {  	_ =	swait.ge [sflag:s29], $0x1  }
0xb6: {  	[sflag:s29] =	ssyncadd.s32 $0xFFFFFFFF  }
0xb7: {  	_ =	strace $0x90000048  }
0xb8: {  	_ =	sfence  }
0xb9: {  	s30 =	sld [smem:$0x0];
	_ =	sdelay $0x2  }
0xba: {  	s31 =	sshll.u32 s1, $0xD;
	s1 =	sshrl.u32 s1, $0x2  }
0xbb: {  	s3 =	sand.u32 $0x4000, s31;
	s1 =	sadd.s32 s1, s30  }
0xbc: {  	s0 =	sor.u32 s3, s0;
	s1 =	sshll.u32 s1, $0x11  }
0xbd: {  	s0 =	sor.u32 s1, s0  }
0xbe: {  	s0 =	sadd.s32 $0x8F2B, s0  }
0xbf: {  	[sflag:s0] =	ssyncadd.remote.s32 $0x1  }
0xc0: {  	_ =	sfence.sel $0xFFFF  }
0xc1: {  	[dreg:$0x0] =	wrdreg $0xFFFFFFFF;
	(pc) =	sbr.abs _section_cstart, $3  }
0xc2: {  	[dreg:$0x1] =	wrdreg $0xFFFFFFFF  }
0xc3: {  	_ =	task.clear_ibuf [dreg:s8], $0x2FFFF;
	_ =	strace $0x9FFFFFFF  }
0xc4: {  	(tm) =	ssettm $0x7FFFFFFF  }
0xc5: {  	_ =	shalt  }
tec
execute0_lowered:
.L_overlay_start_1:
0x0: {  	(tag) =	ssettag $0x1  }
0x1: {  	s5 =	rddreg [dreg:$0x0]  }
0x2: {  	s2 =	rddreg [dreg:$0x1]  }
0x3: {  	s3 =	rddreg [dreg:$0x2];
	s4 =	srdreg.scid  }
0x4: {  	s0 =	rddreg [dreg:$0x3];
	s1 =	stileid.u32;
	s11 =	simm.s32 $0x200  }
0x5: {  	s12 =	simm.s32 $0x400;
	s13 =	simm.s32 $0x600;
	s14 =	simm.s32 $0x800  }
0x6: {  	s15 =	simm.s32 $0x880;
	s16 =	simm.s32 $0x1;
	s17 =	simm.s32 $0x900  }
0x7: {  	s18 =	simm.s32 $0x2;
	s6 =	sand.u32 $0x1, s4;
	s4 =	simm.s32 $0x0  }
0x8: {  	s7 =	sshll.u32 s1, $0x7;
	s8 =	sshll.u32 s6, $0x6;
	s6 =	ssub.s32 $0x2, s6  }
0x9: {  	[smem:$0x7FF] =	sst s4;
	s7 =	sor.u32 s8, s7;
	s31 =	sshrl.u32 s6, $0x1  }
0xa: {  	_ =	strace $0x80000047;
	s9 =	sadd.s32 s7, s5;
	s10 =	ssub.s32 s6, s31  }
0xb: {  	s5 =	sadd.s32 $0x800, s9;
	s6 =	sadd.s32 $0x1000, s9;
	s7 =	sadd.s32 $0x1800, s9  }
0xc: {  	s8 =	sadd.s32 $0x2000, s9;
	s9 =	sadd.s32 $0x2800, s9;
	s10 =	smax.u32 s10, $0x1  }
.LBB2_1:
0xd: {  	[tilespmem:s4], [sflag:$0x1] =	stream.linear.gather [hbm4b:s5+s4], $0x200, $0x38;
	[tilespmem:$0xB00] =	vst v63  }
0xe: {  	_ = 	snop  }
0xf: {  	[tilespmem:s11], [sflag:$0x1] =	stream.linear.gather [hbm4b:s6+s4], $0x200, $0x38;
	[tilespmem:$0xB00] =	vst v63  }
0x10: {  	_ = 	snop  }
0x11: {  	[tilespmem:s12], [sflag:$0x1] =	stream.linear.gather [hbm4b:s7+s4], $0x200, $0x38;
	[tilespmem:$0xB00] =	vst v63  }
0x12: {  	_ = 	snop  }
0x13: {  	[tilespmem:s13], [sflag:$0x1] =	stream.linear.gather [hbm4b:s8+s4], $0x200, $0x38;
	[tilespmem:$0xB00] =	vst v63  }
0x14: {  	_ = 	snop  }
0x15: {  	[tilespmem:s14], [sflag:$0x1] =	stream.linear.gather [hbm4b:s2+s4], $0x4, $0x38;
	[tilespmem:$0xB00] =	vst v63  }
0x16: {  	_ = 	snop  }
0x17: {  	[tilespmem:s15], [sflag:$0x1] =	stream.linear.gather [hbm4b:s3+s4], $0x4, $0x38;
	[tilespmem:$0xB00] =	vst v63  }
0x18: {  	_ =	swait.ge [sflag:s16], $0x200  }
0x19: {  	[sflag:s16] =	ssyncset.done $0x0  }
0x1a: {  	[sflag:s16] =	ssyncadd.s32 $0xFFFFFE00  }
0x1b: {  	_ =	swait.ge [sflag:s16], $0x200  }
0x1c: {  	[sflag:s16] =	ssyncset.done $0x0  }
0x1d: {  	[sflag:s16] =	ssyncadd.s32 $0xFFFFFE00  }
0x1e: {  	_ =	swait.ge [sflag:s16], $0x200  }
0x1f: {  	[sflag:s16] =	ssyncset.done $0x0  }
0x20: {  	[sflag:s16] =	ssyncadd.s32 $0xFFFFFE00  }
0x21: {  	_ =	swait.ge [sflag:s16], $0x200  }
0x22: {  	[sflag:s16] =	ssyncset.done $0x0  }
0x23: {  	[sflag:s16] =	ssyncadd.s32 $0xFFFFFE00  }
0x24: {  	_ =	swait.ge [sflag:s16], $0x4  }
0x25: {  	[sflag:s16] =	ssyncset.done $0x0  }
0x26: {  	[sflag:s16] =	ssyncadd.s32 $0xFFFFFFFC  }
0x27: {  	_ =	swait.ge [sflag:s16], $0x4  }
0x28: {  	[sflag:s16] =	ssyncset.done $0x0  }
0x29: {  	[sflag:s16] =	ssyncadd.s32 $0xFFFFFFFC  }
0x2a: {  	v0 =	vld [tilespmem:$0x800];
	_ =	sdelay $0x1  }
0x2b: {  	v8 =	vld [tilespmem:$0x880]  }
0x2c: {  	v25 =	vld [tilespmem:$0x0]  }
0x2d: {  	v26 =	vld [tilespmem:$0x200]  }
0x2e: {  	v9 =	vld [tilespmem:$0x400];
	v1 =	vbroadcast v0, $0x0  }
0x2f: {  	v28 =	vld [tilespmem:$0x10];
	v24 =	vbroadcast v0, $0x1  }
0x30: {  	v11 =	vld [tilespmem:$0x600];
	(erf) = vrcp.f32 v1  }
0x31: {  	v12 =	vld [tilespmem:$0x210];
	v2 =	vbroadcast v0, $0x2;
	(erf) = vrcp.f32 v24  }
0x32: {  	v29 =	vld [tilespmem:$0x410]  }
0x33: {  	v15 =	vld [tilespmem:$0x610];
	(erf) = vrcp.f32 v2  }
0x34: {  	v16 =	vld [tilespmem:$0x20]  }
0x35: {  	v31 =	vld [tilespmem:$0x220];
	v7 =	vbroadcast v8, $0x0;
	v5 =	vbroadcast v8, $0x1  }
0x36: {  	v60 =	vld [tilespmem:$0x450];
	v3 =	vbroadcast v8, $0x2  }
0x37: {  	v39 =	vld [tilespmem:$0x230];
	v0 =	vbroadcast v0, $0x3;
	v1 =	vsub.f32 v25, v7;
	v10 =	vsub.f32 v26, v5  }
0x38: {  	v20 =	vld [tilespmem:$0x60];
	v9 =	vsub.f32 v9, v3;
	v14 =	vsub.f32 v28, v7  }
0x39: {  	v22 =	vld [tilespmem:$0x470];
	v12 =	vsub.f32 v12, v5;
	v16 =	vsub.f32 v16, v7;
	(erf) = vrcp.f32 v0;
	v6 =	vpop (erf)  }
0x3a: {  	v49 =	vld [tilespmem:$0x240];
	v36 =	vsub.f32 v31, v5;
	v27 =	vmul.f32 v1, v6;
	v4 =	vpop (erf);
	v14 =	vmul.f32 v14, v6  }
0x3b: {  	v21 =	vld [tilespmem:$0x260];
	v23 =	vsub.f32 v60, v3;
	v35 =	vmul.f32 v16, v6;
	v10 =	vmul.f32 v10, v4  }
0x3c: {  	v34 =	vld [tilespmem:$0x420];
	v16 =	vsub.f32 v39, v5;
	v2 =	vpop (erf);
	v12 =	vmul.f32 v12, v4;
	v0 =	vtrunc.f32 v27  }
0x3d: {  	v37 =	vld [tilespmem:$0x30];
	v25 =	vsub.f32 v20, v7;
	v9 =	vmul.f32 v9, v2;
	v14 =	vtrunc.f32 v14  }
0x3e: {  	v57 =	vld [tilespmem:$0x250];
	v22 =	vsub.f32 v22, v3;
	v47 =	vmul.f32 v16, v4;
	v26 =	vmul.f32 v23, v2  }
0x3f: {  	v17 =	vld [tilespmem:$0x620];
	v16 =	vsub.f32 v49, v5;
	v13 =	vcvt.f32.s32 v0;
	v0 =	vbroadcast v8, $0x3  }
0x40: {  	v19 =	vld [tilespmem:$0x630];
	v27 =	vsub.f32 v21, v5;
	v10 =	vtrunc.f32 v10;
	v30 =	vcvt.f32.s32 v14  }
0x41: {  	v48 =	vld [tilespmem:$0x40];
	v8 =	vsub.f32 v29, v3;
	v32 =	vtrunc.f32 v12;
	v9 =	vtrunc.f32 v9  }
0x42: {  	v55 =	vld [tilespmem:$0x50];
	v14 =	vsub.f32 v37, v7;
	v10 =	vcvt.f32.s32 v10;
	v56 =	vmul.f32 v16, v4  }
0x43: {  	v16 =	vsub.f32 v57, v5;
	v9 =	vcvt.f32.s32 v9;
	v11 =	vsub.f32 v11, v0  }
0x44: {  	v13 =	vmul.u32 $0x2458D, v13;
	v8 =	vmul.f32 v8, v2;
	v33 =	vsub.f32 v15, v0  }
0x45: {  	v44 =	vld [tilespmem:$0x430];
	v15 =	vsub.f32 v34, v3;
	v17 =	vsub.f32 v17, v0;
	v46 =	vmul.f32 v14, v6  }
0x46: {  	v1 =	vpop (erf);
	v53 =	vsub.f32 v19, v0;
	v14 =	vsub.f32 v48, v7;
	v16 =	vmul.f32 v16, v4  }
0x47: {  	v19 =	vsub.f32 v55, v7;
	v11 =	vmul.f32 v11, v1;
	v8 =	vtrunc.f32 v8  }
0x48: {  	v28 =	vld [tilespmem:$0x660];
	v10 =	vmul.u32 $0xAF9, v10;
	v12 =	vmul.f32 v33, v1;
	v40 =	vmul.f32 v15, v2  }
0x49: {  	v31 =	vld [tilespmem:$0x270];
	v9 =	vmul.u32 $0x35, v9;
	v43 =	vmul.f32 v17, v1;
	v14 =	vmul.f32 v14, v6  }
0x4a: {  	v17 =	vsub.f32 v44, v3;
	v61 =	vmul.f32 v19, v6;
	v19 =	vmul.f32 v25, v6  }
0x4b: {  	v54 =	vld [tilespmem:$0x640];
	v10 =	vadd.s32 v13, v10;
	v18 =	vcvt.f32.s32 v8;
	v16 =	vtrunc.f32 v16  }
0x4c: {  	v50 =	vld [tilespmem:$0x440];
	v11 =	vtrunc.f32 v11;
	v9 =	vadd.s32 v9, v10;
	v10 =	vcvt.f32.s32 v32  }
0x4d: {  	v20 =	vsub.f32 v28, v0;
	v12 =	vtrunc.f32 v12;
	v52 =	vmul.f32 v17, v2  }
0x4e: {  	v34 =	vsub.f32 v31, v5;
	v14 =	vtrunc.f32 v14;
	v16 =	vcvt.f32.s32 v16  }
0x4f: {  	v13 =	vmul.u32 $0x2458D, v30;
	v29 =	vtrunc.f32 v19;
	v32 =	vmul.f32 v20, v1  }
0x50: {  	v44 =	vld [tilespmem:$0x90];
	v17 =	vsub.f32 v54, v0;
	v20 =	vmul.f32 v34, v4;
	v11 =	vcvt.f32.s32 v11  }
0x51: {  	v38 =	vmul.u32 $0x35, v18;
	v12 =	vcvt.f32.s32 v12;
	v18 =	vsub.f32 v50, v3  }
0x52: {  	v30 =	vld [tilespmem:$0x70];
	v14 =	vcvt.f32.s32 v14;
	v10 =	vmul.u32 $0xAF9, v10;
	v17 =	vmul.f32 v17, v1  }
0x53: {  	v25 =	vld [tilespmem:$0x6A0];
	v39 =	vtrunc.f32 v20;
	v8 =	vadd.s32 v11, v9;
	v9 =	vtrunc.f32 v35  }
0x54: {  	v16 =	vmul.u32 $0xAF9, v16;
	v11 =	vmul.f32 v36, v4;
	v18 =	vmul.f32 v18, v2  }
0x55: {  	v14 =	vmul.u32 $0x2458D, v14;
	v49 =	vsub.f32 v44, v7;
	v9 =	vcvt.f32.s32 v9  }
0x56: {  	v10 =	vadd.s32 v13, v10;
	v13 =	vtrunc.f32 v40;
	v17 =	vtrunc.f32 v17  }
0x57: {  	v24 =	vld [tilespmem:$0x650];
	v19 =	vsub.f32 v30, v7;
	v40 =	vmul.f32 v22, v2;
	v11 =	vtrunc.f32 v11  }
0x58: {  	v54 =	vld [tilespmem:$0xA0];
	v30 =	vsub.f32 v25, v0;
	v13 =	vcvt.f32.s32 v13;
	v59 =	vtrunc.f32 v18  }
0x59: {  	v10 =	vadd.s32 v38, v10;
	v62 =	vcvt.f32.s32 v17;
	v17 =	vmul.f32 v27, v4  }
0x5a: {  	v23 =	vld [tilespmem:$0x280];
	v41 =	vmul.u32 $0x2458D, v9;
	v42 =	vcvt.f32.s32 v11;
	v11 =	vtrunc.f32 v43  }
0x5b: {  	v50 =	vld [tilespmem:$0x690];
	v9 =	vadd.s32 v12, v10;
	v10 =	vtrunc.f32 v46;
	v12 =	vtrunc.f32 v47  }
0x5c: {  	v18 =	vsub.f32 v24, v0;
	v19 =	vmul.f32 v19, v6;
	v11 =	vcvt.f32.s32 v11  }
0x5d: {  	v22 =	vsub.f32 v54, v7;
	v51 =	vcvt.f32.s32 v10;
	v12 =	vcvt.f32.s32 v12  }
0x5e: {  	v13 =	vmul.u32 $0x35, v13;
	v17 =	vtrunc.f32 v17;
	v18 =	vmul.f32 v18, v1  }
0x5f: {  	v35 =	vld [tilespmem:$0x670];
	v22 =	vmul.f32 v22, v6;
	v45 =	vmul.u32 $0xAF9, v42;
	v17 =	vcvt.f32.s32 v17  }
0x60: {  	v27 =	vld [tilespmem:$0xD0];
	v19 =	vtrunc.f32 v19;
	v42 =	vsub.f32 v23, v5;
	v23 =	vsub.f32 v50, v0  }
0x61: {  	v12 =	vmul.u32 $0xAF9, v12;
	v18 =	vtrunc.f32 v18;
	v37 =	vcvt.f32.s32 v19  }
0x62: {  	v43 =	vld [tilespmem:$0x680];
	v19 =	vtrunc.f32 v40;
	v15 =	vadd.s32 v41, v45;
	v18 =	vcvt.f32.s32 v18  }
0x63: {  	v24 =	vld [tilespmem:$0x290];
	v17 =	vmul.u32 $0xAF9, v17;
	v19 =	vcvt.f32.s32 v19;
	v21 =	vmul.f32 v42, v4  }
0x64: {  	v41 =	vsub.f32 v35, v0;
	v60 =	vmul.f32 v23, v1;
	v23 =	vmul.f32 v30, v1  }
0x65: {  	v57 =	vld [tilespmem:$0x4A0];
	v44 =	vsub.f32 v27, v7;
	v13 =	vadd.s32 v13, v15;
	v15 =	vmul.u32 $0x2458D, v51  }
0x66: {  	v10 =	vadd.s32 v11, v13;
	v11 =	vtrunc.f32 v52;
	v13 =	vmul.f32 v53, v1  }
0x67: {  	v31 =	vld [tilespmem:$0x6B0];
	v48 =	vsub.f32 v43, v0;
	v20 =	vmul.f32 v41, v1;
	v45 =	vtrunc.f32 v21  }
0x68: {  	v47 =	vld [tilespmem:$0x490];
	v52 =	vsub.f32 v24, v5;
	v53 =	vmul.f32 v49, v6;
	v11 =	vcvt.f32.s32 v11  }
0x69: {  	v35 =	vld [tilespmem:$0x2C0];
	v12 =	vadd.s32 v15, v12;
	v15 =	vtrunc.f32 v56;
	v51 =	vmul.f32 v48, v1  }
0x6a: {  	v24 =	vsub.f32 v57, v3;
	v13 =	vtrunc.f32 v13;
	v58 =	vcvt.f32.s32 v15  }
0x6b: {  	v19 =	vmul.u32 $0x35, v19;
	v15 =	vcvt.f32.s32 v59;
	v20 =	vtrunc.f32 v20  }
0x6c: {  	v21 =	vmul.f32 v52, v4;
	v28 =	vmul.f32 v24, v2;
	v24 =	vsub.f32 v31, v0  }
0x6d: {  	v11 =	vmul.u32 $0x35, v11;
	v46 =	vcvt.f32.s32 v20;
	v20 =	vsub.f32 v47, v3  }
0x6e: {  	v13 =	vcvt.f32.s32 v13;
	v25 =	vsub.f32 v35, v5;
	v21 =	vtrunc.f32 v21  }
0x6f: {  	v63 =	vld [tilespmem:$0x460];
	v24 =	vmul.f32 v24, v1;
	v11 =	vadd.s32 v11, v12;
	v20 =	vmul.f32 v20, v2  }
0x70: {  	v52 =	vld [tilespmem:$0x4E0];
	v12 =	vmul.u32 $0xAF9, v58;
	v59 =	vcvt.f32.s32 v21;
	v21 =	vtrunc.f32 v60  }
0x71: {  	v25 =	vmul.f32 v25, v4;
	v11 =	vadd.s32 v13, v11;
	v13 =	vtrunc.f32 v26  }
0x72: {  	v15 =	vmul.u32 $0x35, v15;
	v21 =	vcvt.f32.s32 v21;
	v24 =	vtrunc.f32 v24  }
0x73: {  	v12 =	vadd.s32 v14, v12;
	v14 =	vtrunc.f32 v61;
	v13 =	vcvt.f32.s32 v13  }
0x74: {  	v26 =	vld [tilespmem:$0x2B0];
	v12 =	vadd.s32 v15, v12;
	v14 =	vcvt.f32.s32 v14;
	v15 =	vsub.f32 v63, v3  }
0x75: {  	v20 =	vtrunc.f32 v20;
	v43 =	vtrunc.f32 v25;
	v27 =	vsub.f32 v52, v3;
	v63 =	vld [tilespmem:$0x4B0]  }
0x76: {  	v20 =	vcvt.f32.s32 v20;
	v14 =	vmul.u32 $0x2458D, v14;
	v15 =	vmul.f32 v15, v2  }
0x77: {  	v12 =	vadd.s32 v62, v12;
	v13 =	vmul.u32 $0x35, v13;
	v62 =	vtrunc.f32 v22  }
0x78: {  	v33 =	vld [tilespmem:$0x80];
	v20 =	vmul.u32 $0x35, v20;
	v14 =	vadd.s32 v14, v16;
	v15 =	vtrunc.f32 v15  }
0x79: {  	v16 =	vcvt.f32.s32 v29;
	v15 =	vcvt.f32.s32 v15;
	v13 =	vadd.s32 v13, v14  }
0x7a: {  	v38 =	vld [tilespmem:$0x480];
	v14 =	vtrunc.f32 v32;
	v32 =	vsub.f32 v26, v5;
	v22 =	vsub.f32 v63, v3  }
0x7b: {  	v16 =	vmul.u32 $0x2458D, v16;
	v36 =	vcvt.f32.s32 v14;
	v14 =	vadd.s32 v18, v13  }
0x7c: {  	v18 =	vcvt.f32.s32 v39;
	v15 =	vmul.u32 $0x35, v15;
	v22 =	vmul.f32 v22, v2  }
0x7d: {  	v61 =	vld [tilespmem:$0xB0];
	v34 =	vmul.f32 v32, v4;
	v16 =	vadd.s32 v16, v17;
	v17 =	vsub.f32 v33, v7  }
0x7e: {  	v18 =	vmul.u32 $0xAF9, v18;
	v15 =	vadd.s32 v15, v16;
	v22 =	vtrunc.f32 v22  }
0x7f: {  	v16 =	vsub.f32 v38, v3;
	v38 =	vcvt.f32.s32 v24;
	v24 =	vmul.f32 v44, v6  }
0x80: {  	v33 =	vld [tilespmem:$0xC0];
	v13 =	vadd.s32 v36, v15;
	v17 =	vmul.f32 v17, v6;
	v36 =	vtrunc.f32 v23  }
0x81: {  	v15 =	vmul.u32 $0x2458D, v37;
	v22 =	vcvt.f32.s32 v22;
	v16 =	vmul.f32 v16, v2  }
0x82: {  	v56 =	vld [tilespmem:$0x2A0];
	v29 =	vsub.f32 v61, v7;
	v24 =	vtrunc.f32 v24;
	v17 =	vtrunc.f32 v17  }
0x83: {  	v37 =	vld [tilespmem:$0x4C0];
	v15 =	vadd.s32 v15, v18;
	v18 =	vcvt.f32.s32 v45;
	v22 =	vmul.u32 $0x35, v22  }
0x84: {  	v24 =	vcvt.f32.s32 v24;
	v17 =	vcvt.f32.s32 v17;
	v15 =	vadd.s32 v19, v15  }
0x85: {  	v40 =	vld [tilespmem:$0x2D0];
	v16 =	vtrunc.f32 v16;
	v19 =	vtrunc.f32 v51;
	v26 =	vsub.f32 v33, v7  }
0x86: {  	v31 =	vld [tilespmem:$0x500];
	v18 =	vmul.u32 $0xAF9, v18;
	v16 =	vcvt.f32.s32 v16;
	v15 =	vadd.s32 v46, v15  }
0x87: {  	v55 =	vcvt.f32.s32 v19;
	v19 =	vsub.f32 v56, v5;
	v17 =	vmul.u32 $0x2458D, v17  }
0x88: {  	v24 =	vmul.u32 $0x2458D, v24;
	v26 =	vmul.f32 v26, v6;
	v23 =	vsub.f32 v37, v3  }
0x89: {  	v46 =	vld [tilespmem:$0x6D0];
	v19 =	vmul.f32 v19, v4;
	v17 =	vadd.s32 v17, v18;
	v18 =	vtrunc.f32 v53  }
0x8a: {  	v16 =	vmul.u32 $0x35, v16;
	v39 =	vtrunc.f32 v26;
	v23 =	vmul.f32 v23, v2  }
0x8b: {  	v26 =	vsub.f32 v40, v5;
	v40 =	vsub.f32 v31, v3;
	v58 =	vcvt.f32.s32 v18  }
0x8c: {  	v16 =	vadd.s32 v16, v17;
	v19 =	vtrunc.f32 v19;
	v41 =	vcvt.f32.s32 v39  }
0x8d: {  	v56 =	vld [tilespmem:$0x2F0];
	v18 =	vmul.u32 $0xAF9, v59;
	v19 =	vcvt.f32.s32 v19;
	v23 =	vtrunc.f32 v23  }
0x8e: {  	v26 =	vmul.f32 v26, v4;
	v51 =	vsub.f32 v46, v0;
	v17 =	vmul.u32 $0x2458D, v58  }
0x8f: {  	v16 =	vadd.s32 v55, v16;
	v23 =	vcvt.f32.s32 v23;
	v19 =	vmul.u32 $0xAF9, v19  }
0x90: {  	v50 =	vtrunc.f32 v26;
	v26 =	vmul.f32 v51, v1;
	v17 =	vadd.s32 v17, v18  }
0x91: {  	v54 =	vld [tilespmem:$0xF0];
	v18 =	vcvt.f32.s32 v62;
	v17 =	vadd.s32 v20, v17;
	v20 =	vtrunc.f32 v28  }
0x92: {  	v47 =	vld [tilespmem:$0xE0];
	v55 =	vtrunc.f32 v26;
	v26 =	vsub.f32 v56, v5;
	v20 =	vcvt.f32.s32 v20  }
0x93: {  	v28 =	vld [tilespmem:$0x6C0];
	v17 =	vadd.s32 v21, v17;
	v18 =	vmul.u32 $0x2458D, v18;
	v21 =	vmul.f32 v29, v6  }
0x94: {  	v58 =	vmul.f32 v27, v2;
	v29 =	vld [tilespmem:$0x6E0];
	v26 =	vmul.f32 v26, v4;
	v20 =	vmul.u32 $0x35, v20  }
0x95: {  	v42 =	vld [tilespmem:$0x4D0];
	v21 =	vtrunc.f32 v21;
	v18 =	vadd.s32 v18, v19;
	v19 =	vtrunc.f32 v34  }
0x96: {  	v32 =	vld [tilespmem:$0x120];
	v23 =	vmul.u32 $0x35, v23;
	v21 =	vcvt.f32.s32 v21;
	v19 =	vcvt.f32.s32 v19  }
0x97: {  	v60 =	vld [tilespmem:$0x4F0];
	v26 =	vtrunc.f32 v26;
	v18 =	vadd.s32 v20, v18;
	v20 =	vcvt.f32.s32 v36  }
0x98: {  	v49 =	vld [tilespmem:$0x2E0];
	v45 =	vsub.f32 v28, v0;
	v28 =	vsub.f32 v47, v7;
	v36 =	vcvt.f32.s32 v26  }
0x99: {  	v21 =	vmul.u32 $0x2458D, v21;
	v19 =	vmul.u32 $0xAF9, v19;
	v29 =	vsub.f32 v29, v0  }
0x9a: {  	v62 =	vld [tilespmem:$0x100];
	v25 =	vmul.f32 v45, v1;
	v53 =	vmul.f32 v28, v6;
	v28 =	vsub.f32 v54, v7  }
0x9b: {  	v30 =	vld [tilespmem:$0x6F0];
	v54 =	vsub.f32 v32, v7;
	v19 =	vadd.s32 v21, v19;
	v21 =	vsub.f32 v42, v3  }
0x9c: {  	v59 =	vmul.f32 v29, v1;
	v29 =	vsub.f32 v60, v3;
	v22 =	vadd.s32 v22, v19  }
0x9d: {  	v39 =	vld [tilespmem:$0x700];
	v19 =	vadd.s32 v20, v18;
	v48 =	vtrunc.f32 v25;
	v25 =	vsub.f32 v49, v5  }
0x9e: {  	v47 =	vld [tilespmem:$0x510];
	v61 =	vmul.f32 v28, v6;
	v18 =	vadd.s32 v38, v22;
	v22 =	vcvt.f32.s32 v43  }
0x9f: {  	v34 =	vld [tilespmem:$0x300];
	v28 =	vsub.f32 v62, v7;
	v21 =	vmul.f32 v21, v2;
	v27 =	vtrunc.f32 v59  }
0xa0: {  	v37 =	vmul.f32 v29, v2;
	v38 =	vsub.f32 v30, v0;
	v30 =	vmul.f32 v40, v2  }
0xa1: {  	v44 =	vld [tilespmem:$0x310];
	v20 =	vmul.u32 $0x2458D, v41;
	v25 =	vmul.f32 v25, v4;
	v33 =	vcvt.f32.s32 v27  }
0xa2: {  	v29 =	vsub.f32 v39, v0;
	v28 =	vmul.f32 v28, v6;
	v21 =	vtrunc.f32 v21  }
0xa3: {  	v41 =	vld [tilespmem:$0x110];
	v52 =	vsub.f32 v47, v3;
	v26 =	vmul.f32 v38, v1;
	v46 =	vtrunc.f32 v30  }
0xa4: {  	v27 =	vsub.f32 v34, v5;
	v29 =	vmul.f32 v29, v1;
	v21 =	vcvt.f32.s32 v21  }
0xa5: {  	v22 =	vmul.u32 $0xAF9, v22;
	v57 =	vtrunc.f32 v25;
	v25 =	vtrunc.f32 v58  }
0xa6: {  	v43 =	vmul.f32 v27, v4;
	v28 =	vtrunc.f32 v28;
	v27 =	vsub.f32 v44, v5  }
0xa7: {  	v20 =	vadd.s32 v20, v22;
	v22 =	vcvt.f32.s32 v48;
	v25 =	vcvt.f32.s32 v25  }
0xa8: {  	v42 =	vtrunc.f32 v26;
	v28 =	vcvt.f32.s32 v28;
	v31 =	vsub.f32 v41, v7  }
0xa9: {  	v34 =	vld [tilespmem:$0x530];
	v29 =	vtrunc.f32 v29;
	v20 =	vadd.s32 v23, v20;
	v23 =	vcvt.f32.s32 v50  }
0xaa: {  	v21 =	vmul.u32 $0x35, v21;
	v26 =	vtrunc.f32 v43;
	v27 =	vmul.f32 v27, v4  }
0xab: {  	v50 =	vcvt.f32.s32 v29;
	v20 =	vadd.s32 v22, v20;
	v22 =	vtrunc.f32 v53  }
0xac: {  	v59 =	vld [tilespmem:$0x130];
	v63 =	vmul.u32 $0x35, v25;
	v25 =	vtrunc.f32 v37;
	v45 =	vcvt.f32.s32 v26  }
0xad: {  	v28 =	vmul.u32 $0x2458D, v28;
	v26 =	vcvt.f32.s32 v46;
	v48 =	vmul.f32 v31, v6  }
0xae: {  	v31 =	vmul.f32 v54, v6;
	v34 =	vsub.f32 v34, v3;
	v22 =	vcvt.f32.s32 v22  }
0xaf: {  	v53 =	vld [tilespmem:$0x710];
	v23 =	vmul.u32 $0xAF9, v23;
	v25 =	vcvt.f32.s32 v25;
	v27 =	vtrunc.f32 v27  }
0xb0: {  	v54 =	vld [tilespmem:$0x160];
	v26 =	vmul.u32 $0x35, v26;
	v27 =	vcvt.f32.s32 v27;
	v58 =	vtrunc.f32 v31  }
0xb1: {  	v31 =	vsub.f32 v59, v7;
	v40 =	vmul.f32 v34, v2;
	v23 =	vadd.s32 v24, v23  }
0xb2: {  	v24 =	vcvt.f32.s32 v55;
	v22 =	vmul.u32 $0x2458D, v22;
	v25 =	vmul.u32 $0x35, v25  }
0xb3: {  	v55 =	vmul.f32 v52, v2;
	v21 =	vadd.s32 v21, v23;
	v23 =	vcvt.f32.s32 v57  }
0xb4: {  	v60 =	vld [tilespmem:$0x330];
	v27 =	vmul.u32 $0xAF9, v27;
	v31 =	vmul.f32 v31, v6;
	v21 =	vadd.s32 v24, v21  }
0xb5: {  	v57 =	vld [tilespmem:$0x720];
	v24 =	vtrunc.f32 v61;
	v30 =	vsub.f32 v53, v0;
	v34 =	vsub.f32 v54, v7  }
0xb6: {  	v23 =	vmul.u32 $0xAF9, v23;
	v35 =	vcvt.f32.s32 v24;
	v31 =	vtrunc.f32 v31  }
0xb7: {  	v24 =	vmul.u32 $0xAF9, v36;
	v30 =	vmul.f32 v30, v1;
	v37 =	vcvt.f32.s32 v31  }
0xb8: {  	v31 =	vtrunc.f32 v40;
	v34 =	vmul.f32 v34, v6;
	v22 =	vadd.s32 v22, v23  }
0xb9: {  	v36 =	vld [tilespmem:$0x730];
	v23 =	vmul.u32 $0x2458D, v35;
	v31 =	vcvt.f32.s32 v31;
	v22 =	vadd.s32 v63, v22  }
0xba: {  	v35 =	vld [tilespmem:$0x340];
	v32 =	vsub.f32 v57, v0;
	v30 =	vtrunc.f32 v30;
	v63 =	vsub.f32 v60, v5  }
0xbb: {  	v43 =	vld [tilespmem:$0x740];
	v22 =	vadd.s32 v33, v22;
	v23 =	vadd.s32 v23, v24;
	v24 =	vcvt.f32.s32 v42  }
0xbc: {  	v51 =	vld [tilespmem:$0x520];
	v30 =	vcvt.f32.s32 v30;
	v23 =	vadd.s32 v25, v23;
	v25 =	vmul.u32 $0xAF9, v45  }
0xbd: {  	v33 =	vld [tilespmem:$0x320];
	v31 =	vmul.u32 $0x35, v31;
	v61 =	vmul.f32 v32, v1;
	v32 =	vmul.f32 v63, v4  }
0xbe: {  	v44 =	vld [tilespmem:$0x150];
	v41 =	vsub.f32 v36, v0;
	v23 =	vadd.s32 v24, v23;
	v25 =	vadd.s32 v28, v25  }
0xbf: {  	v28 =	vtrunc.f32 v48;
	v39 =	vtrunc.f32 v32;
	v42 =	vsub.f32 v35, v5  }
0xc0: {  	v36 =	vld [tilespmem:$0x350];
	v32 =	vmul.f32 v41, v1;
	v48 =	vsub.f32 v43, v0;
	v49 =	vadd.s32 v26, v25  }
0xc1: {  	v47 =	vld [tilespmem:$0x550];
	v28 =	vcvt.f32.s32 v28;
	v25 =	vtrunc.f32 v55;
	v26 =	vsub.f32 v51, v3  }
0xc2: {  	v24 =	vadd.s32 v50, v49;
	v56 =	vsub.f32 v33, v5;
	v25 =	vcvt.f32.s32 v25  }
0xc3: {  	v33 =	vmul.f32 v42, v4;
	v32 =	vtrunc.f32 v32;
	v49 =	vsub.f32 v44, v7  }
0xc4: {  	v57 =	vld [tilespmem:$0x560];
	v51 =	vmul.f32 v48, v1;
	v28 =	vmul.u32 $0x2458D, v28;
	v26 =	vmul.f32 v26, v2  }
0xc5: {  	v46 =	vcvt.f32.s32 v32;
	v52 =	vsub.f32 v36, v5;
	v29 =	vmul.f32 v56, v4  }
0xc6: {  	v50 =	vld [tilespmem:$0x750];
	v32 =	vsub.f32 v47, v3;
	v45 =	vtrunc.f32 v33;
	v53 =	vmul.f32 v49, v6  }
0xc7: {  	v27 =	vadd.s32 v28, v27;
	v28 =	vcvt.f32.s32 v58;
	v26 =	vtrunc.f32 v26  }
0xc8: {  	v25 =	vmul.u32 $0x35, v25;
	v33 =	vmul.f32 v52, v4;
	v32 =	vmul.f32 v32, v2  }
0xc9: {  	v62 =	vld [tilespmem:$0x140];
	v36 =	vsub.f32 v57, v3;
	v29 =	vtrunc.f32 v29;
	v26 =	vcvt.f32.s32 v26  }
0xca: {  	v63 =	vld [tilespmem:$0x570];
	v25 =	vadd.s32 v25, v27;
	v27 =	vtrunc.f32 v61;
	v29 =	vcvt.f32.s32 v29  }
0xcb: {  	v28 =	vmul.u32 $0x2458D, v28;
	v27 =	vcvt.f32.s32 v27;
	v35 =	vsub.f32 v50, v0  }
0xcc: {  	v42 =	vld [tilespmem:$0x770];
	v33 =	vtrunc.f32 v33;
	v32 =	vtrunc.f32 v32;
	v29 =	vmul.u32 $0xAF9, v29  }
0xcd: {  	v38 =	vld [tilespmem:$0x540];
	v26 =	vmul.u32 $0x35, v26;
	v59 =	vcvt.f32.s32 v33;
	v60 =	vmul.f32 v35, v1  }
0xce: {  	v32 =	vcvt.f32.s32 v32;
	v28 =	vadd.s32 v28, v29;
	v29 =	vsub.f32 v62, v7  }
0xcf: {  	v33 =	vtrunc.f32 v60;
	v62 =	vtrunc.f32 v34;
	v34 =	vsub.f32 v63, v3  }
0xd0: {  	v28 =	vadd.s32 v26, v28;
	v26 =	vadd.s32 v30, v25;
	v30 =	vcvt.f32.s32 v39  }
0xd1: {  	v33 =	vcvt.f32.s32 v33;
	v39 =	vmul.f32 v36, v2;
	v36 =	vsub.f32 v42, v0  }
0xd2: {  	v61 =	vld [tilespmem:$0x170];
	v25 =	vadd.s32 v27, v28;
	v29 =	vmul.f32 v29, v6;
	v28 =	vsub.f32 v38, v3  }
0xd3: {  	v44 =	vld [tilespmem:$0x180];
	v27 =	vmul.u32 $0x2458D, v37;
	v34 =	vmul.f32 v34, v2;
	v36 =	vmul.f32 v36, v1  }
0xd4: {  	v56 =	vld [tilespmem:$0x360];
	v30 =	vmul.u32 $0xAF9, v30;
	v29 =	vtrunc.f32 v29;
	v28 =	vmul.f32 v28, v2  }
0xd5: {  	v32 =	vmul.u32 $0x35, v32;
	v37 =	vld [tilespmem:$0x760];
	v34 =	vtrunc.f32 v34;
	v29 =	vcvt.f32.s32 v29  }
0xd6: {  	v38 =	vld [tilespmem:$0x370];
	v27 =	vadd.s32 v27, v30;
	v30 =	vcvt.f32.s32 v45;
	v34 =	vcvt.f32.s32 v34  }
0xd7: {  	v40 =	vsub.f32 v61, v7;
	v36 =	vtrunc.f32 v36;
	v28 =	vtrunc.f32 v28  }
0xd8: {  	v27 =	vadd.s32 v31, v27;
	v31 =	vtrunc.f32 v51;
	v49 =	vcvt.f32.s32 v36  }
0xd9: {  	v29 =	vmul.u32 $0x2458D, v29;
	v30 =	vmul.u32 $0xAF9, v30;
	v28 =	vcvt.f32.s32 v28  }
0xda: {  	v55 =	vcvt.f32.s32 v31;
	v31 =	vsub.f32 v56, v5;
	v41 =	vsub.f32 v37, v0  }
0xdb: {  	v48 =	vld [tilespmem:$0x580];
	v27 =	vadd.s32 v46, v27;
	v43 =	vsub.f32 v38, v5;
	v38 =	vsub.f32 v44, v7  }
0xdc: {  	v51 =	vld [tilespmem:$0x390];
	v29 =	vadd.s32 v29, v30;
	v30 =	vtrunc.f32 v53;
	v31 =	vmul.f32 v31, v4  }
0xdd: {  	v46 =	vld [tilespmem:$0x380];
	v28 =	vmul.u32 $0x35, v28;
	v35 =	vmul.f32 v41, v1;
	v45 =	vmul.f32 v43, v4  }
0xde: {  	v34 =	vmul.u32 $0x35, v34;
	v38 =	vmul.f32 v38, v6;
	v58 =	vcvt.f32.s32 v30  }
0xdf: {  	v30 =	vmul.u32 $0xAF9, v59;
	v28 =	vadd.s32 v28, v29;
	v31 =	vtrunc.f32 v31  }
0xe0: {  	v57 =	vld [tilespmem:$0x790];
	v47 =	vtrunc.f32 v35;
	v35 =	vsub.f32 v48, v3;
	v50 =	vtrunc.f32 v38  }
0xe1: {  	v41 =	vld [tilespmem:$0x7A0];
	v38 =	vsub.f32 v51, v5;
	v28 =	vadd.s32 v55, v28;
	v29 =	vmul.u32 $0x2458D, v58  }
0xe2: {  	v31 =	vcvt.f32.s32 v31;
	v37 =	vsub.f32 v46, v5;
	v52 =	vcvt.f32.s32 v50  }
0xe3: {  	v35 =	vmul.f32 v35, v2;
	v38 =	vmul.f32 v38, v4;
	v29 =	vadd.s32 v29, v30  }
0xe4: {  	v43 =	vld [tilespmem:$0x3C0];
	v30 =	vcvt.f32.s32 v62;
	v31 =	vmul.u32 $0xAF9, v31;
	v37 =	vmul.f32 v37, v4  }
0xe5: {  	v62 =	vsub.f32 v57, v0;
	v29 =	vadd.s32 v32, v29;
	v32 =	vtrunc.f32 v39  }
0xe6: {  	v63 =	vld [tilespmem:$0x5A0];
	v41 =	vsub.f32 v41, v0;
	v35 =	vtrunc.f32 v35;
	v61 =	vtrunc.f32 v38  }
0xe7: {  	v46 =	vld [tilespmem:$0x1B0];
	v29 =	vadd.s32 v33, v29;
	v32 =	vcvt.f32.s32 v32;
	v33 =	vmul.f32 v40, v6  }
0xe8: {  	v39 =	vld [tilespmem:$0x190];
	v30 =	vmul.u32 $0x2458D, v30;
	v54 =	vtrunc.f32 v37;
	v35 =	vcvt.f32.s32 v35  }
0xe9: {  	v58 =	vld [tilespmem:$0x1A0];
	v38 =	vmul.f32 v62, v1;
	v62 =	vsub.f32 v43, v5;
	v32 =	vmul.u32 $0x35, v32  }
0xea: {  	v40 =	vld [tilespmem:$0x780];
	v33 =	vtrunc.f32 v33;
	v30 =	vadd.s32 v30, v31;
	v31 =	vtrunc.f32 v45  }
0xeb: {  	v35 =	vmul.u32 $0x35, v35;
	v45 =	vtrunc.f32 v38;
	v33 =	vcvt.f32.s32 v33  }
0xec: {  	v53 =	vld [tilespmem:$0x590];
	v38 =	vsub.f32 v46, v7;
	v31 =	vcvt.f32.s32 v31;
	v48 =	vcvt.f32.s32 v45  }
0xed: {  	v30 =	vadd.s32 v32, v30;
	v32 =	vcvt.f32.s32 v47;
	v55 =	vsub.f32 v39, v7  }
0xee: {  	v39 =	vsub.f32 v63, v3;
	v33 =	vmul.u32 $0x2458D, v33;
	v31 =	vmul.u32 $0xAF9, v31  }
0xef: {  	v60 =	vld [tilespmem:$0x3A0];
	v38 =	vmul.f32 v38, v6;
	v56 =	vsub.f32 v40, v0;
	v40 =	vsub.f32 v58, v7  }
0xf0: {  	v42 =	vld [tilespmem:$0x1C0];
	v36 =	vmul.f32 v55, v6;
	v39 =	vmul.f32 v39, v2;
	v31 =	vadd.s32 v33, v31  }
0xf1: {  	v47 =	vld [tilespmem:$0x3B0];
	v37 =	vmul.f32 v56, v1;
	v33 =	vsub.f32 v53, v3;
	v44 =	vmul.f32 v40, v6  }
0xf2: {  	v34 =	vadd.s32 v34, v31;
	v31 =	vadd.s32 v32, v30;
	v36 =	vtrunc.f32 v36  }
0xf3: {  	v32 =	vmul.u32 $0x2458D, v52;
	v51 =	vtrunc.f32 v39;
	v52 =	vmul.f32 v41, v1  }
0xf4: {  	v55 =	vld [tilespmem:$0x5C0];
	v30 =	vadd.s32 v49, v34;
	v34 =	vcvt.f32.s32 v54;
	v59 =	vtrunc.f32 v37  }
0xf5: {  	v46 =	vld [tilespmem:$0x3D0];
	v58 =	vsub.f32 v42, v7;
	v36 =	vcvt.f32.s32 v36;
	v33 =	vmul.f32 v33, v2  }
0xf6: {  	v37 =	vsub.f32 v60, v5;
	v40 =	vsub.f32 v47, v5;
	v54 =	vtrunc.f32 v38  }
0xf7: {  	v53 =	vld [tilespmem:$0x7B0];
	v60 =	vmul.f32 v58, v6;
	v39 =	vtrunc.f32 v52;
	v34 =	vmul.u32 $0xAF9, v34  }
0xf8: {  	v36 =	vmul.u32 $0x2458D, v36;
	v33 =	vtrunc.f32 v33;
	v37 =	vmul.f32 v37, v4  }
0xf9: {  	v39 =	vcvt.f32.s32 v39;
	v40 =	vmul.f32 v40, v4;
	v38 =	vsub.f32 v55, v3  }
0xfa: {  	v45 =	vtrunc.f32 v60;
	v60 =	vsub.f32 v46, v5;
	v33 =	vcvt.f32.s32 v33  }
0xfb: {  	v52 =	vcvt.f32.s32 v45;
	v32 =	vadd.s32 v32, v34;
	v34 =	vcvt.f32.s32 v59  }
0xfc: {  	v57 =	vsub.f32 v53, v0;
	v37 =	vtrunc.f32 v37;
	v56 =	vtrunc.f32 v40  }
0xfd: {  	[tilespmem:$0x950] =	vst v14;
	v49 =	vld [tilespmem:$0x5B0];
	v14 =	vmul.f32 v60, v4;
	v32 =	vadd.s32 v35, v32;
	v35 =	vcvt.f32.s32 v61  }
0xfe: {  	v45 =	vld [tilespmem:$0x3E0];
	v33 =	vmul.u32 $0x35, v33;
	v50 =	vcvt.f32.s32 v37;
	v37 =	vcvt.f32.s32 v51  }
0xff: {  	[tilespmem:$0x920] =	vst v10;
	v59 =	vmul.f32 v57, v1;
	v10 =	vmul.u32 $0x2458D, v52;
	v32 =	vadd.s32 v34, v32  }
0x100: {  	v34 =	vtrunc.f32 v44;
	v43 =	vtrunc.f32 v14;
	v35 =	vmul.u32 $0xAF9, v35  }
0x101: {  	v34 =	vcvt.f32.s32 v34;
	v37 =	vmul.u32 $0x35, v37;
	v44 =	vtrunc.f32 v59  }
0x102: {  	v40 =	vld [tilespmem:$0x1E0];
	v51 =	vcvt.f32.s32 v44;
	v35 =	vadd.s32 v36, v35;
	v36 =	vsub.f32 v49, v3  }
0x103: {  	[tilespmem:$0x970] =	vst v15;
	v42 =	vld [tilespmem:$0x1F0];
	v15 =	vsub.f32 v45, v5;
	v34 =	vmul.u32 $0x2458D, v34;
	v49 =	vmul.f32 v38, v2  }
0x104: {  	v61 =	vld [tilespmem:$0x1D0];
	v33 =	vadd.s32 v33, v35;
	v35 =	vmul.u32 $0xAF9, v50;
	v36 =	vmul.f32 v36, v2  }
0x105: {  	v33 =	vadd.s32 v48, v33;
	v48 =	vmul.f32 v62, v4;
	v55 =	vtrunc.f32 v49  }
0x106: {  	v50 =	vld [tilespmem:$0x7C0];
	v34 =	vadd.s32 v34, v35;
	v35 =	vcvt.f32.s32 v54;
	v58 =	vcvt.f32.s32 v55  }
0x107: {  	v49 =	vsub.f32 v40, v7;
	v55 =	vmul.f32 v15, v4;
	v36 =	vtrunc.f32 v36  }
0x108: {  	[tilespmem:$0x900] =	vst v8;
	v53 =	vld [tilespmem:$0x5D0];
	v34 =	vadd.s32 v37, v34;
	v37 =	vcvt.f32.s32 v56;
	v54 =	vtrunc.f32 v48  }
0x109: {  	[tilespmem:$0x910] =	vst v9;
	v56 =	vsub.f32 v61, v7;
	v61 =	vld [tilespmem:$0x7D0];
	v7 =	vsub.f32 v42, v7;
	v34 =	vadd.s32 v39, v34  }
0x10a: {  	[tilespmem:$0x930] =	vst v11;
	v48 =	vld [tilespmem:$0x3F0];
	v36 =	vcvt.f32.s32 v36;
	v35 =	vmul.u32 $0x2458D, v35;
	v57 =	vcvt.f32.s32 v54  }
0x10b: {  	[tilespmem:$0x940] =	vst v12;
	v37 =	vmul.u32 $0xAF9, v37;
	v59 =	vmul.f32 v56, v6;
	v62 =	vsub.f32 v50, v0  }
0x10c: {  	[tilespmem:$0x960] =	vst v13;
	v11 =	vmul.u32 $0x35, v58;
	v63 =	vmul.u32 $0x35, v36;
	v9 =	vmul.u32 $0xAF9, v57  }
0x10d: {  	[tilespmem:$0x980] =	vst v16;
	v47 =	vadd.s32 v35, v37;
	v12 =	vtrunc.f32 v59;
	v41 =	vmul.f32 v62, v1  }
0x10e: {  	[tilespmem:$0x990] =	vst v17;
	v8 =	vadd.s32 v63, v47;
	v63 =	vsub.f32 v53, v3;
	v9 =	vadd.s32 v10, v9  }
0x10f: {  	[tilespmem:$0x9A0] =	vst v19;
	v12 =	vcvt.f32.s32 v12;
	v46 =	vsub.f32 v61, v0;
	v5 =	vsub.f32 v48, v5  }
0x110: {  	[tilespmem:$0x9B0] =	vst v18;
	v9 =	vadd.s32 v11, v9;
	v10 =	vtrunc.f32 v41;
	v11 =	vcvt.f32.s32 v43  }
0x111: {  	[tilespmem:$0x9C0] =	vst v20;
	v47 =	vld [tilespmem:$0x5E0];
	v8 =	vadd.s32 v51, v8;
	v44 =	vmul.f32 v63, v2;
	v16 =	vmul.f32 v46, v1  }
0x112: {  	[tilespmem:$0x9D0] =	vst v21;
	v52 =	vld [tilespmem:$0x5F0];
	v10 =	vcvt.f32.s32 v10;
	v12 =	vmul.u32 $0x2458D, v12;
	v4 =	vmul.f32 v5, v4  }
0x113: {  	[tilespmem:$0x9E0] =	vst v22;
	v53 =	vld [tilespmem:$0x7E0];
	v11 =	vmul.u32 $0xAF9, v11;
	v14 =	vtrunc.f32 v44;
	v51 =	vtrunc.f32 v16  }
0x114: {  	[tilespmem:$0x9F0] =	vst v23;
	v57 =	vld [tilespmem:$0x7F0];
	v9 =	vadd.s32 v10, v9;
	v10 =	vmul.f32 v49, v6;
	v6 =	vmul.f32 v7, v6  }
0x115: {  	[tilespmem:$0xA00] =	vst v24;
	v4 =	vtrunc.f32 v4;
	v14 =	vcvt.f32.s32 v14;
	v11 =	vadd.s32 v12, v11  }
0x116: {  	[tilespmem:$0xA10] =	vst v26;
	v13 =	vcvt.f32.s32 v51;
	v54 =	vsub.f32 v47, v3;
	v12 =	vtrunc.f32 v55  }
0x117: {  	[tilespmem:$0xA20] =	vst v25;
	v3 =	vsub.f32 v52, v3;
	v4 =	vcvt.f32.s32 v4;
	v10 =	vtrunc.f32 v10  }
0x118: {  	[tilespmem:$0xA30] =	vst v27;
	v7 =	vsub.f32 v53, v0;
	v12 =	vcvt.f32.s32 v12;
	v6 =	vtrunc.f32 v6  }
0x119: {  	[tilespmem:$0xA40] =	vst v28;
	v0 =	vsub.f32 v57, v0;
	v56 =	vmul.f32 v54, v2;
	v10 =	vcvt.f32.s32 v10  }
0x11a: {  	[tilespmem:$0xA50] =	vst v29;
	v50 =	vmul.u32 $0x35, v14;
	v2 =	vmul.f32 v3, v2;
	v7 =	vmul.f32 v7, v1  }
0x11b: {  	[tilespmem:$0xA60] =	vst v31;
	v60 =	vcvt.f32.s32 v6;
	v0 =	vmul.f32 v0, v1;
	v4 =	vmul.u32 $0xAF9, v4  }
0x11c: {  	[tilespmem:$0xA70] =	vst v30;
	v12 =	vmul.u32 $0xAF9, v12;
	v11 =	vadd.s32 v50, v11;
	v2 =	vtrunc.f32 v2  }
0x11d: {  	[tilespmem:$0xA80] =	vst v32;
	v11 =	vadd.s32 v13, v11;
	v13 =	vtrunc.f32 v56;
	v2 =	vcvt.f32.s32 v2  }
0x11e: {  	[tilespmem:$0xA90] =	vst v33;
	v58 =	vmul.u32 $0x2458D, v10;
	v5 =	vmul.u32 $0x2458D, v60;
	v59 =	vcvt.f32.s32 v13  }
0x11f: {  	[tilespmem:$0xAA0] =	vst v34;
	v62 =	vtrunc.f32 v7;
	v0 =	vtrunc.f32 v0;
	v2 =	vmul.u32 $0x35, v2  }
0x120: {  	[tilespmem:$0xAB0] =	vst v8;
	v0 =	vcvt.f32.s32 v0;
	v63 =	vadd.s32 v5, v4;
	v61 =	vmul.u32 $0x35, v59  }
0x121: {  	[tilespmem:$0xAC0] =	vst v9;
	v6 =	vcvt.f32.s32 v62;
	v3 =	vadd.s32 v58, v12;
	v2 =	vadd.s32 v2, v63  }
0x122: {  	[tilespmem:$0xAD0] =	vst v11;
	v1 =	vadd.s32 v61, v3;
	v0 =	vadd.s32 v0, v2  }
0x123: {  	p0 =	sne.s32 s10, $0x1;
	v1 =	vadd.s32 v6, v1;
	[tilespmem:$0xAF0] =	vst v0  }
.Ltmp0:
0x124: {  	[tilespmem:$0xAE0] =	vst v1;
	(pc) =	sbr.rel @p0 .LBB2_1-.Ltmp0, $4  }
0x125: {  	[hbm4b:s9+s4] =	stream.linear.scatter [tilespmem:s17], [sflag:$0x2], $0x200, $0x38;
	[tilespmem:$0xB00] =	vst v63  }
0x126: {  	_ =	swait.ge [sflag:s18], $0x200  }
0x127: {  	[sflag:s18] =	ssyncset.done $0x0  }
0x128: {  	s10 =	sadd.s32 $0xFFFFFFFF, s10;
	[sflag:s18] =	ssyncadd.s32 $0xFFFFFE00  }
0x129: {  	_ =	sfence.sel $0x180000  }
0x12a: {  	[bflag:$0x0] =	sbarrier.arrive $0xFFFF  }
0x12b: {  	p0 =	sne.s32 s1, $0x0;
	_ =	strace $0x90000047  }
0x12c: {  	s0 =	sadd.s32 @!p0 $0x100000, s0;
	[bflag:$0x2] =	sbarrier.arrive $0xFFFF  }
0x12d: {  	[sflag:s0] =	ssyncadd.tile.s32 @!p0 $0x1;
	_ =	shalt  }
.Lfunc_end2:
_tile_overlayer_lowered:
.L_overlay_start_2:
0x12e: {  	(tag) =	ssettag $0x2  }
0x12f: {  	s0 =	rddreg [dreg:$0x0];
	s2 =	stileid.u32  }
0x130: {  	s1 =	rddreg [dreg:$0x1];
	p0 =	sne.s32 s2, $0x0  }
0x131: {  	s3 =	rddreg [dreg:$0x2];
	[bflag:$0x3] =	sbarrier.arrive $0xFFFF;
	s2 =	simm.s32 @!p0 $0x1C02  }
0x132: {  	[timem:s3], [sflag:s2] =	dma.local @!p0 [hbm:s0], s1  }
0x133: {  	s0 =	simm.s32 @!p0 $0x2  }
0x134: {  	_ =	swait.ge @!p0 [sflag:s0], s1  }
0x135: {  	s1 =	ssub.s32 @!p0 $0x0, s1;
	[sflag:s0] =	ssyncset.done @!p0 $0x0  }
0x136: {  	[sflag:s0] =	ssyncadd.s32 @!p0 s1  }
0x137: {  	[bflag:$0x3] =	sbarrier.arrive $0xFFFF  }
0x138: {  	_ =	shalt  }

// kernel: kernel.8.cloned.1.call-start
scs
__scs_entry_jumppad:
0x0: {  	(pc) =	sbr.rel $0x88, $3  }
0x1: {  	(tag) =	ssettag $0x0;
	lr =	simm.s32 $0x1  }
0x2: {  	[smem:$0x3F9D] =	sst lr;
	_ =	strace $0xD0000000  }
0x3: {  	_ = 	snop  }
0x4: {  	_ = 	snop  }
0x5: {  	_ = 	snop  }
0x6: {  	_ = 	snop  }
0x7: {  	_ = 	snop  }
__scs_overlays_trampoline_lowered:
0x8: {  	[smem:$0x3FAC] =	sst s0  }
0x9: {  	[smem:$0x3FAD] =	sst s1  }
0xa: {  	[smem:$0x3FAE] =	sst s2  }
0xb: {  	[smem:$0x3FAF] =	sst s3  }
0xc: {  	[smem:$0x3FB0] =	sst s4  }
0xd: {  	[smem:$0x3FB1] =	sst s5  }
0xe: {  	[smem:$0x3FB2] =	sst s6  }
0xf: {  	[smem:$0x3FB3] =	sst s7  }
0x10: {  	[smem:$0x3FB4] =	sst s8  }
0x11: {  	[smem:$0x3FB5] =	sst s9;
	s0 =	simm.s32 @!p0 $0x0  }
0x12: {  	s1 =	sld [smem:$0x3F9B];
	s0 =	simm.s32 @p0 $0x1  }
0x13: {  	[smem:$0x3FB6] =	sst s0;
	s0 =	simm.s32 @!p1 $0x0  }
0x14: {  	s2 =	sld [smem:$0x3F9A];
	s0 =	simm.s32 @p1 $0x1  }
0x15: {  	[smem:$0x3FB7] =	sst s0;
	s0 =	simm.s32 @!p2 $0x0  }
0x16: {  	s3 =	sld [smem:$0x3FDB];
	s0 =	simm.s32 @p2 $0x1  }
0x17: {  	s4 =	simm.s32 $0x1BF5;
	[smem:$0x3FB9] =	sst s0  }
0x18: {  	s0 =	sld [smem:$0x3F9C];
	_ =	swait.ge [sflag:s4], $0x0  }
0x19: {  	s7 =	sld [smem:$0x3F9D]  }
0x1a: {  	s8 =	sadd.s32 $0xFFFFE003, lr  }
0x1b: {  	s9 =	sadd.s32 $0xFFFFFEF7, lr;
	s5 =	simm.s32 $0xFFFFFFFF;
	p2 =	slt.u32 s8, $0xFFFFF086  }
0x1c: {  	p1 =	slt.u32 s9, $0xF7A;
	s5 =	simm.s32 @!p2 $0x0  }
0x1d: {  	s5 =	simm.s32 @p1 $0x1;
	p0 =	seq.s32 s7, s2  }
0x1e: {  	s7 =	smul.u32 @!p0 $0xF7A, s2;
	p2 =	seq.s32 @!p0 s5, $0x0  }
0x1f: {  	s9 =	smul.u32 $0xF7A, s1;
	s8 =	simm.s32 @!p0 $0x1BF5;
	p2 =	por !p2, p0  }
0x20: {  	[sflag:s8] =	ssyncset.s32 @!p0 $0xFFFFF086;
	s6 =	sadd.s32 @!p0 s3, s7;
	s7 =	simm.s32 @!p0 $0x108  }
0x21: {  	s3 =	sadd.s32 s3, s9;
	s6 =	sadd.s32 @!p0 $0x88, s6;
	s7 =	simm.s32 @p2 $0x1082  }
0x22: {  	[simem:s7], [sflag:s8] =	dma.local @!p0 [hbm:s6], $0xF7A  }
0x23: {  	s9 =	sor.u32 $0xD0000000, s2;
	s6 =	simm.s32 $0x108;
	_ =	swait.ge @!p0 [sflag:s8], $0x0  }
0x24: {  	s3 =	sadd.s32 $0x88, s3;
	s6 =	simm.s32 @!p1 $0x1082;
	[sflag:s4] =	ssyncset.s32 $0xFFFFF086  }
0x25: {  	[simem:s6], [sflag:s4] =	dma.local [hbm:s3], $0xF7A  }
0x26: {  	[smem:$0x3F9D] =	sst s1;
	(tag) =	ssettag s2;
	_ =	strace s9  }
0x27: {  	s1 =	sld [smem:$0x3FAD]  }
0x28: {  	s2 =	sld [smem:$0x3FAE]  }
0x29: {  	s4 =	sld [smem:$0x3FB0]  }
0x2a: {  	p0 =	seq.s32 s5, $0x0;
	s5 =	sld [smem:$0x3FB1]  }
0x2b: {  	s6 =	sld [smem:$0x3FB2]  }
0x2c: {  	s7 =	sld [smem:$0x3FB3]  }
0x2d: {  	s3 =	simm.s32 $0x108;
	s8 =	sld [smem:$0x3FB4]  }
0x2e: {  	s3 =	simm.s32 @!p0 $0x1082;
	s9 =	sld [smem:$0x3FB5]  }
0x2f: {  	lr =	sadd.s32 s0, s3;
	s0 =	sld [smem:$0x3FAC]  }
0x30: {  	s3 =	sld [smem:$0x3FAF]  }
0x31: {  	[smem:$0x3FB8] =	sst s10  }
0x32: {  	s10 =	sld [smem:$0x3FB6];
	_ =	sdelay $0x3  }
0x33: {  	p0 =	seq.s32 s10, $0x1;
	s10 =	sld [smem:$0x3FB8];
	_ =	sdelay $0x3  }
0x34: {  	[smem:$0x3FB8] =	sst s10  }
0x35: {  	s10 =	sld [smem:$0x3FB7];
	_ =	sdelay $0x3  }
0x36: {  	p1 =	seq.s32 s10, $0x1;
	s10 =	sld [smem:$0x3FB8];
	_ =	sdelay $0x3  }
0x37: {  	[smem:$0x3FB8] =	sst s10  }
0x38: {  	s10 =	sld [smem:$0x3FB9]  }
0x39: {  	_ = 	snop;
	(pc) =	sbr.ind lr, $3  }
0x3a: {  	_ = 	snop  }
0x3b: {  	_ = 	snop  }
0x3c: {  	p2 =	seq.s32 s10, $0x1;
	s10 =	sld [smem:$0x3FB8]  }
0x3d: {  	_ =	shalt  }
0x3e: {  	_ =	shalt  }
0x3f: {  	_ =	shalt  }
0x40: {  	_ =	shalt  }
0x41: {  	_ =	shalt  }
0x42: {  	_ =	shalt  }
0x43: {  	_ =	shalt  }
0x44: {  	_ =	shalt  }
0x45: {  	_ =	shalt  }
0x46: {  	_ =	shalt  }
0x47: {  	_ =	shalt  }
0x48: {  	_ =	shalt  }
0x49: {  	_ =	shalt  }
0x4a: {  	_ =	shalt  }
0x4b: {  	_ =	shalt  }
0x4c: {  	_ =	shalt  }
0x4d: {  	_ =	shalt  }
0x4e: {  	_ =	shalt  }
0x4f: {  	_ =	shalt  }
0x50: {  	_ =	shalt  }
0x51: {  	_ =	shalt  }
0x52: {  	_ =	shalt  }
0x53: {  	_ =	shalt  }
0x54: {  	_ =	shalt  }
0x55: {  	_ =	shalt  }
0x56: {  	_ =	shalt  }
0x57: {  	_ =	shalt  }
0x58: {  	_ =	shalt  }
0x59: {  	_ =	shalt  }
0x5a: {  	_ =	shalt  }
0x5b: {  	_ =	shalt  }
0x5c: {  	_ =	shalt  }
0x5d: {  	_ =	shalt  }
0x5e: {  	_ =	shalt  }
0x5f: {  	_ =	shalt  }
0x60: {  	_ =	shalt  }
0x61: {  	_ =	shalt  }
0x62: {  	_ =	shalt  }
0x63: {  	_ =	shalt  }
0x64: {  	_ =	shalt  }
0x65: {  	_ =	shalt  }
0x66: {  	_ =	shalt  }
0x67: {  	_ =	shalt  }
0x68: {  	_ =	shalt  }
0x69: {  	_ =	shalt  }
0x6a: {  	_ =	shalt  }
0x6b: {  	_ =	shalt  }
0x6c: {  	_ =	shalt  }
0x6d: {  	_ =	shalt  }
0x6e: {  	_ =	shalt  }
0x6f: {  	_ =	shalt  }
0x70: {  	_ =	shalt  }
0x71: {  	_ =	shalt  }
0x72: {  	_ =	shalt  }
0x73: {  	_ =	shalt  }
0x74: {  	_ =	shalt  }
0x75: {  	_ =	shalt  }
0x76: {  	_ =	shalt  }
0x77: {  	_ =	shalt  }
0x78: {  	_ =	shalt  }
0x79: {  	_ =	shalt  }
0x7a: {  	_ =	shalt  }
0x7b: {  	_ =	shalt  }
0x7c: {  	_ =	shalt  }
0x7d: {  	_ =	shalt  }
0x7e: {  	_ =	shalt  }
0x7f: {  	_ =	shalt  }
0x80: {  	_ =	shalt  }
0x81: {  	_ =	shalt  }
0x82: {  	_ =	shalt  }
0x83: {  	_ =	shalt  }
0x84: {  	_ =	shalt  }
0x85: {  	_ =	shalt  }
0x86: {  	_ =	shalt  }
0x87: {  	_ =	shalt  }
.Lfunc_end0:
.L_simem_size_0:
called_computation.1_lowered:
.L_overlay_start_0:
0x88: {  	s2 =	sld [smem:$0x3FD9]  }
0x89: {  	s3 =	sld [smem:$0x3FFE];
	_ =	sdelay $0x1  }
0x8a: {  	s1 =	srdreg.scid  }
0x8b: {  	s0 =	sand.u32 $0x1, s1  }
0x8c: {  	s17 =	sshll.u32 s0, $0xA;
	s2 =	sadd.s32 s3, s2  }
0x8d: {  	s2 =	sadd.s32 s2, s17  }
0x8e: {  	[smem:$0x3FC4] =	sst s2  }
0x8f: {  	_ = 	snop  }
0x90: {  	s2 =	sld [smem:$0x3FD0];
	(tm) =	ssettm $0x1  }
0x91: {  	s18 =	sld [smem:$0x3FFB];
	_ =	sdelay $0x3  }
0x92: {  	_ =	strace s18  }
0x93: {  	s3 =	sld [smem:$0x3FFC];
	_ =	sdelay $0x3  }
0x94: {  	_ =	strace s3  }
0x95: {  	s3 =	sld [smem:$0x3FFD];
	_ =	sdelay $0x3  }
0x96: {  	_ =	strace s3  }
0x97: {  	_ =	strace $0x8FFFFFFF  }
0x98: {  	s19 =	sld [smem:$0x3FDB];
	_ =	sdelay $0x1  }
0x99: {  	s4 =	simm.s32 $_scs_section_size  }
0x9a: {  	s5 =	simm.s32 $_size__tile_overlayer_lowered;
	s6 =	simm.s32 $_tile_overlayer_lowered  }
0x9b: {  	s22 =	simm.s32 $0x1BFF;
	s21 =	sshll.u32 s6, $0x1;
	s3 =	sadd.s32 s4, s19  }
0x9c: {  	s7 =	simm.s32 $0x0;
	s20 =	sshll.u32 s5, $0x1;
	s5 =	sadd.s32 s21, s3  }
0x9d: {  	[timem:s7], [sflag:s22] =	dma.local [hbm:s5], s20  }
0x9e: {  	_ =	swait.ge [sflag:s22], s20  }
0x9f: {  	s4 =	ssub.s32 $0x0, s20;
	[sflag:s22] =	ssyncset.done $0x0  }
0xa0: {  	[sflag:s22] =	ssyncadd.s32 s4;
	_ =	sdelay $0x1  }
0xa1: {  	s23 =	simm.s32 $0x1B8B  }
0xa2: {  	_ =	swait.ge [sflag:s23], $0x1  }
0xa3: {  	[sflag:s23] =	ssyncset.done $0x0  }
0xa4: {  	s25 =	simm.s32 $0x1B8E;
	s24 =	sld [smem:$0x3FFE];
	[sflag:s23] =	ssyncadd.s32 $0xFFFFFFFF  }
0xa5: {  	s26 =	simm.s32 $execute0_lowered;
	[smem:$0x3FD2] =	sst s25  }
0xa6: {  	s5 =	sshll.u32 s26, $0x1;
	_ =	strace $0x80000049;
	[dreg:$0x1] =	wrdreg $0xFFFFFFFF  }
0xa7: {  	s28 =	simm.s32 $_size_execute0_lowered;
	s3 =	sadd.s32 s3, s5;
	[dreg:$0x0] =	wrdreg $0x0  }
0xa8: {  	s5 =	sshll.u32 s28, $0x1;
	[dreg:$0x2] =	wrdreg s3  }
0xa9: {  	[dreg:$0x3] =	wrdreg s5  }
0xaa: {  	[dreg:$0x4] =	wrdreg $0xC0  }
0xab: {  	_ =	task [dreg:s7], $0x5FFFF  }
0xac: {  	[dreg:$0x1] =	wrdreg $0xFFFFFFFF  }
0xad: {  	[dreg:$0x0] =	wrdreg $0x60  }
0xae: {  	[dreg:$0x2] =	wrdreg s24  }
0xaf: {  	[dreg:$0x3] =	wrdreg s2  }
0xb0: {  	[dreg:$0x4] =	wrdreg $0x9  }
0xb1: {  	_ =	task.clear_ibuf [dreg:s7], $0x5FFFF;
	_ =	strace $0x90000049  }
0xb2: {  	s29 =	simm.s32 $0x9;
	_ =	strace $0x8000004B  }
0xb3: {  	_ =	swait.ge [sflag:s29], $0x1  }
0xb4: {  	[sflag:s29] =	ssyncadd.s32 $0xFFFFFFFF  }
0xb5: {  	_ =	strace $0x9000004B  }
0xb6: {  	_ =	sfence  }
0xb7: {  	s30 =	sld [smem:$0x0];
	_ =	sdelay $0x2  }
0xb8: {  	s31 =	sshll.u32 s1, $0xD;
	s1 =	sshrl.u32 s1, $0x2  }
0xb9: {  	s3 =	sand.u32 $0x4000, s31;
	s1 =	sadd.s32 s1, s30  }
0xba: {  	s0 =	sor.u32 s3, s0;
	s1 =	sshll.u32 s1, $0x11  }
0xbb: {  	s0 =	sor.u32 s1, s0  }
0xbc: {  	s0 =	sadd.s32 $0x8F2B, s0  }
0xbd: {  	[sflag:s0] =	ssyncadd.remote.s32 $0x1  }
0xbe: {  	_ =	sfence.sel $0xFFFF  }
0xbf: {  	[dreg:$0x0] =	wrdreg $0xFFFFFFFF;
	(pc) =	sbr.abs _section_cstart, $3  }
0xc0: {  	[dreg:$0x1] =	wrdreg $0xFFFFFFFF  }
0xc1: {  	_ =	task.clear_ibuf [dreg:s7], $0x2FFFF;
	_ =	strace $0x9FFFFFFF  }
0xc2: {  	(tm) =	ssettm $0x7FFFFFFF  }
0xc3: {  	_ =	shalt  }
tec
execute0_lowered:
.L_overlay_start_1:
0x0: {  	(tag) =	ssettag $0x1  }
0x1: {  	s1 =	srdreg.scid  }
0x2: {  	s5 =	rddreg [dreg:$0x0];
	s0 =	stileid.u32;
	s14 =	sand.u32 $0x1, s1  }
0x3: {  	s15 =	rddreg [dreg:$0x1];
	s3 =	sshll.u32 s0, $0x7;
	s4 =	sshll.u32 s14, $0x6  }
0x4: {  	s2 =	simm.s32 $0x0;
	s1 =	rddreg [dreg:$0x2];
	s16 =	sor.u32 s4, s3  }
0x5: {  	[smem:$0x7FF] =	sst s2;
	s3 =	sadd.s32 s16, s5  }
0x6: {  	_ =	strace $0x8000004A;
	s4 =	sadd.s32 $0x2800, s3;
	s3 =	simm.s32 $0x2  }
0x7: {  	[tilespmem:s2], [sflag:$0x2] =	stream.linear.gather [hbm4b:s4+s2], $0x200, $0x38;
	[tilespmem:$0x400] =	vst v63  }
0x8: {  	_ =	swait.ge [sflag:s3], $0x200  }
0x9: {  	s6 =	simm.s32 $0x80;
	[sflag:s3] =	ssyncset.done $0x0  }
0xa: {  	s7 =	simm.s32 $0x200;
	s5 =	sadd.s32 $0x103000, s5;
	[sflag:s3] =	ssyncadd.s32 $0xFFFFFE00  }
0xb: {  	[tilespmem:s7], [sflag:$0x1] =	stream.indirect.gather [hbm4b:s5+s6], $0x1, s2, s6, $0xb8;
	[tilespmem:$0x400] =	vst v63  }
0xc: {  	s8 =	simm.s32 $0x280  }
0xd: {  	[tilespmem:s8], [sflag:$0x1] =	stream.indirect.gather [hbm4b:s5+s6], $0x1, s6, s6, $0xb8;
	[tilespmem:$0x400] =	vst v63  }
0xe: {  	s9 =	simm.s32 $0x100;
	s10 =	simm.s32 $0x300  }
0xf: {  	[tilespmem:s10], [sflag:$0x1] =	stream.indirect.gather [hbm4b:s5+s6], $0x1, s9, s6, $0xb8;
	[tilespmem:$0x400] =	vst v63  }
0x10: {  	s11 =	simm.s32 $0x180;
	s12 =	simm.s32 $0x380;
	s13 =	simm.s32 $0x1  }
0x11: {  	[tilespmem:s12], [sflag:$0x1] =	stream.indirect.gather [hbm4b:s5+s6], $0x1, s11, s6, $0xb8;
	[tilespmem:$0x400] =	vst v63  }
0x12: {  	_ =	swait.ge [sflag:s13], $0x80  }
0x13: {  	[sflag:s13] =	ssyncset.done $0x0  }
0x14: {  	[sflag:s13] =	ssyncadd.s32 $0xFFFFFF80  }
0x15: {  	_ =	swait.ge [sflag:s13], $0x80  }
0x16: {  	[sflag:s13] =	ssyncset.done $0x0  }
0x17: {  	s14 =	ssub.s32 $0x2, s14;
	[sflag:s13] =	ssyncadd.s32 $0xFFFFFF80  }
0x18: {  	s17 =	sshrl.u32 s14, $0x1;
	_ =	swait.ge [sflag:s13], $0x80  }
0x19: {  	s17 =	ssub.s32 s14, s17;
	[sflag:s13] =	ssyncset.done $0x0  }
0x1a: {  	s31 =	smax.u32 s17, $0x1;
	[sflag:s13] =	ssyncadd.s32 $0xFFFFFF80  }
0x1b: {  	p0 =	sne.s32 s31, $0x1;
	_ =	swait.ge [sflag:s13], $0x80  }
.Ltmp0:
0x1c: {  	[sflag:s13] =	ssyncset.done $0x0;
	(pc) =	sbr.rel @!p0 .LBB2_2-.Ltmp0, $4  }
0x1d: {  	s14 =	sadd.s32 s15, s16;
	[sflag:s13] =	ssyncadd.s32 $0xFFFFFF80  }
0x1e: {  	[hbm4b:s14+s2] =	stream.linear.scatter [tilespmem:s7], [sflag:$0x2], $0x200, $0x38;
	[tilespmem:$0x400] =	vst v63  }
0x1f: {  	_ =	swait.ge [sflag:s3], $0x200  }
0x20: {  	s15 =	sadd.s32 $0xFFFFFFFF, s31;
	[sflag:s3] =	ssyncset.done $0x0  }
.LBB2_1:
0x21: {  	p0 =	sne.s32 s15, $0x1;
	s15 =	sadd.s32 $0xFFFFFFFF, s15;
	[sflag:s3] =	ssyncadd.s32 $0xFFFFFE00  }
0x22: {  	[tilespmem:s2], [sflag:$0x2] =	stream.linear.gather [hbm4b:s4+s2], $0x200, $0x38;
	[tilespmem:$0x400] =	vst v63  }
0x23: {  	_ =	swait.ge [sflag:s3], $0x200  }
0x24: {  	[sflag:s3] =	ssyncset.done $0x0  }
0x25: {  	[sflag:s3] =	ssyncadd.s32 $0xFFFFFE00  }
0x26: {  	[tilespmem:s7], [sflag:$0x1] =	stream.indirect.gather [hbm4b:s5+s6], $0x1, s2, s6, $0xb8;
	[tilespmem:$0x400] =	vst v63  }
0x27: {  	_ = 	snop  }
0x28: {  	[tilespmem:s8], [sflag:$0x1] =	stream.indirect.gather [hbm4b:s5+s6], $0x1, s6, s6, $0xb8;
	[tilespmem:$0x400] =	vst v63  }
0x29: {  	_ = 	snop  }
0x2a: {  	[tilespmem:s10], [sflag:$0x1] =	stream.indirect.gather [hbm4b:s5+s6], $0x1, s9, s6, $0xb8;
	[tilespmem:$0x400] =	vst v63  }
0x2b: {  	_ = 	snop  }
0x2c: {  	[tilespmem:s12], [sflag:$0x1] =	stream.indirect.gather [hbm4b:s5+s6], $0x1, s11, s6, $0xb8;
	[tilespmem:$0x400] =	vst v63  }
0x2d: {  	_ =	swait.ge [sflag:s13], $0x80  }
0x2e: {  	[sflag:s13] =	ssyncset.done $0x0  }
0x2f: {  	[sflag:s13] =	ssyncadd.s32 $0xFFFFFF80  }
0x30: {  	_ =	swait.ge [sflag:s13], $0x80  }
0x31: {  	[sflag:s13] =	ssyncset.done $0x0  }
0x32: {  	[sflag:s13] =	ssyncadd.s32 $0xFFFFFF80  }
0x33: {  	_ =	swait.ge [sflag:s13], $0x80  }
0x34: {  	[sflag:s13] =	ssyncset.done $0x0  }
0x35: {  	[sflag:s13] =	ssyncadd.s32 $0xFFFFFF80  }
0x36: {  	_ =	swait.ge [sflag:s13], $0x80  }
.Ltmp1:
0x37: {  	[sflag:s13] =	ssyncset.done $0x0;
	(pc) =	sbr.rel @p0 .LBB2_1-.Ltmp1, $4  }
0x38: {  	[sflag:s13] =	ssyncadd.s32 $0xFFFFFF80  }
0x39: {  	[hbm4b:s14+s2] =	stream.linear.scatter [tilespmem:s7], [sflag:$0x2], $0x200, $0x38;
	[tilespmem:$0x400] =	vst v63  }
0x3a: {  	_ =	swait.ge [sflag:s3], $0x200  }
0x3b: {  	[sflag:s3] =	ssyncset.done $0x0  }
.LBB2_2:
0x3c: {  	[sflag:s3] =	ssyncadd.s32 $0xFFFFFE00  }
0x3d: {  	_ =	sfence.sel $0x180000  }
0x3e: {  	[bflag:$0x0] =	sbarrier.arrive $0xFFFF  }
0x3f: {  	p0 =	sne.s32 s0, $0x0;
	_ =	strace $0x9000004A  }
0x40: {  	s0 =	sadd.s32 @!p0 $0x100000, s1;
	[bflag:$0x2] =	sbarrier.arrive $0xFFFF  }
0x41: {  	[sflag:s0] =	ssyncadd.tile.s32 @!p0 $0x1;
	_ =	shalt  }
.Lfunc_end2:
_tile_overlayer_lowered:
.L_overlay_start_2:
0x42: {  	(tag) =	ssettag $0x2  }
0x43: {  	s0 =	rddreg [dreg:$0x0];
	s2 =	stileid.u32  }
0x44: {  	s1 =	rddreg [dreg:$0x1];
	p0 =	sne.s32 s2, $0x0  }
0x45: {  	s3 =	rddreg [dreg:$0x2];
	[bflag:$0x3] =	sbarrier.arrive $0xFFFF;
	s2 =	simm.s32 @!p0 $0x1C02  }
0x46: {  	[timem:s3], [sflag:s2] =	dma.local @!p0 [hbm:s0], s1  }
0x47: {  	s0 =	simm.s32 @!p0 $0x2  }
0x48: {  	_ =	swait.ge @!p0 [sflag:s0], s1  }
0x49: {  	s1 =	ssub.s32 @!p0 $0x0, s1;
	[sflag:s0] =	ssyncset.done @!p0 $0x0  }
0x4a: {  	[sflag:s0] =	ssyncadd.s32 @!p0 s1  }
0x4b: {  	[bflag:$0x3] =	sbarrier.arrive $0xFFFF  }
0x4c: {  	_ =	shalt  }

</sc_bundles>
